<compile_context>
chip_gen: v7x
topology: tpu7x:2x2x1
jax: 0.10.2.dev20260603
libtpu: 0.0.44.dev20260713+nightly
codegen_flags: <defaults>
</compile_context>

<pallas_src>
import jax
import jax.numpy as jnp
from jax import lax
from jax.experimental import pallas as pl
from jax.experimental.pallas import tpu as pltpu
from jax.experimental.pallas import tpu_sc as plsc

D = 128
NPAD = 10112
CHUNK = 128
NTILES = 32
ROWS_PER_TILE = NPAD // 16
BN = 632
N0CH = 150
N1CH = 8
TCH = 16 * (N0CH + N1CH)


def _make_sc_agg():
    mesh = plsc.VectorSubcoreMesh(core_axis_name="c", subcore_axis_name="s")

    scratch = [
        pltpu.VMEM((3, 2, CHUNK), jnp.int32),
        pltpu.VMEM((3, CHUNK, D), jnp.float32),
        pltpu.VMEM_SHARED((NPAD, D), jnp.float32),
        pltpu.SemaphoreType.DMA,
        pltpu.SemaphoreType.DMA,
    ]

    def body(x_hbm, edges_hbm, zfull_hbm, agg_out, idx_v, rows_v, agg_sh,
             isem, gsem):
        c = lax.axis_index("c")
        s = lax.axis_index("s")
        r0 = s * ROWS_PER_TILE
        start = jnp.where(c == 0, s * N0CH, 16 * N0CH + s * N1CH)
        cnt = jnp.where(c == 0, N0CH, N1CH)

        pltpu.sync_copy(zfull_hbm.at[pl.ds(r0, ROWS_PER_TILE)],
                        agg_sh.at[pl.ds(r0, ROWS_PER_TILE)])
        plsc.subcore_barrier()

        pltpu.sync_copy(edges_hbm.at[start], idx_v.at[0])

        @pl.when(cnt > 1)
        def _():
            pltpu.async_copy(edges_hbm.at[start + 1], idx_v.at[1], isem)

        @pl.when(cnt > 2)
        def _():
            pltpu.async_copy(edges_hbm.at[start + 2], idx_v.at[2], isem)

        pltpu.async_copy(x_hbm.at[idx_v.at[0, 0]], rows_v.at[0], gsem)

        def chunk_body(j, _):
            b = lax.rem(j, 3)

            @pl.when(j + 1 < cnt)
            def _():
                nb = lax.rem(j + 1, 3)
                pltpu.make_async_copy(edges_hbm.at[start], idx_v.at[0],
                                      isem).wait()
                pltpu.async_copy(x_hbm.at[idx_v.at[nb, 0]], rows_v.at[nb],
                                 gsem)

            pltpu.make_async_copy(x_hbm.at[idx_v.at[b, 0]], rows_v.at[b],
                                  gsem).wait()
            pltpu.sync_copy(rows_v.at[b], agg_sh.at[idx_v.at[b, 1]], add=True)

            @pl.when(j + 3 < cnt)
            def _():
                pltpu.async_copy(edges_hbm.at[start + j + 3], idx_v.at[b],
                                 isem)
            return 0
        lax.fori_loop(0, cnt, chunk_body, 0)
        plsc.subcore_barrier()

        pltpu.sync_copy(agg_sh.at[pl.ds(r0, ROWS_PER_TILE)],
                        agg_out.at[c, pl.ds(r0, ROWS_PER_TILE)])

    return pl.kernel(body,
                     out_type=jax.ShapeDtypeStruct((2, NPAD, D), jnp.float32),
                     mesh=mesh, scratch_types=scratch)


def _make_sc_deg(nch):
    mesh = plsc.VectorSubcoreMesh(core_axis_name="c", subcore_axis_name="s")

    scratch = [
        pltpu.VMEM((nch, CHUNK), jnp.int32),
        pltpu.VMEM((CHUNK, D), jnp.float32),
        pltpu.VMEM_SHARED((NPAD, D), jnp.float32),
    ]

    def body(dst_hbm, ones_hbm, zfull_hbm, deg_out, dst_v, ones_v, deg_sh):
        c = lax.axis_index("c")
        s = lax.axis_index("s")
        wid = c * 16 + s
        r0 = s * ROWS_PER_TILE

        pltpu.sync_copy(dst_hbm.at[wid], dst_v)
        pltpu.sync_copy(ones_hbm, ones_v)
        pltpu.sync_copy(zfull_hbm.at[pl.ds(r0, ROWS_PER_TILE)],
                        deg_sh.at[pl.ds(r0, ROWS_PER_TILE)])
        plsc.subcore_barrier()

        def chunk_body(j, _):
            pltpu.sync_copy(ones_v, deg_sh.at[dst_v.at[j]], add=True)
            return 0
        lax.fori_loop(0, nch, chunk_body, 0)
        plsc.subcore_barrier()

        pltpu.sync_copy(deg_sh.at[pl.ds(r0, ROWS_PER_TILE)],
                        deg_out.at[c, pl.ds(r0, ROWS_PER_TILE)])

    return pl.kernel(body,
                     out_type=jax.ShapeDtypeStruct((2, NPAD, D), jnp.float32),
                     mesh=mesh, scratch_types=scratch)


_DN = (((1,), (1,)), ((), ()))
_WSPEC = pl.BlockSpec((D, D), lambda i: (0, 0))
_BSPEC = pl.BlockSpec((1, D), lambda i: (0, 0))
_XSPEC = pl.BlockSpec((BN, D), lambda i: (i, 0))
_PSPEC = pl.BlockSpec((2, BN, D), lambda i: (0, i, 0))


def _tc_pre_body(x_ref, wr_ref, bl_ref, o_ref):
    o_ref[...] = (lax.dot_general(x_ref[...], wr_ref[...], _DN,
                                  preferred_element_type=jnp.float32)
                  + bl_ref[...])


def _tc_pre(x, wr, bl):
    return pl.pallas_call(
        _tc_pre_body,
        grid=(NPAD // BN,),
        in_specs=[_XSPEC, _WSPEC, _BSPEC],
        out_specs=_XSPEC,
        out_shape=jax.ShapeDtypeStruct((NPAD, D), jnp.float32),
    )(x, wr, bl.reshape(1, D))


def _agg_from(p_ref, dg_ref):
    deg = dg_ref[0, :, 0:1] + dg_ref[1, :, 0:1]
    inv = 1.0 / jnp.maximum(deg, 1.0)
    return (p_ref[0] + p_ref[1]) * inv


def _tc_post_body(p_ref, dg_ref, r_ref, wl_ref, o_ref):
    y = lax.dot_general(_agg_from(p_ref, dg_ref), wl_ref[...], _DN,
                        preferred_element_type=jnp.float32) + r_ref[...]
    o_ref[...] = jnp.maximum(y, 0.0)


def _tc_post(p, degp, r, wl):
    return pl.pallas_call(
        _tc_post_body,
        grid=(NPAD // BN,),
        in_specs=[_PSPEC, _PSPEC, _XSPEC, _WSPEC],
        out_specs=_XSPEC,
        out_shape=jax.ShapeDtypeStruct((NPAD, D), jnp.float32),
    )(p, degp, r, wl)


def _tc_ro_pre_body(x1_ref, x2_ref, w1_ref, w2_ref, b_ref, o_ref):
    z = lax.dot_general(x1_ref[...], w1_ref[...], _DN,
                        preferred_element_type=jnp.float32)
    z += lax.dot_general(x2_ref[...], w2_ref[...], _DN,
                         preferred_element_type=jnp.float32)
    o_ref[...] = z + b_ref[...]


def _tc_ro_pre(x1, x2, w1, w2, blin):
    return pl.pallas_call(
        _tc_ro_pre_body,
        grid=(NPAD // BN,),
        in_specs=[_XSPEC, _XSPEC, _WSPEC, _WSPEC, _BSPEC],
        out_specs=_XSPEC,
        out_shape=jax.ShapeDtypeStruct((NPAD, D), jnp.float32),
    )(x1, x2, w1, w2, blin.reshape(1, D))


def _tc_ro_post_body(p_ref, dg_ref, r_ref, wl_ref, z_ref, w3_ref, o_ref):
    x3 = lax.dot_general(_agg_from(p_ref, dg_ref), wl_ref[...], _DN,
                         preferred_element_type=jnp.float32) + r_ref[...]
    x3 = jnp.maximum(x3, 0.0)
    z = z_ref[...] + lax.dot_general(x3, w3_ref[...], _DN,
                                     preferred_element_type=jnp.float32)
    z -= jnp.max(z, axis=-1, keepdims=True)
    o_ref[...] = z - jnp.log(jnp.sum(jnp.exp(z), axis=-1, keepdims=True))


def _tc_ro_post(p3, degp, r3, wl3, z12, w3):
    return pl.pallas_call(
        _tc_ro_post_body,
        grid=(NPAD // BN,),
        in_specs=[_PSPEC, _PSPEC, _XSPEC, _WSPEC, _XSPEC, _WSPEC],
        out_specs=_XSPEC,
        out_shape=jax.ShapeDtypeStruct((NPAD, D), jnp.float32),
    )(p3, degp, r3, wl3, z12, w3)


def kernel(x0, edge_index, Wl1, bl1, Wr1, Wl2, bl2, Wr2, Wl3, bl3, Wr3,
           Wlin, blin):
    n, _ = x0.shape
    e = edge_index.shape[1]
    epad = TCH * CHUNK
    nch_deg = TCH // NTILES

    src = edge_index[0]
    dst = edge_index[1]
    srcp = jnp.concatenate([src, jnp.zeros((epad - e,), jnp.int32)])
    dstp = jnp.concatenate([dst, jnp.full((epad - e,), n, jnp.int32)])
    dst_t = dstp.reshape(NTILES, nch_deg, CHUNK)
    edges_t = jnp.concatenate(
        [srcp.reshape(TCH, 1, CHUNK), dstp.reshape(TCH, 1, CHUNK)], axis=1)

    xp = jnp.pad(x0, ((0, NPAD - n), (0, 0)))
    zfull = jnp.zeros((NPAD, D), jnp.float32)
    ones = jnp.ones((CHUNK, D), jnp.float32)

    sc_agg = _make_sc_agg()
    sc_deg = _make_sc_deg(nch_deg)

    w1 = Wlin[:, :D]
    w2 = Wlin[:, D:2 * D]
    w3 = Wlin[:, 2 * D:]

    degp = sc_deg(dst_t, ones, zfull)
    p1 = sc_agg(xp, edges_t, zfull)
    r1 = _tc_pre(xp, Wr1, bl1)
    x1 = _tc_post(p1, degp, r1, Wl1)
    p2 = sc_agg(x1, edges_t, zfull)
    r2 = _tc_pre(x1, Wr2, bl2)
    x2 = _tc_post(p2, degp, r2, Wl2)
    p3 = sc_agg(x2, edges_t, zfull)
    r3 = _tc_pre(x2, Wr3, bl3)
    z12 = _tc_ro_pre(x1, x2, w1, w2, blin)
    out = _tc_ro_post(p3, degp, r3, Wl3, z12, w3)
    return out[:n]

# --- scband reference (transcript-rebuilt; emitter-appended) ---
"""Pipeline reference for scband-net-52905407152434 (READ-ONLY COPY).

The authoritative reference and input builder live on the scoring server;
editing this copy changes nothing except your own understanding.
"""

import jax, jax.numpy as jnp
import numpy as np

N = 10000
E = 320000
D = 128
H = 128
OUT = 128


def _glorot(key, shape):
    fan_in = shape[-1]
    return jax.random.normal(key, shape, dtype=jnp.float32) / jnp.sqrt(jnp.float32(fan_in))


def setup_inputs(seed: int = 0) -> dict:
    key = jax.random.key(seed)
    ks = jax.random.split(key, 16)
    x0 = jax.random.normal(ks[0], (N, D), dtype=jnp.float32)
    edge_index = jax.random.randint(ks[1], (2, E), 0, N, dtype=jnp.int32)
    params = {}
    # SAGEConv i: lin_l (applied to aggregated neighbors, with bias), lin_r (applied to root, no bias)
    params["Wl1"] = _glorot(ks[2], (H, D)); params["bl1"] = jnp.zeros((H,), jnp.float32)
    params["Wr1"] = _glorot(ks[3], (H, D))
    params["Wl2"] = _glorot(ks[4], (H, H)); params["bl2"] = jnp.zeros((H,), jnp.float32)
    params["Wr2"] = _glorot(ks[5], (H, H))
    params["Wl3"] = _glorot(ks[6], (H, H)); params["bl3"] = jnp.zeros((H,), jnp.float32)
    params["Wr3"] = _glorot(ks[7], (H, H))
    params["Wlin"] = _glorot(ks[8], (OUT, 3 * H)); params["blin"] = jnp.zeros((OUT,), jnp.float32)
    return {"x0": x0, "edge_index": edge_index, **params}


def _sage_conv(x, src, dst, Wl, bl, Wr, n_nodes):
    # PyG SAGEConv with mean aggregation: out = lin_l(mean_{j in N(i)} x_j) + lin_r(x_i)
    msgs = jnp.take(x, src, axis=0)
    agg = jax.ops.segment_sum(msgs, dst, num_segments=n_nodes)
    deg = jax.ops.segment_sum(jnp.ones((src.shape[0],), x.dtype), dst, num_segments=n_nodes)
    agg = agg / jnp.clip(deg, 1.0, None)[:, None]
    return agg @ Wl.T + bl + x @ Wr.T


def reference(x0, edge_index, Wl1, bl1, Wr1, Wl2, bl2, Wr2, Wl3, bl3, Wr3, Wlin, blin):
    src = edge_index[0]
    dst = edge_index[1]
    n = x0.shape[0]
    # dropout is a no-op in eval mode
    x1 = jax.nn.relu(_sage_conv(x0, src, dst, Wl1, bl1, Wr1, n))
    x2 = jax.nn.relu(_sage_conv(x1, src, dst, Wl2, bl2, Wr2, n))
    x3 = jax.nn.relu(_sage_conv(x2, src, dst, Wl3, bl3, Wr3, n))
    x = jnp.concatenate([x1, x2, x3], axis=-1)
    x = x @ Wlin.T + blin
    # task_type == 'classification'
    return jax.nn.log_softmax(x, axis=-1)

if __name__ == "__main__":
    import jax
    _d = setup_inputs()
    print(jax.jit(kernel)(*tuple(_d.values())))

</pallas_src>

<mosaic_0001>
#map = affine_map<(d0, d1) -> (0, 0)>
#map1 = affine_map<(d0, d1) -> (0, 0, 0)>
module attributes {stable_mosaic.version = 14 : i64} {
  func.func @body(%arg0: i32, %arg1: i32, %arg2: memref<10112x128xf32, #tpu.memory_space<hbm>>, %arg3: memref<2528x2x128xi32, #tpu.memory_space<hbm>>, %arg4: memref<10112x128xf32, #tpu.memory_space<hbm>>, %arg5: memref<2x10112x128xf32, #tpu.memory_space<hbm>>, %arg6: memref<3x2x128xi32, #tpu.memory_space<vmem>>, %arg7: memref<3x128x128xf32, #tpu.memory_space<vmem>>, %arg8: memref<10112x128xf32, #tpu.memory_space<vmem_shared>>, %arg9: memref<!tpu.dma_semaphore, #tpu.memory_space<semaphore_mem>>, %arg10: memref<!tpu.dma_semaphore, #tpu.memory_space<semaphore_mem>>) attributes {dimension_semantics = [#tpu.dimension_semantics<core_parallel>, #tpu.dimension_semantics<subcore_parallel>], iteration_bounds = array<i64: 2, 16>, scalar_prefetch = 0 : i64, scratch_operands = 5 : i64, tpu.core_type = #tpu.core_type<sc_vector_subcore>, window_params = [{transform_indices = #map}, {transform_indices = #map1}, {transform_indices = #map}, {transform_indices = #map1}]} {
    %mul3A = arith.constant 632 : i32
    %mul3A_0 = arith.muli %arg1, %mul3A : i32
    %eq3A = arith.constant 0 : i32
    %eq3A_1 = arith.cmpi eq, %arg0, %eq3A : i32
    %mul3A_2 = arith.constant 150 : i32
    %mul3A_3 = arith.muli %arg1, %mul3A_2 : i32
    %mul3A_4 = arith.constant 8 : i32
    %mul3A_5 = arith.muli %arg1, %mul3A_4 : i32
    %add3A = arith.constant 2400 : i32
    %add3A_6 = arith.addi %add3A, %mul3A_5 : i32
    %select_n3A = arith.select %eq3A_1, %mul3A_3, %add3A_6 : i32
    %eq3A_7 = arith.constant 0 : i32
    %eq3A_8 = arith.cmpi eq, %arg0, %eq3A_7 : i32
    %jit3A = arith.constant 150 : i32
    %jit3A_9 = arith.constant 8 : i32
    %select_n3A_10 = arith.select %eq3A_8, %jit3A, %jit3A_9 : i32
    "tpu.region"() ({
      %run_scoped3A_42 = tpu.sem_alloc : memref<!tpu.dma_semaphore, #tpu.memory_space<semaphore_mem>>
      %dma_start3A_43 = arith.constant 0 : i32
      %dma_start3A_44 = tpu.memref_slice %arg8[%mul3A_0, %dma_start3A_43] : memref<10112x128xf32, #tpu.memory_space<vmem_shared>> -> memref<632x128xf32, #tpu.memory_space<vmem_shared>>
      %dma_start3A_45 = arith.constant 0 : i32
      %dma_start3A_46 = tpu.memref_slice %arg4[%mul3A_0, %dma_start3A_45] : memref<10112x128xf32, #tpu.memory_space<hbm>> -> memref<632x128xf32, #tpu.memory_space<hbm>>
      tpu.enqueue_dma source(%dma_start3A_46 : memref<632x128xf32, #tpu.memory_space<hbm>>) target(%dma_start3A_44 : memref<632x128xf32, #tpu.memory_space<vmem_shared>>) target_semaphore(%run_scoped3A_42 : memref<!tpu.dma_semaphore, #tpu.memory_space<semaphore_mem>>)
      %dma_wait3A = arith.constant 0 : i32
      %dma_wait3A_47 = tpu.memref_slice %arg8[%mul3A_0, %dma_wait3A] : memref<10112x128xf32, #tpu.memory_space<vmem_shared>> -> memref<632x128xf32, #tpu.memory_space<vmem_shared>>
      %dma_wait3A_48 = arith.constant 0 : i32
      %dma_wait3A_49 = tpu.memref_slice %arg4[%mul3A_0, %dma_wait3A_48] : memref<10112x128xf32, #tpu.memory_space<hbm>> -> memref<632x128xf32, #tpu.memory_space<hbm>>
      tpu.wait_dma2 semaphore(%run_scoped3A_42 : memref<!tpu.dma_semaphore, #tpu.memory_space<semaphore_mem>>) src(%dma_wait3A_49 : memref<632x128xf32, #tpu.memory_space<hbm>>) dst(%dma_wait3A_47 : memref<632x128xf32, #tpu.memory_space<vmem_shared>>)
      tpu.yield
    }) : () -> ()
    %barrier3A = arith.constant 0 : index
    tpu.barrier barrier_id(%barrier3A)
    %run_scoped3A = arith.constant 0 : i32
    "tpu.region"() ({
      %run_scoped3A_42 = tpu.sem_alloc : memref<!tpu.dma_semaphore, #tpu.memory_space<semaphore_mem>>
      %dma_start3A_43 = arith.constant 0 : i32
      %dma_start3A_44 = arith.constant 0 : i32
      %dma_start3A_45 = tpu.memref_slice %arg6[%run_scoped3A, %dma_start3A_43, %dma_start3A_44] : memref<3x2x128xi32, #tpu.memory_space<vmem>> -> memref<1x2x128xi32, #tpu.memory_space<vmem>>
      %dma_start3A_46 = tpu.memref_squeeze %dma_start3A_45 : memref<1x2x128xi32, #tpu.memory_space<vmem>> -> memref<2x128xi32, #tpu.memory_space<vmem>>
      %dma_start3A_47 = arith.constant 0 : i32
      %dma_start3A_48 = arith.constant 0 : i32
      %dma_start3A_49 = tpu.memref_slice %arg3[%select_n3A, %dma_start3A_47, %dma_start3A_48] : memref<2528x2x128xi32, #tpu.memory_space<hbm>> -> memref<1x2x128xi32, #tpu.memory_space<hbm>>
      %dma_start3A_50 = tpu.memref_squeeze %dma_start3A_49 : memref<1x2x128xi32, #tpu.memory_space<hbm>> -> memref<2x128xi32, #tpu.memory_space<hbm>>
      %dma_start3A_51 = arith.constant 0 : i32
      %dma_start3A_52 = arith.constant 0 : i32
      %dma_start3A_53 = tpu.memref_slice %arg6[%run_scoped3A, %dma_start3A_51, %dma_start3A_52] : memref<3x2x128xi32, #tpu.memory_space<vmem>> -> memref<1x2x128xi32, #tpu.memory_space<vmem>>
      %dma_start3A_54 = tpu.memref_squeeze %dma_start3A_53 : memref<1x2x128xi32, #tpu.memory_space<vmem>> -> memref<2x128xi32, #tpu.memory_space<vmem>>
      %dma_start3A_55 = arith.constant 0 : i32
      %dma_start3A_56 = arith.constant 0 : i32
      %dma_start3A_57 = tpu.memref_slice %arg3[%select_n3A, %dma_start3A_55, %dma_start3A_56] : memref<2528x2x128xi32, #tpu.memory_space<hbm>> -> memref<1x2x128xi32, #tpu.memory_space<hbm>>
      %dma_start3A_58 = tpu.memref_squeeze %dma_start3A_57 : memref<1x2x128xi32, #tpu.memory_space<hbm>> -> memref<2x128xi32, #tpu.memory_space<hbm>>
      tpu.enqueue_dma source(%dma_start3A_58 : memref<2x128xi32, #tpu.memory_space<hbm>>) target(%dma_start3A_54 : memref<2x128xi32, #tpu.memory_space<vmem>>) target_semaphore(%run_scoped3A_42 : memref<!tpu.dma_semaphore, #tpu.memory_space<semaphore_mem>>)
      %dma_wait3A = arith.constant 0 : i32
      %dma_wait3A_59 = arith.constant 0 : i32
      %dma_wait3A_60 = tpu.memref_slice %arg6[%run_scoped3A, %dma_wait3A, %dma_wait3A_59] : memref<3x2x128xi32, #tpu.memory_space<vmem>> -> memref<1x2x128xi32, #tpu.memory_space<vmem>>
      %dma_wait3A_61 = tpu.memref_squeeze %dma_wait3A_60 : memref<1x2x128xi32, #tpu.memory_space<vmem>> -> memref<2x128xi32, #tpu.memory_space<vmem>>
      %dma_wait3A_62 = arith.constant 0 : i32
      %dma_wait3A_63 = arith.constant 0 : i32
      %dma_wait3A_64 = tpu.memref_slice %arg3[%select_n3A, %dma_wait3A_62, %dma_wait3A_63] : memref<2528x2x128xi32, #tpu.memory_space<hbm>> -> memref<1x2x128xi32, #tpu.memory_space<hbm>>
      %dma_wait3A_65 = tpu.memref_squeeze %dma_wait3A_64 : memref<1x2x128xi32, #tpu.memory_space<hbm>> -> memref<2x128xi32, #tpu.memory_space<hbm>>
      %dma_wait3A_66 = arith.constant 0 : i32
      %dma_wait3A_67 = arith.constant 0 : i32
      %dma_wait3A_68 = tpu.memref_slice %arg6[%run_scoped3A, %dma_wait3A_66, %dma_wait3A_67] : memref<3x2x128xi32, #tpu.memory_space<vmem>> -> memref<1x2x128xi32, #tpu.memory_space<vmem>>
      %dma_wait3A_69 = tpu.memref_squeeze %dma_wait3A_68 : memref<1x2x128xi32, #tpu.memory_space<vmem>> -> memref<2x128xi32, #tpu.memory_space<vmem>>
      %dma_wait3A_70 = arith.constant 0 : i32
      %dma_wait3A_71 = arith.constant 0 : i32
      %dma_wait3A_72 = tpu.memref_slice %arg3[%select_n3A, %dma_wait3A_70, %dma_wait3A_71] : memref<2528x2x128xi32, #tpu.memory_space<hbm>> -> memref<1x2x128xi32, #tpu.memory_space<hbm>>
      %dma_wait3A_73 = tpu.memref_squeeze %dma_wait3A_72 : memref<1x2x128xi32, #tpu.memory_space<hbm>> -> memref<2x128xi32, #tpu.memory_space<hbm>>
      tpu.wait_dma2 semaphore(%run_scoped3A_42 : memref<!tpu.dma_semaphore, #tpu.memory_space<semaphore_mem>>) src(%dma_wait3A_73 : memref<2x128xi32, #tpu.memory_space<hbm>>) dst(%dma_wait3A_69 : memref<2x128xi32, #tpu.memory_space<vmem>>)
      tpu.yield
    }) : () -> ()
    %gt3A = arith.constant 1 : i32
    %gt3A_11 = arith.cmpi sgt, %select_n3A_10, %gt3A : i32
    %convert_element_type3A = arith.extui %gt3A_11 : i1 to i32
    %cond3A = arith.constant 0 : i32
    %cond3A_12 = arith.cmpi ne, %convert_element_type3A, %cond3A : i32
    scf.if %cond3A_12 {
      %add3A_42 = arith.constant 1 : i32
      %add3A_43 = arith.addi %select_n3A, %add3A_42 : i32
      %dma_start3A_44 = arith.constant 1 : i32
      %dma_start3A_45 = arith.constant 0 : i32
      %dma_start3A_46 = arith.constant 0 : i32
      %dma_start3A_47 = tpu.memref_slice %arg6[%dma_start3A_44, %dma_start3A_45, %dma_start3A_46] : memref<3x2x128xi32, #tpu.memory_space<vmem>> -> memref<1x2x128xi32, #tpu.memory_space<vmem>>
      %dma_start3A_48 = tpu.memref_squeeze %dma_start3A_47 : memref<1x2x128xi32, #tpu.memory_space<vmem>> -> memref<2x128xi32, #tpu.memory_space<vmem>>
      %dma_start3A_49 = arith.constant 0 : i32
      %dma_start3A_50 = arith.constant 0 : i32
      %dma_start3A_51 = tpu.memref_slice %arg3[%add3A_43, %dma_start3A_49, %dma_start3A_50] : memref<2528x2x128xi32, #tpu.memory_space<hbm>> -> memref<1x2x128xi32, #tpu.memory_space<hbm>>
      %dma_start3A_52 = tpu.memref_squeeze %dma_start3A_51 : memref<1x2x128xi32, #tpu.memory_space<hbm>> -> memref<2x128xi32, #tpu.memory_space<hbm>>
      %dma_start3A_53 = arith.constant 0 : i32
      %dma_start3A_54 = arith.constant 0 : i32
      %dma_start3A_55 = tpu.memref_slice %arg6[%dma_start3A_44, %dma_start3A_53, %dma_start3A_54] : memref<3x2x128xi32, #tpu.memory_space<vmem>> -> memref<1x2x128xi32, #tpu.memory_space<vmem>>
      %dma_start3A_56 = tpu.memref_squeeze %dma_start3A_55 : memref<1x2x128xi32, #tpu.memory_space<vmem>> -> memref<2x128xi32, #tpu.memory_space<vmem>>
      %dma_start3A_57 = arith.constant 0 : i32
      %dma_start3A_58 = arith.constant 0 : i32
      %dma_start3A_59 = tpu.memref_slice %arg3[%add3A_43, %dma_start3A_57, %dma_start3A_58] : memref<2528x2x128xi32, #tpu.memory_space<hbm>> -> memref<1x2x128xi32, #tpu.memory_space<hbm>>
      %dma_start3A_60 = tpu.memref_squeeze %dma_start3A_59 : memref<1x2x128xi32, #tpu.memory_space<hbm>> -> memref<2x128xi32, #tpu.memory_space<hbm>>
      tpu.enqueue_dma source(%dma_start3A_60 : memref<2x128xi32, #tpu.memory_space<hbm>>) target(%dma_start3A_56 : memref<2x128xi32, #tpu.memory_space<vmem>>) target_semaphore(%arg9 : memref<!tpu.dma_semaphore, #tpu.memory_space<semaphore_mem>>)
    } else {
    }
    %gt3A_13 = arith.constant 2 : i32
    %gt3A_14 = arith.cmpi sgt, %select_n3A_10, %gt3A_13 : i32
    %convert_element_type3A_15 = arith.extui %gt3A_14 : i1 to i32
    %cond3A_16 = arith.constant 0 : i32
    %cond3A_17 = arith.cmpi ne, %convert_element_type3A_15, %cond3A_16 : i32
    scf.if %cond3A_17 {
      %add3A_42 = arith.constant 2 : i32
      %add3A_43 = arith.addi %select_n3A, %add3A_42 : i32
      %dma_start3A_44 = arith.constant 2 : i32
      %dma_start3A_45 = arith.constant 0 : i32
      %dma_start3A_46 = arith.constant 0 : i32
      %dma_start3A_47 = tpu.memref_slice %arg6[%dma_start3A_44, %dma_start3A_45, %dma_start3A_46] : memref<3x2x128xi32, #tpu.memory_space<vmem>> -> memref<1x2x128xi32, #tpu.memory_space<vmem>>
      %dma_start3A_48 = tpu.memref_squeeze %dma_start3A_47 : memref<1x2x128xi32, #tpu.memory_space<vmem>> -> memref<2x128xi32, #tpu.memory_space<vmem>>
      %dma_start3A_49 = arith.constant 0 : i32
      %dma_start3A_50 = arith.constant 0 : i32
      %dma_start3A_51 = tpu.memref_slice %arg3[%add3A_43, %dma_start3A_49, %dma_start3A_50] : memref<2528x2x128xi32, #tpu.memory_space<hbm>> -> memref<1x2x128xi32, #tpu.memory_space<hbm>>
      %dma_start3A_52 = tpu.memref_squeeze %dma_start3A_51 : memref<1x2x128xi32, #tpu.memory_space<hbm>> -> memref<2x128xi32, #tpu.memory_space<hbm>>
      %dma_start3A_53 = arith.constant 0 : i32
      %dma_start3A_54 = arith.constant 0 : i32
      %dma_start3A_55 = tpu.memref_slice %arg6[%dma_start3A_44, %dma_start3A_53, %dma_start3A_54] : memref<3x2x128xi32, #tpu.memory_space<vmem>> -> memref<1x2x128xi32, #tpu.memory_space<vmem>>
      %dma_start3A_56 = tpu.memref_squeeze %dma_start3A_55 : memref<1x2x128xi32, #tpu.memory_space<vmem>> -> memref<2x128xi32, #tpu.memory_space<vmem>>
      %dma_start3A_57 = arith.constant 0 : i32
      %dma_start3A_58 = arith.constant 0 : i32
      %dma_start3A_59 = tpu.memref_slice %arg3[%add3A_43, %dma_start3A_57, %dma_start3A_58] : memref<2528x2x128xi32, #tpu.memory_space<hbm>> -> memref<1x2x128xi32, #tpu.memory_space<hbm>>
      %dma_start3A_60 = tpu.memref_squeeze %dma_start3A_59 : memref<1x2x128xi32, #tpu.memory_space<hbm>> -> memref<2x128xi32, #tpu.memory_space<hbm>>
      tpu.enqueue_dma source(%dma_start3A_60 : memref<2x128xi32, #tpu.memory_space<hbm>>) target(%dma_start3A_56 : memref<2x128xi32, #tpu.memory_space<vmem>>) target_semaphore(%arg9 : memref<!tpu.dma_semaphore, #tpu.memory_space<semaphore_mem>>)
    } else {
    }
    %dma_start3A = arith.constant 0 : i32
    %dma_start3A_18 = arith.constant 0 : i32
    %dma_start3A_19 = arith.constant 0 : i32
    %dma_start3A_20 = arith.constant 0 : i32
    %dma_start3A_21 = arith.constant 0 : i32
    %dma_start3A_22 = tpu.memref_slice %arg7[%dma_start3A_19, %dma_start3A_20, %dma_start3A_21] : memref<3x128x128xf32, #tpu.memory_space<vmem>> -> memref<1x128x128xf32, #tpu.memory_space<vmem>>
    %dma_start3A_23 = tpu.memref_squeeze %dma_start3A_22 : memref<1x128x128xf32, #tpu.memory_space<vmem>> -> memref<128x128xf32, #tpu.memory_space<vmem>>
    %dma_start3A_24 = arith.constant 0 : i32
    %dma_start3A_25 = tpu.memref_slice %arg6[%dma_start3A, %dma_start3A_18, %dma_start3A_24] : memref<3x2x128xi32, #tpu.memory_space<vmem>> -> memref<1x1x128xi32, #tpu.memory_space<vmem>>
    %dma_start3A_26 = tpu.memref_squeeze %dma_start3A_25 : memref<1x1x128xi32, #tpu.memory_space<vmem>> -> memref<128xi32, #tpu.memory_space<vmem>>
    %dma_start3A_27 = arith.constant 0 : i32
    %dma_start3A_28 = arith.constant 0 : i32
    %dma_start3A_29 = tpu.memref_slice %arg2[%dma_start3A_27, %dma_start3A_28] : memref<10112x128xf32, #tpu.memory_space<hbm>> -> memref<10112x128xf32, #tpu.memory_space<hbm>>
    tpu.enqueue_indirect_dma source(%dma_start3A_29 : memref<10112x128xf32, #tpu.memory_space<hbm>>) target(%dma_start3A_23 : memref<128x128xf32, #tpu.memory_space<vmem>>) offsets(%dma_start3A_26 : memref<128xi32, #tpu.memory_space<vmem>>) semaphore(%arg10 : memref<!tpu.dma_semaphore, #tpu.memory_space<semaphore_mem>>)
    %while3A = arith.constant 0 : i32
    %while3A_30 = arith.constant 0 : i32
    %while3A_31 = arith.subi %select_n3A_10, %while3A : i32
    %while3A_32 = arith.addi %while3A, %while3A_31 : i32
    %while3A_33 = arith.constant 1 : i32
    %while3A_34 = arith.divsi %while3A_31, %while3A_33 : i32
    %while3A_35 = arith.muli %while3A_34, %while3A_33 : i32
    %while3A_36 = arith.addi %while3A, %while3A_35 : i32
    %while3A_37 = arith.constant 1 : i32
    %while3A_38 = scf.for %while3A_42 = %while3A to %while3A_36 step %while3A_37 iter_args(%while3A_43 = %while3A_30) -> (i32)  : i32 {
      %rem3A = arith.constant 3 : i32
      %rem3A_44 = arith.remsi %while3A_42, %rem3A : i32
      %add3A_45 = arith.constant 1 : i32
      %add3A_46 = arith.addi %while3A_42, %add3A_45 : i32
      %lt3A = arith.cmpi slt, %add3A_46, %select_n3A_10 : i32
      %convert_element_type3A_47 = arith.extui %lt3A : i1 to i32
      %cond3A_48 = arith.constant 0 : i32
      %cond3A_49 = arith.cmpi ne, %convert_element_type3A_47, %cond3A_48 : i32
      scf.if %cond3A_49 {
        %add3A_68 = arith.constant 1 : i32
        %add3A_69 = arith.addi %while3A_42, %add3A_68 : i32
        %rem3A_70 = arith.constant 3 : i32
        %rem3A_71 = arith.remsi %add3A_69, %rem3A_70 : i32
        %dma_wait3A_72 = arith.constant 0 : i32
        %dma_wait3A_73 = arith.constant 0 : i32
        %dma_wait3A_74 = arith.constant 0 : i32
        %dma_wait3A_75 = tpu.memref_slice %arg6[%dma_wait3A_72, %dma_wait3A_73, %dma_wait3A_74] : memref<3x2x128xi32, #tpu.memory_space<vmem>> -> memref<1x2x128xi32, #tpu.memory_space<vmem>>
        %dma_wait3A_76 = tpu.memref_squeeze %dma_wait3A_75 : memref<1x2x128xi32, #tpu.memory_space<vmem>> -> memref<2x128xi32, #tpu.memory_space<vmem>>
        %dma_wait3A_77 = arith.constant 0 : i32
        %dma_wait3A_78 = arith.constant 0 : i32
        %dma_wait3A_79 = tpu.memref_slice %arg3[%select_n3A, %dma_wait3A_77, %dma_wait3A_78] : memref<2528x2x128xi32, #tpu.memory_space<hbm>> -> memref<1x2x128xi32, #tpu.memory_space<hbm>>
        %dma_wait3A_80 = tpu.memref_squeeze %dma_wait3A_79 : memref<1x2x128xi32, #tpu.memory_space<hbm>> -> memref<2x128xi32, #tpu.memory_space<hbm>>
        %dma_wait3A_81 = arith.constant 0 : i32
        %dma_wait3A_82 = arith.constant 0 : i32
        %dma_wait3A_83 = tpu.memref_slice %arg6[%dma_wait3A_72, %dma_wait3A_81, %dma_wait3A_82] : memref<3x2x128xi32, #tpu.memory_space<vmem>> -> memref<1x2x128xi32, #tpu.memory_space<vmem>>
        %dma_wait3A_84 = tpu.memref_squeeze %dma_wait3A_83 : memref<1x2x128xi32, #tpu.memory_space<vmem>> -> memref<2x128xi32, #tpu.memory_space<vmem>>
        %dma_wait3A_85 = arith.constant 0 : i32
        %dma_wait3A_86 = arith.constant 0 : i32
        %dma_wait3A_87 = tpu.memref_slice %arg3[%select_n3A, %dma_wait3A_85, %dma_wait3A_86] : memref<2528x2x128xi32, #tpu.memory_space<hbm>> -> memref<1x2x128xi32, #tpu.memory_space<hbm>>
        %dma_wait3A_88 = tpu.memref_squeeze %dma_wait3A_87 : memref<1x2x128xi32, #tpu.memory_space<hbm>> -> memref<2x128xi32, #tpu.memory_space<hbm>>
        tpu.wait_dma2 semaphore(%arg9 : memref<!tpu.dma_semaphore, #tpu.memory_space<semaphore_mem>>) src(%dma_wait3A_88 : memref<2x128xi32, #tpu.memory_space<hbm>>) dst(%dma_wait3A_84 : memref<2x128xi32, #tpu.memory_space<vmem>>)
        %dma_start3A_89 = arith.constant 0 : i32
        %dma_start3A_90 = arith.constant 0 : i32
        %dma_start3A_91 = arith.constant 0 : i32
        %dma_start3A_92 = tpu.memref_slice %arg7[%rem3A_71, %dma_start3A_90, %dma_start3A_91] : memref<3x128x128xf32, #tpu.memory_space<vmem>> -> memref<1x128x128xf32, #tpu.memory_space<vmem>>
        %dma_start3A_93 = tpu.memref_squeeze %dma_start3A_92 : memref<1x128x128xf32, #tpu.memory_space<vmem>> -> memref<128x128xf32, #tpu.memory_space<vmem>>
        %dma_start3A_94 = arith.constant 0 : i32
        %dma_start3A_95 = tpu.memref_slice %arg6[%rem3A_71, %dma_start3A_89, %dma_start3A_94] : memref<3x2x128xi32, #tpu.memory_space<vmem>> -> memref<1x1x128xi32, #tpu.memory_space<vmem>>
        %dma_start3A_96 = tpu.memref_squeeze %dma_start3A_95 : memref<1x1x128xi32, #tpu.memory_space<vmem>> -> memref<128xi32, #tpu.memory_space<vmem>>
        %dma_start3A_97 = arith.constant 0 : i32
        %dma_start3A_98 = arith.constant 0 : i32
        %dma_start3A_99 = tpu.memref_slice %arg2[%dma_start3A_97, %dma_start3A_98] : memref<10112x128xf32, #tpu.memory_space<hbm>> -> memref<10112x128xf32, #tpu.memory_space<hbm>>
        tpu.enqueue_indirect_dma source(%dma_start3A_99 : memref<10112x128xf32, #tpu.memory_space<hbm>>) target(%dma_start3A_93 : memref<128x128xf32, #tpu.memory_space<vmem>>) offsets(%dma_start3A_96 : memref<128xi32, #tpu.memory_space<vmem>>) semaphore(%arg10 : memref<!tpu.dma_semaphore, #tpu.memory_space<semaphore_mem>>)
      } else {
      }
      %dma_wait3A = arith.constant 0 : i32
      %dma_wait3A_50 = arith.constant 0 : i32
      %dma_wait3A_51 = arith.constant 0 : i32
      %dma_wait3A_52 = tpu.memref_slice %arg7[%rem3A_44, %dma_wait3A_50, %dma_wait3A_51] : memref<3x128x128xf32, #tpu.memory_space<vmem>> -> memref<1x128x128xf32, #tpu.memory_space<vmem>>
      %dma_wait3A_53 = tpu.memref_squeeze %dma_wait3A_52 : memref<1x128x128xf32, #tpu.memory_space<vmem>> -> memref<128x128xf32, #tpu.memory_space<vmem>>
      %dma_wait3A_54 = arith.constant 0 : i32
      %dma_wait3A_55 = tpu.memref_slice %arg6[%rem3A_44, %dma_wait3A, %dma_wait3A_54] : memref<3x2x128xi32, #tpu.memory_space<vmem>> -> memref<1x1x128xi32, #tpu.memory_space<vmem>>
      %dma_wait3A_56 = tpu.memref_squeeze %dma_wait3A_55 : memref<1x1x128xi32, #tpu.memory_space<vmem>> -> memref<128xi32, #tpu.memory_space<vmem>>
      %dma_wait3A_57 = arith.constant 0 : i32
      %dma_wait3A_58 = arith.constant 0 : i32
      %dma_wait3A_59 = tpu.memref_slice %arg2[%dma_wait3A_57, %dma_wait3A_58] : memref<10112x128xf32, #tpu.memory_space<hbm>> -> memref<10112x128xf32, #tpu.memory_space<hbm>>
      tpu.wait_indirect_dma semaphore(%arg10 : memref<!tpu.dma_semaphore, #tpu.memory_space<semaphore_mem>>) src(%dma_wait3A_59 : memref<10112x128xf32, #tpu.memory_space<hbm>>) dst(%dma_wait3A_53 : memref<128x128xf32, #tpu.memory_space<vmem>>)
      %run_scoped3A_60 = arith.constant 1 : i32
      "tpu.region"() ({
        %run_scoped3A_68 = tpu.sem_alloc : memref<!tpu.dma_semaphore, #tpu.memory_space<semaphore_mem>>
        %dma_start3A_69 = arith.constant 0 : i32
        %dma_start3A_70 = arith.constant 0 : i32
        %dma_start3A_71 = tpu.memref_slice %arg7[%rem3A_44, %dma_start3A_69, %dma_start3A_70] : memref<3x128x128xf32, #tpu.memory_space<vmem>> -> memref<1x128x128xf32, #tpu.memory_space<vmem>>
        %dma_start3A_72 = tpu.memref_squeeze %dma_start3A_71 : memref<1x128x128xf32, #tpu.memory_space<vmem>> -> memref<128x128xf32, #tpu.memory_space<vmem>>
        %dma_start3A_73 = arith.constant 0 : i32
        %dma_start3A_74 = tpu.memref_slice %arg6[%rem3A_44, %run_scoped3A_60, %dma_start3A_73] : memref<3x2x128xi32, #tpu.memory_space<vmem>> -> memref<1x1x128xi32, #tpu.memory_space<vmem>>
        %dma_start3A_75 = tpu.memref_squeeze %dma_start3A_74 : memref<1x1x128xi32, #tpu.memory_space<vmem>> -> memref<128xi32, #tpu.memory_space<vmem>>
        %dma_start3A_76 = arith.constant 0 : i32
        %dma_start3A_77 = arith.constant 0 : i32
        %dma_start3A_78 = tpu.memref_slice %arg8[%dma_start3A_76, %dma_start3A_77] : memref<10112x128xf32, #tpu.memory_space<vmem_shared>> -> memref<10112x128xf32, #tpu.memory_space<vmem_shared>>
        tpu.enqueue_indirect_dma source(%dma_start3A_72 : memref<128x128xf32, #tpu.memory_space<vmem>>) target(%dma_start3A_78 : memref<10112x128xf32, #tpu.memory_space<vmem_shared>>) offsets(%dma_start3A_75 : memref<128xi32, #tpu.memory_space<vmem>>) semaphore(%run_scoped3A_68 : memref<!tpu.dma_semaphore, #tpu.memory_space<semaphore_mem>>) {add = true}
        %dma_wait3A_79 = arith.constant 0 : i32
        %dma_wait3A_80 = arith.constant 0 : i32
        %dma_wait3A_81 = tpu.memref_slice %arg7[%rem3A_44, %dma_wait3A_79, %dma_wait3A_80] : memref<3x128x128xf32, #tpu.memory_space<vmem>> -> memref<1x128x128xf32, #tpu.memory_space<vmem>>
        %dma_wait3A_82 = tpu.memref_squeeze %dma_wait3A_81 : memref<1x128x128xf32, #tpu.memory_space<vmem>> -> memref<128x128xf32, #tpu.memory_space<vmem>>
        %dma_wait3A_83 = arith.constant 0 : i32
        %dma_wait3A_84 = tpu.memref_slice %arg6[%rem3A_44, %run_scoped3A_60, %dma_wait3A_83] : memref<3x2x128xi32, #tpu.memory_space<vmem>> -> memref<1x1x128xi32, #tpu.memory_space<vmem>>
        %dma_wait3A_85 = tpu.memref_squeeze %dma_wait3A_84 : memref<1x1x128xi32, #tpu.memory_space<vmem>> -> memref<128xi32, #tpu.memory_space<vmem>>
        %dma_wait3A_86 = arith.constant 0 : i32
        %dma_wait3A_87 = arith.constant 0 : i32
        %dma_wait3A_88 = tpu.memref_slice %arg8[%dma_wait3A_86, %dma_wait3A_87] : memref<10112x128xf32, #tpu.memory_space<vmem_shared>> -> memref<10112x128xf32, #tpu.memory_space<vmem_shared>>
        tpu.wait_indirect_dma semaphore(%run_scoped3A_68 : memref<!tpu.dma_semaphore, #tpu.memory_space<semaphore_mem>>) src(%dma_wait3A_82 : memref<128x128xf32, #tpu.memory_space<vmem>>) dst(%dma_wait3A_88 : memref<10112x128xf32, #tpu.memory_space<vmem_shared>>)
        tpu.yield
      }) : () -> ()
      %add3A_61 = arith.constant 3 : i32
      %add3A_62 = arith.addi %while3A_42, %add3A_61 : i32
      %lt3A_63 = arith.cmpi slt, %add3A_62, %select_n3A_10 : i32
      %convert_element_type3A_64 = arith.extui %lt3A_63 : i1 to i32
      %cond3A_65 = arith.constant 0 : i32
      %cond3A_66 = arith.cmpi ne, %convert_element_type3A_64, %cond3A_65 : i32
      scf.if %cond3A_66 {
        %add3A_68 = arith.addi %select_n3A, %while3A_42 : i32
        %add3A_69 = arith.constant 3 : i32
        %add3A_70 = arith.addi %add3A_68, %add3A_69 : i32
        %dma_start3A_71 = arith.constant 0 : i32
        %dma_start3A_72 = arith.constant 0 : i32
        %dma_start3A_73 = tpu.memref_slice %arg6[%rem3A_44, %dma_start3A_71, %dma_start3A_72] : memref<3x2x128xi32, #tpu.memory_space<vmem>> -> memref<1x2x128xi32, #tpu.memory_space<vmem>>
        %dma_start3A_74 = tpu.memref_squeeze %dma_start3A_73 : memref<1x2x128xi32, #tpu.memory_space<vmem>> -> memref<2x128xi32, #tpu.memory_space<vmem>>
        %dma_start3A_75 = arith.constant 0 : i32
        %dma_start3A_76 = arith.constant 0 : i32
        %dma_start3A_77 = tpu.memref_slice %arg3[%add3A_70, %dma_start3A_75, %dma_start3A_76] : memref<2528x2x128xi32, #tpu.memory_space<hbm>> -> memref<1x2x128xi32, #tpu.memory_space<hbm>>
        %dma_start3A_78 = tpu.memref_squeeze %dma_start3A_77 : memref<1x2x128xi32, #tpu.memory_space<hbm>> -> memref<2x128xi32, #tpu.memory_space<hbm>>
        %dma_start3A_79 = arith.constant 0 : i32
        %dma_start3A_80 = arith.constant 0 : i32
        %dma_start3A_81 = tpu.memref_slice %arg6[%rem3A_44, %dma_start3A_79, %dma_start3A_80] : memref<3x2x128xi32, #tpu.memory_space<vmem>> -> memref<1x2x128xi32, #tpu.memory_space<vmem>>
        %dma_start3A_82 = tpu.memref_squeeze %dma_start3A_81 : memref<1x2x128xi32, #tpu.memory_space<vmem>> -> memref<2x128xi32, #tpu.memory_space<vmem>>
        %dma_start3A_83 = arith.constant 0 : i32
        %dma_start3A_84 = arith.constant 0 : i32
        %dma_start3A_85 = tpu.memref_slice %arg3[%add3A_70, %dma_start3A_83, %dma_start3A_84] : memref<2528x2x128xi32, #tpu.memory_space<hbm>> -> memref<1x2x128xi32, #tpu.memory_space<hbm>>
        %dma_start3A_86 = tpu.memref_squeeze %dma_start3A_85 : memref<1x2x128xi32, #tpu.memory_space<hbm>> -> memref<2x128xi32, #tpu.memory_space<hbm>>
        tpu.enqueue_dma source(%dma_start3A_86 : memref<2x128xi32, #tpu.memory_space<hbm>>) target(%dma_start3A_82 : memref<2x128xi32, #tpu.memory_space<vmem>>) target_semaphore(%arg9 : memref<!tpu.dma_semaphore, #tpu.memory_space<semaphore_mem>>)
      } else {
      }
      %while3A_67 = arith.constant 0 : i32
      scf.yield %while3A_67 : i32
    }
    %while3A_39 = arith.constant 1 : i32
    %while3A_40 = scf.for %while3A_42 = %while3A_36 to %while3A_32 step %while3A_39 iter_args(%while3A_43 = %while3A_38) -> (i32)  : i32 {
      %rem3A = arith.constant 3 : i32
      %rem3A_44 = arith.remsi %while3A_42, %rem3A : i32
      %add3A_45 = arith.constant 1 : i32
      %add3A_46 = arith.addi %while3A_42, %add3A_45 : i32
      %lt3A = arith.cmpi slt, %add3A_46, %select_n3A_10 : i32
      %convert_element_type3A_47 = arith.extui %lt3A : i1 to i32
      %cond3A_48 = arith.constant 0 : i32
      %cond3A_49 = arith.cmpi ne, %convert_element_type3A_47, %cond3A_48 : i32
      scf.if %cond3A_49 {
        %add3A_68 = arith.constant 1 : i32
        %add3A_69 = arith.addi %while3A_42, %add3A_68 : i32
        %rem3A_70 = arith.constant 3 : i32
        %rem3A_71 = arith.remsi %add3A_69, %rem3A_70 : i32
        %dma_wait3A_72 = arith.constant 0 : i32
        %dma_wait3A_73 = arith.constant 0 : i32
        %dma_wait3A_74 = arith.constant 0 : i32
        %dma_wait3A_75 = tpu.memref_slice %arg6[%dma_wait3A_72, %dma_wait3A_73, %dma_wait3A_74] : memref<3x2x128xi32, #tpu.memory_space<vmem>> -> memref<1x2x128xi32, #tpu.memory_space<vmem>>
        %dma_wait3A_76 = tpu.memref_squeeze %dma_wait3A_75 : memref<1x2x128xi32, #tpu.memory_space<vmem>> -> memref<2x128xi32, #tpu.memory_space<vmem>>
        %dma_wait3A_77 = arith.constant 0 : i32
        %dma_wait3A_78 = arith.constant 0 : i32
        %dma_wait3A_79 = tpu.memref_slice %arg3[%select_n3A, %dma_wait3A_77, %dma_wait3A_78] : memref<2528x2x128xi32, #tpu.memory_space<hbm>> -> memref<1x2x128xi32, #tpu.memory_space<hbm>>
        %dma_wait3A_80 = tpu.memref_squeeze %dma_wait3A_79 : memref<1x2x128xi32, #tpu.memory_space<hbm>> -> memref<2x128xi32, #tpu.memory_space<hbm>>
        %dma_wait3A_81 = arith.constant 0 : i32
        %dma_wait3A_82 = arith.constant 0 : i32
        %dma_wait3A_83 = tpu.memref_slice %arg6[%dma_wait3A_72, %dma_wait3A_81, %dma_wait3A_82] : memref<3x2x128xi32, #tpu.memory_space<vmem>> -> memref<1x2x128xi32, #tpu.memory_space<vmem>>
        %dma_wait3A_84 = tpu.memref_squeeze %dma_wait3A_83 : memref<1x2x128xi32, #tpu.memory_space<vmem>> -> memref<2x128xi32, #tpu.memory_space<vmem>>
        %dma_wait3A_85 = arith.constant 0 : i32
        %dma_wait3A_86 = arith.constant 0 : i32
        %dma_wait3A_87 = tpu.memref_slice %arg3[%select_n3A, %dma_wait3A_85, %dma_wait3A_86] : memref<2528x2x128xi32, #tpu.memory_space<hbm>> -> memref<1x2x128xi32, #tpu.memory_space<hbm>>
        %dma_wait3A_88 = tpu.memref_squeeze %dma_wait3A_87 : memref<1x2x128xi32, #tpu.memory_space<hbm>> -> memref<2x128xi32, #tpu.memory_space<hbm>>
        tpu.wait_dma2 semaphore(%arg9 : memref<!tpu.dma_semaphore, #tpu.memory_space<semaphore_mem>>) src(%dma_wait3A_88 : memref<2x128xi32, #tpu.memory_space<hbm>>) dst(%dma_wait3A_84 : memref<2x128xi32, #tpu.memory_space<vmem>>)
        %dma_start3A_89 = arith.constant 0 : i32
        %dma_start3A_90 = arith.constant 0 : i32
        %dma_start3A_91 = arith.constant 0 : i32
        %dma_start3A_92 = tpu.memref_slice %arg7[%rem3A_71, %dma_start3A_90, %dma_start3A_91] : memref<3x128x128xf32, #tpu.memory_space<vmem>> -> memref<1x128x128xf32, #tpu.memory_space<vmem>>
        %dma_start3A_93 = tpu.memref_squeeze %dma_start3A_92 : memref<1x128x128xf32, #tpu.memory_space<vmem>> -> memref<128x128xf32, #tpu.memory_space<vmem>>
        %dma_start3A_94 = arith.constant 0 : i32
        %dma_start3A_95 = tpu.memref_slice %arg6[%rem3A_71, %dma_start3A_89, %dma_start3A_94] : memref<3x2x128xi32, #tpu.memory_space<vmem>> -> memref<1x1x128xi32, #tpu.memory_space<vmem>>
        %dma_start3A_96 = tpu.memref_squeeze %dma_start3A_95 : memref<1x1x128xi32, #tpu.memory_space<vmem>> -> memref<128xi32, #tpu.memory_space<vmem>>
        %dma_start3A_97 = arith.constant 0 : i32
        %dma_start3A_98 = arith.constant 0 : i32
        %dma_start3A_99 = tpu.memref_slice %arg2[%dma_start3A_97, %dma_start3A_98] : memref<10112x128xf32, #tpu.memory_space<hbm>> -> memref<10112x128xf32, #tpu.memory_space<hbm>>
        tpu.enqueue_indirect_dma source(%dma_start3A_99 : memref<10112x128xf32, #tpu.memory_space<hbm>>) target(%dma_start3A_93 : memref<128x128xf32, #tpu.memory_space<vmem>>) offsets(%dma_start3A_96 : memref<128xi32, #tpu.memory_space<vmem>>) semaphore(%arg10 : memref<!tpu.dma_semaphore, #tpu.memory_space<semaphore_mem>>)
      } else {
      }
      %dma_wait3A = arith.constant 0 : i32
      %dma_wait3A_50 = arith.constant 0 : i32
      %dma_wait3A_51 = arith.constant 0 : i32
      %dma_wait3A_52 = tpu.memref_slice %arg7[%rem3A_44, %dma_wait3A_50, %dma_wait3A_51] : memref<3x128x128xf32, #tpu.memory_space<vmem>> -> memref<1x128x128xf32, #tpu.memory_space<vmem>>
      %dma_wait3A_53 = tpu.memref_squeeze %dma_wait3A_52 : memref<1x128x128xf32, #tpu.memory_space<vmem>> -> memref<128x128xf32, #tpu.memory_space<vmem>>
      %dma_wait3A_54 = arith.constant 0 : i32
      %dma_wait3A_55 = tpu.memref_slice %arg6[%rem3A_44, %dma_wait3A, %dma_wait3A_54] : memref<3x2x128xi32, #tpu.memory_space<vmem>> -> memref<1x1x128xi32, #tpu.memory_space<vmem>>
      %dma_wait3A_56 = tpu.memref_squeeze %dma_wait3A_55 : memref<1x1x128xi32, #tpu.memory_space<vmem>> -> memref<128xi32, #tpu.memory_space<vmem>>
      %dma_wait3A_57 = arith.constant 0 : i32
      %dma_wait3A_58 = arith.constant 0 : i32
      %dma_wait3A_59 = tpu.memref_slice %arg2[%dma_wait3A_57, %dma_wait3A_58] : memref<10112x128xf32, #tpu.memory_space<hbm>> -> memref<10112x128xf32, #tpu.memory_space<hbm>>
      tpu.wait_indirect_dma semaphore(%arg10 : memref<!tpu.dma_semaphore, #tpu.memory_space<semaphore_mem>>) src(%dma_wait3A_59 : memref<10112x128xf32, #tpu.memory_space<hbm>>) dst(%dma_wait3A_53 : memref<128x128xf32, #tpu.memory_space<vmem>>)
      %run_scoped3A_60 = arith.constant 1 : i32
      "tpu.region"() ({
        %run_scoped3A_68 = tpu.sem_alloc : memref<!tpu.dma_semaphore, #tpu.memory_space<semaphore_mem>>
        %dma_start3A_69 = arith.constant 0 : i32
        %dma_start3A_70 = arith.constant 0 : i32
        %dma_start3A_71 = tpu.memref_slice %arg7[%rem3A_44, %dma_start3A_69, %dma_start3A_70] : memref<3x128x128xf32, #tpu.memory_space<vmem>> -> memref<1x128x128xf32, #tpu.memory_space<vmem>>
        %dma_start3A_72 = tpu.memref_squeeze %dma_start3A_71 : memref<1x128x128xf32, #tpu.memory_space<vmem>> -> memref<128x128xf32, #tpu.memory_space<vmem>>
        %dma_start3A_73 = arith.constant 0 : i32
        %dma_start3A_74 = tpu.memref_slice %arg6[%rem3A_44, %run_scoped3A_60, %dma_start3A_73] : memref<3x2x128xi32, #tpu.memory_space<vmem>> -> memref<1x1x128xi32, #tpu.memory_space<vmem>>
        %dma_start3A_75 = tpu.memref_squeeze %dma_start3A_74 : memref<1x1x128xi32, #tpu.memory_space<vmem>> -> memref<128xi32, #tpu.memory_space<vmem>>
        %dma_start3A_76 = arith.constant 0 : i32
        %dma_start3A_77 = arith.constant 0 : i32
        %dma_start3A_78 = tpu.memref_slice %arg8[%dma_start3A_76, %dma_start3A_77] : memref<10112x128xf32, #tpu.memory_space<vmem_shared>> -> memref<10112x128xf32, #tpu.memory_space<vmem_shared>>
        tpu.enqueue_indirect_dma source(%dma_start3A_72 : memref<128x128xf32, #tpu.memory_space<vmem>>) target(%dma_start3A_78 : memref<10112x128xf32, #tpu.memory_space<vmem_shared>>) offsets(%dma_start3A_75 : memref<128xi32, #tpu.memory_space<vmem>>) semaphore(%run_scoped3A_68 : memref<!tpu.dma_semaphore, #tpu.memory_space<semaphore_mem>>) {add = true}
        %dma_wait3A_79 = arith.constant 0 : i32
        %dma_wait3A_80 = arith.constant 0 : i32
        %dma_wait3A_81 = tpu.memref_slice %arg7[%rem3A_44, %dma_wait3A_79, %dma_wait3A_80] : memref<3x128x128xf32, #tpu.memory_space<vmem>> -> memref<1x128x128xf32, #tpu.memory_space<vmem>>
        %dma_wait3A_82 = tpu.memref_squeeze %dma_wait3A_81 : memref<1x128x128xf32, #tpu.memory_space<vmem>> -> memref<128x128xf32, #tpu.memory_space<vmem>>
        %dma_wait3A_83 = arith.constant 0 : i32
        %dma_wait3A_84 = tpu.memref_slice %arg6[%rem3A_44, %run_scoped3A_60, %dma_wait3A_83] : memref<3x2x128xi32, #tpu.memory_space<vmem>> -> memref<1x1x128xi32, #tpu.memory_space<vmem>>
        %dma_wait3A_85 = tpu.memref_squeeze %dma_wait3A_84 : memref<1x1x128xi32, #tpu.memory_space<vmem>> -> memref<128xi32, #tpu.memory_space<vmem>>
        %dma_wait3A_86 = arith.constant 0 : i32
        %dma_wait3A_87 = arith.constant 0 : i32
        %dma_wait3A_88 = tpu.memref_slice %arg8[%dma_wait3A_86, %dma_wait3A_87] : memref<10112x128xf32, #tpu.memory_space<vmem_shared>> -> memref<10112x128xf32, #tpu.memory_space<vmem_shared>>
        tpu.wait_indirect_dma semaphore(%run_scoped3A_68 : memref<!tpu.dma_semaphore, #tpu.memory_space<semaphore_mem>>) src(%dma_wait3A_82 : memref<128x128xf32, #tpu.memory_space<vmem>>) dst(%dma_wait3A_88 : memref<10112x128xf32, #tpu.memory_space<vmem_shared>>)
        tpu.yield
      }) : () -> ()
      %add3A_61 = arith.constant 3 : i32
      %add3A_62 = arith.addi %while3A_42, %add3A_61 : i32
      %lt3A_63 = arith.cmpi slt, %add3A_62, %select_n3A_10 : i32
      %convert_element_type3A_64 = arith.extui %lt3A_63 : i1 to i32
      %cond3A_65 = arith.constant 0 : i32
      %cond3A_66 = arith.cmpi ne, %convert_element_type3A_64, %cond3A_65 : i32
      scf.if %cond3A_66 {
        %add3A_68 = arith.addi %select_n3A, %while3A_42 : i32
        %add3A_69 = arith.constant 3 : i32
        %add3A_70 = arith.addi %add3A_68, %add3A_69 : i32
        %dma_start3A_71 = arith.constant 0 : i32
        %dma_start3A_72 = arith.constant 0 : i32
        %dma_start3A_73 = tpu.memref_slice %arg6[%rem3A_44, %dma_start3A_71, %dma_start3A_72] : memref<3x2x128xi32, #tpu.memory_space<vmem>> -> memref<1x2x128xi32, #tpu.memory_space<vmem>>
        %dma_start3A_74 = tpu.memref_squeeze %dma_start3A_73 : memref<1x2x128xi32, #tpu.memory_space<vmem>> -> memref<2x128xi32, #tpu.memory_space<vmem>>
        %dma_start3A_75 = arith.constant 0 : i32
        %dma_start3A_76 = arith.constant 0 : i32
        %dma_start3A_77 = tpu.memref_slice %arg3[%add3A_70, %dma_start3A_75, %dma_start3A_76] : memref<2528x2x128xi32, #tpu.memory_space<hbm>> -> memref<1x2x128xi32, #tpu.memory_space<hbm>>
        %dma_start3A_78 = tpu.memref_squeeze %dma_start3A_77 : memref<1x2x128xi32, #tpu.memory_space<hbm>> -> memref<2x128xi32, #tpu.memory_space<hbm>>
        %dma_start3A_79 = arith.constant 0 : i32
        %dma_start3A_80 = arith.constant 0 : i32
        %dma_start3A_81 = tpu.memref_slice %arg6[%rem3A_44, %dma_start3A_79, %dma_start3A_80] : memref<3x2x128xi32, #tpu.memory_space<vmem>> -> memref<1x2x128xi32, #tpu.memory_space<vmem>>
        %dma_start3A_82 = tpu.memref_squeeze %dma_start3A_81 : memref<1x2x128xi32, #tpu.memory_space<vmem>> -> memref<2x128xi32, #tpu.memory_space<vmem>>
        %dma_start3A_83 = arith.constant 0 : i32
        %dma_start3A_84 = arith.constant 0 : i32
        %dma_start3A_85 = tpu.memref_slice %arg3[%add3A_70, %dma_start3A_83, %dma_start3A_84] : memref<2528x2x128xi32, #tpu.memory_space<hbm>> -> memref<1x2x128xi32, #tpu.memory_space<hbm>>
        %dma_start3A_86 = tpu.memref_squeeze %dma_start3A_85 : memref<1x2x128xi32, #tpu.memory_space<hbm>> -> memref<2x128xi32, #tpu.memory_space<hbm>>
        tpu.enqueue_dma source(%dma_start3A_86 : memref<2x128xi32, #tpu.memory_space<hbm>>) target(%dma_start3A_82 : memref<2x128xi32, #tpu.memory_space<vmem>>) target_semaphore(%arg9 : memref<!tpu.dma_semaphore, #tpu.memory_space<semaphore_mem>>)
      } else {
      }
      %while3A_67 = arith.constant 0 : i32
      scf.yield %while3A_67 : i32
    }
    %barrier3A_41 = arith.constant 0 : index
    tpu.barrier barrier_id(%barrier3A_41)
    "tpu.region"() ({
      %run_scoped3A_42 = tpu.sem_alloc : memref<!tpu.dma_semaphore, #tpu.memory_space<semaphore_mem>>
      %dma_start3A_43 = arith.constant 0 : i32
      %dma_start3A_44 = tpu.memref_slice %arg5[%arg0, %mul3A_0, %dma_start3A_43] : memref<2x10112x128xf32, #tpu.memory_space<hbm>> -> memref<1x632x128xf32, #tpu.memory_space<hbm>>
      %dma_start3A_45 = tpu.memref_squeeze %dma_start3A_44 : memref<1x632x128xf32, #tpu.memory_space<hbm>> -> memref<632x128xf32, #tpu.memory_space<hbm>>
      %dma_start3A_46 = arith.constant 0 : i32
      %dma_start3A_47 = tpu.memref_slice %arg8[%mul3A_0, %dma_start3A_46] : memref<10112x128xf32, #tpu.memory_space<vmem_shared>> -> memref<632x128xf32, #tpu.memory_space<vmem_shared>>
      tpu.enqueue_dma source(%dma_start3A_47 : memref<632x128xf32, #tpu.memory_space<vmem_shared>>) target(%dma_start3A_45 : memref<632x128xf32, #tpu.memory_space<hbm>>) target_semaphore(%run_scoped3A_42 : memref<!tpu.dma_semaphore, #tpu.memory_space<semaphore_mem>>)
      %dma_wait3A = arith.constant 0 : i32
      %dma_wait3A_48 = tpu.memref_slice %arg5[%arg0, %mul3A_0, %dma_wait3A] : memref<2x10112x128xf32, #tpu.memory_space<hbm>> -> memref<1x632x128xf32, #tpu.memory_space<hbm>>
      %dma_wait3A_49 = tpu.memref_squeeze %dma_wait3A_48 : memref<1x632x128xf32, #tpu.memory_space<hbm>> -> memref<632x128xf32, #tpu.memory_space<hbm>>
      %dma_wait3A_50 = arith.constant 0 : i32
      %dma_wait3A_51 = tpu.memref_slice %arg8[%mul3A_0, %dma_wait3A_50] : memref<10112x128xf32, #tpu.memory_space<vmem_shared>> -> memref<632x128xf32, #tpu.memory_space<vmem_shared>>
      tpu.wait_dma2 semaphore(%run_scoped3A_42 : memref<!tpu.dma_semaphore, #tpu.memory_space<semaphore_mem>>) src(%dma_wait3A_51 : memref<632x128xf32, #tpu.memory_space<vmem_shared>>) dst(%dma_wait3A_49 : memref<632x128xf32, #tpu.memory_space<hbm>>)
      tpu.yield
    }) : () -> ()
    return
  }
}

#map = affine_map<(d0, d1) -> (0, 0)>
#map1 = affine_map<(d0, d1) -> (0, 0, 0)>
module attributes {stable_mosaic.version = 14 : i64} {
  func.func @body(%arg0: i32, %arg1: i32, %arg2: memref<10112x128xf32, #tpu.memory_space<hbm>>, %arg3: memref<2528x2x128xi32, #tpu.memory_space<hbm>>, %arg4: memref<10112x128xf32, #tpu.memory_space<hbm>>, %arg5: memref<2x10112x128xf32, #tpu.memory_space<hbm>>, %arg6: memref<3x2x128xi32, #tpu.memory_space<vmem>>, %arg7: memref<3x128x128xf32, #tpu.memory_space<vmem>>, %arg8: memref<10112x128xf32, #tpu.memory_space<vmem_shared>>, %arg9: memref<!tpu.dma_semaphore, #tpu.memory_space<semaphore_mem>>, %arg10: memref<!tpu.dma_semaphore, #tpu.memory_space<semaphore_mem>>) attributes {dimension_semantics = [#tpu.dimension_semantics<core_parallel>, #tpu.dimension_semantics<subcore_parallel>], iteration_bounds = array<i64: 2, 16>, scalar_prefetch = 0 : i64, scratch_operands = 5 : i64, tpu.core_type = #tpu.core_type<sc_vector_subcore>, window_params = [{transform_indices = #map}, {transform_indices = #map1}, {transform_indices = #map}, {transform_indices = #map1}]} {
    %mul3A = arith.constant 632 : i32
    %mul3A_0 = arith.muli %arg1, %mul3A : i32
    %eq3A = arith.constant 0 : i32
    %eq3A_1 = arith.cmpi eq, %arg0, %eq3A : i32
    %mul3A_2 = arith.constant 150 : i32
    %mul3A_3 = arith.muli %arg1, %mul3A_2 : i32
    %mul3A_4 = arith.constant 8 : i32
    %mul3A_5 = arith.muli %arg1, %mul3A_4 : i32
    %add3A = arith.constant 2400 : i32
    %add3A_6 = arith.addi %add3A, %mul3A_5 : i32
    %select_n3A = arith.select %eq3A_1, %mul3A_3, %add3A_6 : i32
    %eq3A_7 = arith.constant 0 : i32
    %eq3A_8 = arith.cmpi eq, %arg0, %eq3A_7 : i32
    %jit3A = arith.constant 150 : i32
    %jit3A_9 = arith.constant 8 : i32
    %select_n3A_10 = arith.select %eq3A_8, %jit3A, %jit3A_9 : i32
    "tpu.region"() ({
      %run_scoped3A_42 = tpu.sem_alloc : memref<!tpu.dma_semaphore, #tpu.memory_space<semaphore_mem>>
      %dma_start3A_43 = arith.constant 0 : i32
      %dma_start3A_44 = tpu.memref_slice %arg8[%mul3A_0, %dma_start3A_43] : memref<10112x128xf32, #tpu.memory_space<vmem_shared>> -> memref<632x128xf32, #tpu.memory_space<vmem_shared>>
      %dma_start3A_45 = arith.constant 0 : i32
      %dma_start3A_46 = tpu.memref_slice %arg4[%mul3A_0, %dma_start3A_45] : memref<10112x128xf32, #tpu.memory_space<hbm>> -> memref<632x128xf32, #tpu.memory_space<hbm>>
      tpu.enqueue_dma source(%dma_start3A_46 : memref<632x128xf32, #tpu.memory_space<hbm>>) target(%dma_start3A_44 : memref<632x128xf32, #tpu.memory_space<vmem_shared>>) target_semaphore(%run_scoped3A_42 : memref<!tpu.dma_semaphore, #tpu.memory_space<semaphore_mem>>)
      %dma_wait3A = arith.constant 0 : i32
      %dma_wait3A_47 = tpu.memref_slice %arg8[%mul3A_0, %dma_wait3A] : memref<10112x128xf32, #tpu.memory_space<vmem_shared>> -> memref<632x128xf32, #tpu.memory_space<vmem_shared>>
      %dma_wait3A_48 = arith.constant 0 : i32
      %dma_wait3A_49 = tpu.memref_slice %arg4[%mul3A_0, %dma_wait3A_48] : memref<10112x128xf32, #tpu.memory_space<hbm>> -> memref<632x128xf32, #tpu.memory_space<hbm>>
      tpu.wait_dma2 semaphore(%run_scoped3A_42 : memref<!tpu.dma_semaphore, #tpu.memory_space<semaphore_mem>>) src(%dma_wait3A_49 : memref<632x128xf32, #tpu.memory_space<hbm>>) dst(%dma_wait3A_47 : memref<632x128xf32, #tpu.memory_space<vmem_shared>>)
      tpu.yield
    }) : () -> ()
    %barrier3A = arith.constant 0 : index
    tpu.barrier barrier_id(%barrier3A)
    %run_scoped3A = arith.constant 0 : i32
    "tpu.region"() ({
      %run_scoped3A_42 = tpu.sem_alloc : memref<!tpu.dma_semaphore, #tpu.memory_space<semaphore_mem>>
      %dma_start3A_43 = arith.constant 0 : i32
      %dma_start3A_44 = arith.constant 0 : i32
      %dma_start3A_45 = tpu.memref_slice %arg6[%run_scoped3A, %dma_start3A_43, %dma_start3A_44] : memref<3x2x128xi32, #tpu.memory_space<vmem>> -> memref<1x2x128xi32, #tpu.memory_space<vmem>>
      %dma_start3A_46 = tpu.memref_squeeze %dma_start3A_45 : memref<1x2x128xi32, #tpu.memory_space<vmem>> -> memref<2x128xi32, #tpu.memory_space<vmem>>
      %dma_start3A_47 = arith.constant 0 : i32
      %dma_start3A_48 = arith.constant 0 : i32
      %dma_start3A_49 = tpu.memref_slice %arg3[%select_n3A, %dma_start3A_47, %dma_start3A_48] : memref<2528x2x128xi32, #tpu.memory_space<hbm>> -> memref<1x2x128xi32, #tpu.memory_space<hbm>>
      %dma_start3A_50 = tpu.memref_squeeze %dma_start3A_49 : memref<1x2x128xi32, #tpu.memory_space<hbm>> -> memref<2x128xi32, #tpu.memory_space<hbm>>
      %dma_start3A_51 = arith.constant 0 : i32
      %dma_start3A_52 = arith.constant 0 : i32
      %dma_start3A_53 = tpu.memref_slice %arg6[%run_scoped3A, %dma_start3A_51, %dma_start3A_52] : memref<3x2x128xi32, #tpu.memory_space<vmem>> -> memref<1x2x128xi32, #tpu.memory_space<vmem>>
      %dma_start3A_54 = tpu.memref_squeeze %dma_start3A_53 : memref<1x2x128xi32, #tpu.memory_space<vmem>> -> memref<2x128xi32, #tpu.memory_space<vmem>>
      %dma_start3A_55 = arith.constant 0 : i32
      %dma_start3A_56 = arith.constant 0 : i32
      %dma_start3A_57 = tpu.memref_slice %arg3[%select_n3A, %dma_start3A_55, %dma_start3A_56] : memref<2528x2x128xi32, #tpu.memory_space<hbm>> -> memref<1x2x128xi32, #tpu.memory_space<hbm>>
      %dma_start3A_58 = tpu.memref_squeeze %dma_start3A_57 : memref<1x2x128xi32, #tpu.memory_space<hbm>> -> memref<2x128xi32, #tpu.memory_space<hbm>>
      tpu.enqueue_dma source(%dma_start3A_58 : memref<2x128xi32, #tpu.memory_space<hbm>>) target(%dma_start3A_54 : memref<2x128xi32, #tpu.memory_space<vmem>>) target_semaphore(%run_scoped3A_42 : memref<!tpu.dma_semaphore, #tpu.memory_space<semaphore_mem>>)
      %dma_wait3A = arith.constant 0 : i32
      %dma_wait3A_59 = arith.constant 0 : i32
      %dma_wait3A_60 = tpu.memref_slice %arg6[%run_scoped3A, %dma_wait3A, %dma_wait3A_59] : memref<3x2x128xi32, #tpu.memory_space<vmem>> -> memref<1x2x128xi32, #tpu.memory_space<vmem>>
      %dma_wait3A_61 = tpu.memref_squeeze %dma_wait3A_60 : memref<1x2x128xi32, #tpu.memory_space<vmem>> -> memref<2x128xi32, #tpu.memory_space<vmem>>
      %dma_wait3A_62 = arith.constant 0 : i32
      %dma_wait3A_63 = arith.constant 0 : i32
      %dma_wait3A_64 = tpu.memref_slice %arg3[%select_n3A, %dma_wait3A_62, %dma_wait3A_63] : memref<2528x2x128xi32, #tpu.memory_space<hbm>> -> memref<1x2x128xi32, #tpu.memory_space<hbm>>
      %dma_wait3A_65 = tpu.memref_squeeze %dma_wait3A_64 : memref<1x2x128xi32, #tpu.memory_space<hbm>> -> memref<2x128xi32, #tpu.memory_space<hbm>>
      %dma_wait3A_66 = arith.constant 0 : i32
      %dma_wait3A_67 = arith.constant 0 : i32
      %dma_wait3A_68 = tpu.memref_slice %arg6[%run_scoped3A, %dma_wait3A_66, %dma_wait3A_67] : memref<3x2x128xi32, #tpu.memory_space<vmem>> -> memref<1x2x128xi32, #tpu.memory_space<vmem>>
      %dma_wait3A_69 = tpu.memref_squeeze %dma_wait3A_68 : memref<1x2x128xi32, #tpu.memory_space<vmem>> -> memref<2x128xi32, #tpu.memory_space<vmem>>
      %dma_wait3A_70 = arith.constant 0 : i32
      %dma_wait3A_71 = arith.constant 0 : i32
      %dma_wait3A_72 = tpu.memref_slice %arg3[%select_n3A, %dma_wait3A_70, %dma_wait3A_71] : memref<2528x2x128xi32, #tpu.memory_space<hbm>> -> memref<1x2x128xi32, #tpu.memory_space<hbm>>
      %dma_wait3A_73 = tpu.memref_squeeze %dma_wait3A_72 : memref<1x2x128xi32, #tpu.memory_space<hbm>> -> memref<2x128xi32, #tpu.memory_space<hbm>>
      tpu.wait_dma2 semaphore(%run_scoped3A_42 : memref<!tpu.dma_semaphore, #tpu.memory_space<semaphore_mem>>) src(%dma_wait3A_73 : memref<2x128xi32, #tpu.memory_space<hbm>>) dst(%dma_wait3A_69 : memref<2x128xi32, #tpu.memory_space<vmem>>)
      tpu.yield
    }) : () -> ()
    %gt3A = arith.constant 1 : i32
    %gt3A_11 = arith.cmpi sgt, %select_n3A_10, %gt3A : i32
    %convert_element_type3A = arith.extui %gt3A_11 : i1 to i32
    %cond3A = arith.constant 0 : i32
    %cond3A_12 = arith.cmpi ne, %convert_element_type3A, %cond3A : i32
    scf.if %cond3A_12 {
      %add3A_42 = arith.constant 1 : i32
      %add3A_43 = arith.addi %select_n3A, %add3A_42 : i32
      %dma_start3A_44 = arith.constant 1 : i32
      %dma_start3A_45 = arith.constant 0 : i32
      %dma_start3A_46 = arith.constant 0 : i32
      %dma_start3A_47 = tpu.memref_slice %arg6[%dma_start3A_44, %dma_start3A_45, %dma_start3A_46] : memref<3x2x128xi32, #tpu.memory_space<vmem>> -> memref<1x2x128xi32, #tpu.memory_space<vmem>>
      %dma_start3A_48 = tpu.memref_squeeze %dma_start3A_47 : memref<1x2x128xi32, #tpu.memory_space<vmem>> -> memref<2x128xi32, #tpu.memory_space<vmem>>
      %dma_start3A_49 = arith.constant 0 : i32
      %dma_start3A_50 = arith.constant 0 : i32
      %dma_start3A_51 = tpu.memref_slice %arg3[%add3A_43, %dma_start3A_49, %dma_start3A_50] : memref<2528x2x128xi32, #tpu.memory_space<hbm>> -> memref<1x2x128xi32, #tpu.memory_space<hbm>>
      %dma_start3A_52 = tpu.memref_squeeze %dma_start3A_51 : memref<1x2x128xi32, #tpu.memory_space<hbm>> -> memref<2x128xi32, #tpu.memory_space<hbm>>
      %dma_start3A_53 = arith.constant 0 : i32
      %dma_start3A_54 = arith.constant 0 : i32
      %dma_start3A_55 = tpu.memref_slice %arg6[%dma_start3A_44, %dma_start3A_53, %dma_start3A_54] : memref<3x2x128xi32, #tpu.memory_space<vmem>> -> memref<1x2x128xi32, #tpu.memory_space<vmem>>
      %dma_start3A_56 = tpu.memref_squeeze %dma_start3A_55 : memref<1x2x128xi32, #tpu.memory_space<vmem>> -> memref<2x128xi32, #tpu.memory_space<vmem>>
      %dma_start3A_57 = arith.constant 0 : i32
      %dma_start3A_58 = arith.constant 0 : i32
      %dma_start3A_59 = tpu.memref_slice %arg3[%add3A_43, %dma_start3A_57, %dma_start3A_58] : memref<2528x2x128xi32, #tpu.memory_space<hbm>> -> memref<1x2x128xi32, #tpu.memory_space<hbm>>
      %dma_start3A_60 = tpu.memref_squeeze %dma_start3A_59 : memref<1x2x128xi32, #tpu.memory_space<hbm>> -> memref<2x128xi32, #tpu.memory_space<hbm>>
      tpu.enqueue_dma source(%dma_start3A_60 : memref<2x128xi32, #tpu.memory_space<hbm>>) target(%dma_start3A_56 : memref<2x128xi32, #tpu.memory_space<vmem>>) target_semaphore(%arg9 : memref<!tpu.dma_semaphore, #tpu.memory_space<semaphore_mem>>)
    } else {
    }
    %gt3A_13 = arith.constant 2 : i32
    %gt3A_14 = arith.cmpi sgt, %select_n3A_10, %gt3A_13 : i32
    %convert_element_type3A_15 = arith.extui %gt3A_14 : i1 to i32
    %cond3A_16 = arith.constant 0 : i32
    %cond3A_17 = arith.cmpi ne, %convert_element_type3A_15, %cond3A_16 : i32
    scf.if %cond3A_17 {
      %add3A_42 = arith.constant 2 : i32
      %add3A_43 = arith.addi %select_n3A, %add3A_42 : i32
      %dma_start3A_44 = arith.constant 2 : i32
      %dma_start3A_45 = arith.constant 0 : i32
      %dma_start3A_46 = arith.constant 0 : i32
      %dma_start3A_47 = tpu.memref_slice %arg6[%dma_start3A_44, %dma_start3A_45, %dma_start3A_46] : memref<3x2x128xi32, #tpu.memory_space<vmem>> -> memref<1x2x128xi32, #tpu.memory_space<vmem>>
      %dma_start3A_48 = tpu.memref_squeeze %dma_start3A_47 : memref<1x2x128xi32, #tpu.memory_space<vmem>> -> memref<2x128xi32, #tpu.memory_space<vmem>>
      %dma_start3A_49 = arith.constant 0 : i32
      %dma_start3A_50 = arith.constant 0 : i32
      %dma_start3A_51 = tpu.memref_slice %arg3[%add3A_43, %dma_start3A_49, %dma_start3A_50] : memref<2528x2x128xi32, #tpu.memory_space<hbm>> -> memref<1x2x128xi32, #tpu.memory_space<hbm>>
      %dma_start3A_52 = tpu.memref_squeeze %dma_start3A_51 : memref<1x2x128xi32, #tpu.memory_space<hbm>> -> memref<2x128xi32, #tpu.memory_space<hbm>>
      %dma_start3A_53 = arith.constant 0 : i32
      %dma_start3A_54 = arith.constant 0 : i32
      %dma_start3A_55 = tpu.memref_slice %arg6[%dma_start3A_44, %dma_start3A_53, %dma_start3A_54] : memref<3x2x128xi32, #tpu.memory_space<vmem>> -> memref<1x2x128xi32, #tpu.memory_space<vmem>>
      %dma_start3A_56 = tpu.memref_squeeze %dma_start3A_55 : memref<1x2x128xi32, #tpu.memory_space<vmem>> -> memref<2x128xi32, #tpu.memory_space<vmem>>
      %dma_start3A_57 = arith.constant 0 : i32
      %dma_start3A_58 = arith.constant 0 : i32
      %dma_start3A_59 = tpu.memref_slice %arg3[%add3A_43, %dma_start3A_57, %dma_start3A_58] : memref<2528x2x128xi32, #tpu.memory_space<hbm>> -> memref<1x2x128xi32, #tpu.memory_space<hbm>>
      %dma_start3A_60 = tpu.memref_squeeze %dma_start3A_59 : memref<1x2x128xi32, #tpu.memory_space<hbm>> -> memref<2x128xi32, #tpu.memory_space<hbm>>
      tpu.enqueue_dma source(%dma_start3A_60 : memref<2x128xi32, #tpu.memory_space<hbm>>) target(%dma_start3A_56 : memref<2x128xi32, #tpu.memory_space<vmem>>) target_semaphore(%arg9 : memref<!tpu.dma_semaphore, #tpu.memory_space<semaphore_mem>>)
    } else {
    }
    %dma_start3A = arith.constant 0 : i32
    %dma_start3A_18 = arith.constant 0 : i32
    %dma_start3A_19 = arith.constant 0 : i32
    %dma_start3A_20 = arith.constant 0 : i32
    %dma_start3A_21 = arith.constant 0 : i32
    %dma_start3A_22 = tpu.memref_slice %arg7[%dma_start3A_19, %dma_start3A_20, %dma_start3A_21] : memref<3x128x128xf32, #tpu.memory_space<vmem>> -> memref<1x128x128xf32, #tpu.memory_space<vmem>>
    %dma_start3A_23 = tpu.memref_squeeze %dma_start3A_22 : memref<1x128x128xf32, #tpu.memory_space<vmem>> -> memref<128x128xf32, #tpu.memory_space<vmem>>
    %dma_start3A_24 = arith.constant 0 : i32
    %dma_start3A_25 = tpu.memref_slice %arg6[%dma_start3A, %dma_start3A_18, %dma_start3A_24] : memref<3x2x128xi32, #tpu.memory_space<vmem>> -> memref<1x1x128xi32, #tpu.memory_space<vmem>>
    %dma_start3A_26 = tpu.memref_squeeze %dma_start3A_25 : memref<1x1x128xi32, #tpu.memory_space<vmem>> -> memref<128xi32, #tpu.memory_space<vmem>>
    %dma_start3A_27 = arith.constant 0 : i32
    %dma_start3A_28 = arith.constant 0 : i32
    %dma_start3A_29 = tpu.memref_slice %arg2[%dma_start3A_27, %dma_start3A_28] : memref<10112x128xf32, #tpu.memory_space<hbm>> -> memref<10112x128xf32, #tpu.memory_space<hbm>>
    tpu.enqueue_indirect_dma source(%dma_start3A_29 : memref<10112x128xf32, #tpu.memory_space<hbm>>) target(%dma_start3A_23 : memref<128x128xf32, #tpu.memory_space<vmem>>) offsets(%dma_start3A_26 : memref<128xi32, #tpu.memory_space<vmem>>) semaphore(%arg10 : memref<!tpu.dma_semaphore, #tpu.memory_space<semaphore_mem>>)
    %while3A = arith.constant 0 : i32
    %while3A_30 = arith.constant 0 : i32
    %while3A_31 = arith.subi %select_n3A_10, %while3A : i32
    %while3A_32 = arith.addi %while3A, %while3A_31 : i32
    %while3A_33 = arith.constant 1 : i32
    %while3A_34 = arith.divsi %while3A_31, %while3A_33 : i32
    %while3A_35 = arith.muli %while3A_34, %while3A_33 : i32
    %while3A_36 = arith.addi %while3A, %while3A_35 : i32
    %while3A_37 = arith.constant 1 : i32
    %while3A_38 = scf.for %while3A_42 = %while3A to %while3A_36 step %while3A_37 iter_args(%while3A_43 = %while3A_30) -> (i32)  : i32 {
      %rem3A = arith.constant 3 : i32
      %rem3A_44 = arith.remsi %while3A_42, %rem3A : i32
      %add3A_45 = arith.constant 1 : i32
      %add3A_46 = arith.addi %while3A_42, %add3A_45 : i32
      %lt3A = arith.cmpi slt, %add3A_46, %select_n3A_10 : i32
      %convert_element_type3A_47 = arith.extui %lt3A : i1 to i32
      %cond3A_48 = arith.constant 0 : i32
      %cond3A_49 = arith.cmpi ne, %convert_element_type3A_47, %cond3A_48 : i32
      scf.if %cond3A_49 {
        %add3A_68 = arith.constant 1 : i32
        %add3A_69 = arith.addi %while3A_42, %add3A_68 : i32
        %rem3A_70 = arith.constant 3 : i32
        %rem3A_71 = arith.remsi %add3A_69, %rem3A_70 : i32
        %dma_wait3A_72 = arith.constant 0 : i32
        %dma_wait3A_73 = arith.constant 0 : i32
        %dma_wait3A_74 = arith.constant 0 : i32
        %dma_wait3A_75 = tpu.memref_slice %arg6[%dma_wait3A_72, %dma_wait3A_73, %dma_wait3A_74] : memref<3x2x128xi32, #tpu.memory_space<vmem>> -> memref<1x2x128xi32, #tpu.memory_space<vmem>>
        %dma_wait3A_76 = tpu.memref_squeeze %dma_wait3A_75 : memref<1x2x128xi32, #tpu.memory_space<vmem>> -> memref<2x128xi32, #tpu.memory_space<vmem>>
        %dma_wait3A_77 = arith.constant 0 : i32
        %dma_wait3A_78 = arith.constant 0 : i32
        %dma_wait3A_79 = tpu.memref_slice %arg3[%select_n3A, %dma_wait3A_77, %dma_wait3A_78] : memref<2528x2x128xi32, #tpu.memory_space<hbm>> -> memref<1x2x128xi32, #tpu.memory_space<hbm>>
        %dma_wait3A_80 = tpu.memref_squeeze %dma_wait3A_79 : memref<1x2x128xi32, #tpu.memory_space<hbm>> -> memref<2x128xi32, #tpu.memory_space<hbm>>
        %dma_wait3A_81 = arith.constant 0 : i32
        %dma_wait3A_82 = arith.constant 0 : i32
        %dma_wait3A_83 = tpu.memref_slice %arg6[%dma_wait3A_72, %dma_wait3A_81, %dma_wait3A_82] : memref<3x2x128xi32, #tpu.memory_space<vmem>> -> memref<1x2x128xi32, #tpu.memory_space<vmem>>
        %dma_wait3A_84 = tpu.memref_squeeze %dma_wait3A_83 : memref<1x2x128xi32, #tpu.memory_space<vmem>> -> memref<2x128xi32, #tpu.memory_space<vmem>>
        %dma_wait3A_85 = arith.constant 0 : i32
        %dma_wait3A_86 = arith.constant 0 : i32
        %dma_wait3A_87 = tpu.memref_slice %arg3[%select_n3A, %dma_wait3A_85, %dma_wait3A_86] : memref<2528x2x128xi32, #tpu.memory_space<hbm>> -> memref<1x2x128xi32, #tpu.memory_space<hbm>>
        %dma_wait3A_88 = tpu.memref_squeeze %dma_wait3A_87 : memref<1x2x128xi32, #tpu.memory_space<hbm>> -> memref<2x128xi32, #tpu.memory_space<hbm>>
        tpu.wait_dma2 semaphore(%arg9 : memref<!tpu.dma_semaphore, #tpu.memory_space<semaphore_mem>>) src(%dma_wait3A_88 : memref<2x128xi32, #tpu.memory_space<hbm>>) dst(%dma_wait3A_84 : memref<2x128xi32, #tpu.memory_space<vmem>>)
        %dma_start3A_89 = arith.constant 0 : i32
        %dma_start3A_90 = arith.constant 0 : i32
        %dma_start3A_91 = arith.constant 0 : i32
        %dma_start3A_92 = tpu.memref_slice %arg7[%rem3A_71, %dma_start3A_90, %dma_start3A_91] : memref<3x128x128xf32, #tpu.memory_space<vmem>> -> memref<1x128x128xf32, #tpu.memory_space<vmem>>
        %dma_start3A_93 = tpu.memref_squeeze %dma_start3A_92 : memref<1x128x128xf32, #tpu.memory_space<vmem>> -> memref<128x128xf32, #tpu.memory_space<vmem>>
        %dma_start3A_94 = arith.constant 0 : i32
        %dma_start3A_95 = tpu.memref_slice %arg6[%rem3A_71, %dma_start3A_89, %dma_start3A_94] : memref<3x2x128xi32, #tpu.memory_space<vmem>> -> memref<1x1x128xi32, #tpu.memory_space<vmem>>
        %dma_start3A_96 = tpu.memref_squeeze %dma_start3A_95 : memref<1x1x128xi32, #tpu.memory_space<vmem>> -> memref<128xi32, #tpu.memory_space<vmem>>
        %dma_start3A_97 = arith.constant 0 : i32
        %dma_start3A_98 = arith.constant 0 : i32
        %dma_start3A_99 = tpu.memref_slice %arg2[%dma_start3A_97, %dma_start3A_98] : memref<10112x128xf32, #tpu.memory_space<hbm>> -> memref<10112x128xf32, #tpu.memory_space<hbm>>
        tpu.enqueue_indirect_dma source(%dma_start3A_99 : memref<10112x128xf32, #tpu.memory_space<hbm>>) target(%dma_start3A_93 : memref<128x128xf32, #tpu.memory_space<vmem>>) offsets(%dma_start3A_96 : memref<128xi32, #tpu.memory_space<vmem>>) semaphore(%arg10 : memref<!tpu.dma_semaphore, #tpu.memory_space<semaphore_mem>>)
      } else {
      }
      %dma_wait3A = arith.constant 0 : i32
      %dma_wait3A_50 = arith.constant 0 : i32
      %dma_wait3A_51 = arith.constant 0 : i32
      %dma_wait3A_52 = tpu.memref_slice %arg7[%rem3A_44, %dma_wait3A_50, %dma_wait3A_51] : memref<3x128x128xf32, #tpu.memory_space<vmem>> -> memref<1x128x128xf32, #tpu.memory_space<vmem>>
      %dma_wait3A_53 = tpu.memref_squeeze %dma_wait3A_52 : memref<1x128x128xf32, #tpu.memory_space<vmem>> -> memref<128x128xf32, #tpu.memory_space<vmem>>
      %dma_wait3A_54 = arith.constant 0 : i32
      %dma_wait3A_55 = tpu.memref_slice %arg6[%rem3A_44, %dma_wait3A, %dma_wait3A_54] : memref<3x2x128xi32, #tpu.memory_space<vmem>> -> memref<1x1x128xi32, #tpu.memory_space<vmem>>
      %dma_wait3A_56 = tpu.memref_squeeze %dma_wait3A_55 : memref<1x1x128xi32, #tpu.memory_space<vmem>> -> memref<128xi32, #tpu.memory_space<vmem>>
      %dma_wait3A_57 = arith.constant 0 : i32
      %dma_wait3A_58 = arith.constant 0 : i32
      %dma_wait3A_59 = tpu.memref_slice %arg2[%dma_wait3A_57, %dma_wait3A_58] : memref<10112x128xf32, #tpu.memory_space<hbm>> -> memref<10112x128xf32, #tpu.memory_space<hbm>>
      tpu.wait_indirect_dma semaphore(%arg10 : memref<!tpu.dma_semaphore, #tpu.memory_space<semaphore_mem>>) src(%dma_wait3A_59 : memref<10112x128xf32, #tpu.memory_space<hbm>>) dst(%dma_wait3A_53 : memref<128x128xf32, #tpu.memory_space<vmem>>)
      %run_scoped3A_60 = arith.constant 1 : i32
      "tpu.region"() ({
        %run_scoped3A_68 = tpu.sem_alloc : memref<!tpu.dma_semaphore, #tpu.memory_space<semaphore_mem>>
        %dma_start3A_69 = arith.constant 0 : i32
        %dma_start3A_70 = arith.constant 0 : i32
        %dma_start3A_71 = tpu.memref_slice %arg7[%rem3A_44, %dma_start3A_69, %dma_start3A_70] : memref<3x128x128xf32, #tpu.memory_space<vmem>> -> memref<1x128x128xf32, #tpu.memory_space<vmem>>
        %dma_start3A_72 = tpu.memref_squeeze %dma_start3A_71 : memref<1x128x128xf32, #tpu.memory_space<vmem>> -> memref<128x128xf32, #tpu.memory_space<vmem>>
        %dma_start3A_73 = arith.constant 0 : i32
        %dma_start3A_74 = tpu.memref_slice %arg6[%rem3A_44, %run_scoped3A_60, %dma_start3A_73] : memref<3x2x128xi32, #tpu.memory_space<vmem>> -> memref<1x1x128xi32, #tpu.memory_space<vmem>>
        %dma_start3A_75 = tpu.memref_squeeze %dma_start3A_74 : memref<1x1x128xi32, #tpu.memory_space<vmem>> -> memref<128xi32, #tpu.memory_space<vmem>>
        %dma_start3A_76 = arith.constant 0 : i32
        %dma_start3A_77 = arith.constant 0 : i32
        %dma_start3A_78 = tpu.memref_slice %arg8[%dma_start3A_76, %dma_start3A_77] : memref<10112x128xf32, #tpu.memory_space<vmem_shared>> -> memref<10112x128xf32, #tpu.memory_space<vmem_shared>>
        tpu.enqueue_indirect_dma source(%dma_start3A_72 : memref<128x128xf32, #tpu.memory_space<vmem>>) target(%dma_start3A_78 : memref<10112x128xf32, #tpu.memory_space<vmem_shared>>) offsets(%dma_start3A_75 : memref<128xi32, #tpu.memory_space<vmem>>) semaphore(%run_scoped3A_68 : memref<!tpu.dma_semaphore, #tpu.memory_space<semaphore_mem>>) {add = true}
        %dma_wait3A_79 = arith.constant 0 : i32
        %dma_wait3A_80 = arith.constant 0 : i32
        %dma_wait3A_81 = tpu.memref_slice %arg7[%rem3A_44, %dma_wait3A_79, %dma_wait3A_80] : memref<3x128x128xf32, #tpu.memory_space<vmem>> -> memref<1x128x128xf32, #tpu.memory_space<vmem>>
        %dma_wait3A_82 = tpu.memref_squeeze %dma_wait3A_81 : memref<1x128x128xf32, #tpu.memory_space<vmem>> -> memref<128x128xf32, #tpu.memory_space<vmem>>
        %dma_wait3A_83 = arith.constant 0 : i32
        %dma_wait3A_84 = tpu.memref_slice %arg6[%rem3A_44, %run_scoped3A_60, %dma_wait3A_83] : memref<3x2x128xi32, #tpu.memory_space<vmem>> -> memref<1x1x128xi32, #tpu.memory_space<vmem>>
        %dma_wait3A_85 = tpu.memref_squeeze %dma_wait3A_84 : memref<1x1x128xi32, #tpu.memory_space<vmem>> -> memref<128xi32, #tpu.memory_space<vmem>>
        %dma_wait3A_86 = arith.constant 0 : i32
        %dma_wait3A_87 = arith.constant 0 : i32
        %dma_wait3A_88 = tpu.memref_slice %arg8[%dma_wait3A_86, %dma_wait3A_87] : memref<10112x128xf32, #tpu.memory_space<vmem_shared>> -> memref<10112x128xf32, #tpu.memory_space<vmem_shared>>
        tpu.wait_indirect_dma semaphore(%run_scoped3A_68 : memref<!tpu.dma_semaphore, #tpu.memory_space<semaphore_mem>>) src(%dma_wait3A_82 : memref<128x128xf32, #tpu.memory_space<vmem>>) dst(%dma_wait3A_88 : memref<10112x128xf32, #tpu.memory_space<vmem_shared>>)
        tpu.yield
      }) : () -> ()
      %add3A_61 = arith.constant 3 : i32
      %add3A_62 = arith.addi %while3A_42, %add3A_61 : i32
      %lt3A_63 = arith.cmpi slt, %add3A_62, %select_n3A_10 : i32
      %convert_element_type3A_64 = arith.extui %lt3A_63 : i1 to i32
      %cond3A_65 = arith.constant 0 : i32
      %cond3A_66 = arith.cmpi ne, %convert_element_type3A_64, %cond3A_65 : i32
      scf.if %cond3A_66 {
        %add3A_68 = arith.addi %select_n3A, %while3A_42 : i32
        %add3A_69 = arith.constant 3 : i32
        %add3A_70 = arith.addi %add3A_68, %add3A_69 : i32
        %dma_start3A_71 = arith.constant 0 : i32
        %dma_start3A_72 = arith.constant 0 : i32
        %dma_start3A_73 = tpu.memref_slice %arg6[%rem3A_44, %dma_start3A_71, %dma_start3A_72] : memref<3x2x128xi32, #tpu.memory_space<vmem>> -> memref<1x2x128xi32, #tpu.memory_space<vmem>>
        %dma_start3A_74 = tpu.memref_squeeze %dma_start3A_73 : memref<1x2x128xi32, #tpu.memory_space<vmem>> -> memref<2x128xi32, #tpu.memory_space<vmem>>
        %dma_start3A_75 = arith.constant 0 : i32
        %dma_start3A_76 = arith.constant 0 : i32
        %dma_start3A_77 = tpu.memref_slice %arg3[%add3A_70, %dma_start3A_75, %dma_start3A_76] : memref<2528x2x128xi32, #tpu.memory_space<hbm>> -> memref<1x2x128xi32, #tpu.memory_space<hbm>>
        %dma_start3A_78 = tpu.memref_squeeze %dma_start3A_77 : memref<1x2x128xi32, #tpu.memory_space<hbm>> -> memref<2x128xi32, #tpu.memory_space<hbm>>
        %dma_start3A_79 = arith.constant 0 : i32
        %dma_start3A_80 = arith.constant 0 : i32
        %dma_start3A_81 = tpu.memref_slice %arg6[%rem3A_44, %dma_start3A_79, %dma_start3A_80] : memref<3x2x128xi32, #tpu.memory_space<vmem>> -> memref<1x2x128xi32, #tpu.memory_space<vmem>>
        %dma_start3A_82 = tpu.memref_squeeze %dma_start3A_81 : memref<1x2x128xi32, #tpu.memory_space<vmem>> -> memref<2x128xi32, #tpu.memory_space<vmem>>
        %dma_start3A_83 = arith.constant 0 : i32
        %dma_start3A_84 = arith.constant 0 : i32
        %dma_start3A_85 = tpu.memref_slice %arg3[%add3A_70, %dma_start3A_83, %dma_start3A_84] : memref<2528x2x128xi32, #tpu.memory_space<hbm>> -> memref<1x2x128xi32, #tpu.memory_space<hbm>>
        %dma_start3A_86 = tpu.memref_squeeze %dma_start3A_85 : memref<1x2x128xi32, #tpu.memory_space<hbm>> -> memref<2x128xi32, #tpu.memory_space<hbm>>
        tpu.enqueue_dma source(%dma_start3A_86 : memref<2x128xi32, #tpu.memory_space<hbm>>) target(%dma_start3A_82 : memref<2x128xi32, #tpu.memory_space<vmem>>) target_semaphore(%arg9 : memref<!tpu.dma_semaphore, #tpu.memory_space<semaphore_mem>>)
      } else {
      }
      %while3A_67 = arith.constant 0 : i32
      scf.yield %while3A_67 : i32
    }
    %while3A_39 = arith.constant 1 : i32
    %while3A_40 = scf.for %while3A_42 = %while3A_36 to %while3A_32 step %while3A_39 iter_args(%while3A_43 = %while3A_38) -> (i32)  : i32 {
      %rem3A = arith.constant 3 : i32
      %rem3A_44 = arith.remsi %while3A_42, %rem3A : i32
      %add3A_45 = arith.constant 1 : i32
      %add3A_46 = arith.addi %while3A_42, %add3A_45 : i32
      %lt3A = arith.cmpi slt, %add3A_46, %select_n3A_10 : i32
      %convert_element_type3A_47 = arith.extui %lt3A : i1 to i32
      %cond3A_48 = arith.constant 0 : i32
      %cond3A_49 = arith.cmpi ne, %convert_element_type3A_47, %cond3A_48 : i32
      scf.if %cond3A_49 {
        %add3A_68 = arith.constant 1 : i32
        %add3A_69 = arith.addi %while3A_42, %add3A_68 : i32
        %rem3A_70 = arith.constant 3 : i32
        %rem3A_71 = arith.remsi %add3A_69, %rem3A_70 : i32
        %dma_wait3A_72 = arith.constant 0 : i32
        %dma_wait3A_73 = arith.constant 0 : i32
        %dma_wait3A_74 = arith.constant 0 : i32
        %dma_wait3A_75 = tpu.memref_slice %arg6[%dma_wait3A_72, %dma_wait3A_73, %dma_wait3A_74] : memref<3x2x128xi32, #tpu.memory_space<vmem>> -> memref<1x2x128xi32, #tpu.memory_space<vmem>>
        %dma_wait3A_76 = tpu.memref_squeeze %dma_wait3A_75 : memref<1x2x128xi32, #tpu.memory_space<vmem>> -> memref<2x128xi32, #tpu.memory_space<vmem>>
        %dma_wait3A_77 = arith.constant 0 : i32
        %dma_wait3A_78 = arith.constant 0 : i32
        %dma_wait3A_79 = tpu.memref_slice %arg3[%select_n3A, %dma_wait3A_77, %dma_wait3A_78] : memref<2528x2x128xi32, #tpu.memory_space<hbm>> -> memref<1x2x128xi32, #tpu.memory_space<hbm>>
        %dma_wait3A_80 = tpu.memref_squeeze %dma_wait3A_79 : memref<1x2x128xi32, #tpu.memory_space<hbm>> -> memref<2x128xi32, #tpu.memory_space<hbm>>
        %dma_wait3A_81 = arith.constant 0 : i32
        %dma_wait3A_82 = arith.constant 0 : i32
        %dma_wait3A_83 = tpu.memref_slice %arg6[%dma_wait3A_72, %dma_wait3A_81, %dma_wait3A_82] : memref<3x2x128xi32, #tpu.memory_space<vmem>> -> memref<1x2x128xi32, #tpu.memory_space<vmem>>
        %dma_wait3A_84 = tpu.memref_squeeze %dma_wait3A_83 : memref<1x2x128xi32, #tpu.memory_space<vmem>> -> memref<2x128xi32, #tpu.memory_space<vmem>>
        %dma_wait3A_85 = arith.constant 0 : i32
        %dma_wait3A_86 = arith.constant 0 : i32
        %dma_wait3A_87 = tpu.memref_slice %arg3[%select_n3A, %dma_wait3A_85, %dma_wait3A_86] : memref<2528x2x128xi32, #tpu.memory_space<hbm>> -> memref<1x2x128xi32, #tpu.memory_space<hbm>>
        %dma_wait3A_88 = tpu.memref_squeeze %dma_wait3A_87 : memref<1x2x128xi32, #tpu.memory_space<hbm>> -> memref<2x128xi32, #tpu.memory_space<hbm>>
        tpu.wait_dma2 semaphore(%arg9 : memref<!tpu.dma_semaphore, #tpu.memory_space<semaphore_mem>>) src(%dma_wait3A_88 : memref<2x128xi32, #tpu.memory_space<hbm>>) dst(%dma_wait3A_84 : memref<2x128xi32, #tpu.memory_space<vmem>>)
        %dma_start3A_89 = arith.constant 0 : i32
        %dma_start3A_90 = arith.constant 0 : i32
        %dma_start3A_91 = arith.constant 0 : i32
        %dma_start3A_92 = tpu.memref_slice %arg7[%rem3A_71, %dma_start3A_90, %dma_start3A_91] : memref<3x128x128xf32, #tpu.memory_space<vmem>> -> memref<1x128x128xf32, #tpu.memory_space<vmem>>
        %dma_start3A_93 = tpu.memref_squeeze %dma_start3A_92 : memref<1x128x128xf32, #tpu.memory_space<vmem>> -> memref<128x128xf32, #tpu.memory_space<vmem>>
        %dma_start3A_94 = arith.constant 0 : i32
        %dma_start3A_95 = tpu.memref_slice %arg6[%rem3A_71, %dma_start3A_89, %dma_start3A_94] : memref<3x2x128xi32, #tpu.memory_space<vmem>> -> memref<1x1x128xi32, #tpu.memory_space<vmem>>
        %dma_start3A_96 = tpu.memref_squeeze %dma_start3A_95 : memref<1x1x128xi32, #tpu.memory_space<vmem>> -> memref<128xi32, #tpu.memory_space<vmem>>
        %dma_start3A_97 = arith.constant 0 : i32
        %dma_start3A_98 = arith.constant 0 : i32
        %dma_start3A_99 = tpu.memref_slice %arg2[%dma_start3A_97, %dma_start3A_98] : memref<10112x128xf32, #tpu.memory_space<hbm>> -> memref<10112x128xf32, #tpu.memory_space<hbm>>
        tpu.enqueue_indirect_dma source(%dma_start3A_99 : memref<10112x128xf32, #tpu.memory_space<hbm>>) target(%dma_start3A_93 : memref<128x128xf32, #tpu.memory_space<vmem>>) offsets(%dma_start3A_96 : memref<128xi32, #tpu.memory_space<vmem>>) semaphore(%arg10 : memref<!tpu.dma_semaphore, #tpu.memory_space<semaphore_mem>>)
      } else {
      }
      %dma_wait3A = arith.constant 0 : i32
      %dma_wait3A_50 = arith.constant 0 : i32
      %dma_wait3A_51 = arith.constant 0 : i32
      %dma_wait3A_52 = tpu.memref_slice %arg7[%rem3A_44, %dma_wait3A_50, %dma_wait3A_51] : memref<3x128x128xf32, #tpu.memory_space<vmem>> -> memref<1x128x128xf32, #tpu.memory_space<vmem>>
      %dma_wait3A_53 = tpu.memref_squeeze %dma_wait3A_52 : memref<1x128x128xf32, #tpu.memory_space<vmem>> -> memref<128x128xf32, #tpu.memory_space<vmem>>
      %dma_wait3A_54 = arith.constant 0 : i32
      %dma_wait3A_55 = tpu.memref_slice %arg6[%rem3A_44, %dma_wait3A, %dma_wait3A_54] : memref<3x2x128xi32, #tpu.memory_space<vmem>> -> memref<1x1x128xi32, #tpu.memory_space<vmem>>
      %dma_wait3A_56 = tpu.memref_squeeze %dma_wait3A_55 : memref<1x1x128xi32, #tpu.memory_space<vmem>> -> memref<128xi32, #tpu.memory_space<vmem>>
      %dma_wait3A_57 = arith.constant 0 : i32
      %dma_wait3A_58 = arith.constant 0 : i32
      %dma_wait3A_59 = tpu.memref_slice %arg2[%dma_wait3A_57, %dma_wait3A_58] : memref<10112x128xf32, #tpu.memory_space<hbm>> -> memref<10112x128xf32, #tpu.memory_space<hbm>>
      tpu.wait_indirect_dma semaphore(%arg10 : memref<!tpu.dma_semaphore, #tpu.memory_space<semaphore_mem>>) src(%dma_wait3A_59 : memref<10112x128xf32, #tpu.memory_space<hbm>>) dst(%dma_wait3A_53 : memref<128x128xf32, #tpu.memory_space<vmem>>)
      %run_scoped3A_60 = arith.constant 1 : i32
      "tpu.region"() ({
        %run_scoped3A_68 = tpu.sem_alloc : memref<!tpu.dma_semaphore, #tpu.memory_space<semaphore_mem>>
        %dma_start3A_69 = arith.constant 0 : i32
        %dma_start3A_70 = arith.constant 0 : i32
        %dma_start3A_71 = tpu.memref_slice %arg7[%rem3A_44, %dma_start3A_69, %dma_start3A_70] : memref<3x128x128xf32, #tpu.memory_space<vmem>> -> memref<1x128x128xf32, #tpu.memory_space<vmem>>
        %dma_start3A_72 = tpu.memref_squeeze %dma_start3A_71 : memref<1x128x128xf32, #tpu.memory_space<vmem>> -> memref<128x128xf32, #tpu.memory_space<vmem>>
        %dma_start3A_73 = arith.constant 0 : i32
        %dma_start3A_74 = tpu.memref_slice %arg6[%rem3A_44, %run_scoped3A_60, %dma_start3A_73] : memref<3x2x128xi32, #tpu.memory_space<vmem>> -> memref<1x1x128xi32, #tpu.memory_space<vmem>>
        %dma_start3A_75 = tpu.memref_squeeze %dma_start3A_74 : memref<1x1x128xi32, #tpu.memory_space<vmem>> -> memref<128xi32, #tpu.memory_space<vmem>>
        %dma_start3A_76 = arith.constant 0 : i32
        %dma_start3A_77 = arith.constant 0 : i32
        %dma_start3A_78 = tpu.memref_slice %arg8[%dma_start3A_76, %dma_start3A_77] : memref<10112x128xf32, #tpu.memory_space<vmem_shared>> -> memref<10112x128xf32, #tpu.memory_space<vmem_shared>>
        tpu.enqueue_indirect_dma source(%dma_start3A_72 : memref<128x128xf32, #tpu.memory_space<vmem>>) target(%dma_start3A_78 : memref<10112x128xf32, #tpu.memory_space<vmem_shared>>) offsets(%dma_start3A_75 : memref<128xi32, #tpu.memory_space<vmem>>) semaphore(%run_scoped3A_68 : memref<!tpu.dma_semaphore, #tpu.memory_space<semaphore_mem>>) {add = true}
        %dma_wait3A_79 = arith.constant 0 : i32
        %dma_wait3A_80 = arith.constant 0 : i32
        %dma_wait3A_81 = tpu.memref_slice %arg7[%rem3A_44, %dma_wait3A_79, %dma_wait3A_80] : memref<3x128x128xf32, #tpu.memory_space<vmem>> -> memref<1x128x128xf32, #tpu.memory_space<vmem>>
        %dma_wait3A_82 = tpu.memref_squeeze %dma_wait3A_81 : memref<1x128x128xf32, #tpu.memory_space<vmem>> -> memref<128x128xf32, #tpu.memory_space<vmem>>
        %dma_wait3A_83 = arith.constant 0 : i32
        %dma_wait3A_84 = tpu.memref_slice %arg6[%rem3A_44, %run_scoped3A_60, %dma_wait3A_83] : memref<3x2x128xi32, #tpu.memory_space<vmem>> -> memref<1x1x128xi32, #tpu.memory_space<vmem>>
        %dma_wait3A_85 = tpu.memref_squeeze %dma_wait3A_84 : memref<1x1x128xi32, #tpu.memory_space<vmem>> -> memref<128xi32, #tpu.memory_space<vmem>>
        %dma_wait3A_86 = arith.constant 0 : i32
        %dma_wait3A_87 = arith.constant 0 : i32
        %dma_wait3A_88 = tpu.memref_slice %arg8[%dma_wait3A_86, %dma_wait3A_87] : memref<10112x128xf32, #tpu.memory_space<vmem_shared>> -> memref<10112x128xf32, #tpu.memory_space<vmem_shared>>
        tpu.wait_indirect_dma semaphore(%run_scoped3A_68 : memref<!tpu.dma_semaphore, #tpu.memory_space<semaphore_mem>>) src(%dma_wait3A_82 : memref<128x128xf32, #tpu.memory_space<vmem>>) dst(%dma_wait3A_88 : memref<10112x128xf32, #tpu.memory_space<vmem_shared>>)
        tpu.yield
      }) : () -> ()
      %add3A_61 = arith.constant 3 : i32
      %add3A_62 = arith.addi %while3A_42, %add3A_61 : i32
      %lt3A_63 = arith.cmpi slt, %add3A_62, %select_n3A_10 : i32
      %convert_element_type3A_64 = arith.extui %lt3A_63 : i1 to i32
      %cond3A_65 = arith.constant 0 : i32
      %cond3A_66 = arith.cmpi ne, %convert_element_type3A_64, %cond3A_65 : i32
      scf.if %cond3A_66 {
        %add3A_68 = arith.addi %select_n3A, %while3A_42 : i32
        %add3A_69 = arith.constant 3 : i32
        %add3A_70 = arith.addi %add3A_68, %add3A_69 : i32
        %dma_start3A_71 = arith.constant 0 : i32
        %dma_start3A_72 = arith.constant 0 : i32
        %dma_start3A_73 = tpu.memref_slice %arg6[%rem3A_44, %dma_start3A_71, %dma_start3A_72] : memref<3x2x128xi32, #tpu.memory_space<vmem>> -> memref<1x2x128xi32, #tpu.memory_space<vmem>>
        %dma_start3A_74 = tpu.memref_squeeze %dma_start3A_73 : memref<1x2x128xi32, #tpu.memory_space<vmem>> -> memref<2x128xi32, #tpu.memory_space<vmem>>
        %dma_start3A_75 = arith.constant 0 : i32
        %dma_start3A_76 = arith.constant 0 : i32
        %dma_start3A_77 = tpu.memref_slice %arg3[%add3A_70, %dma_start3A_75, %dma_start3A_76] : memref<2528x2x128xi32, #tpu.memory_space<hbm>> -> memref<1x2x128xi32, #tpu.memory_space<hbm>>
        %dma_start3A_78 = tpu.memref_squeeze %dma_start3A_77 : memref<1x2x128xi32, #tpu.memory_space<hbm>> -> memref<2x128xi32, #tpu.memory_space<hbm>>
        %dma_start3A_79 = arith.constant 0 : i32
        %dma_start3A_80 = arith.constant 0 : i32
        %dma_start3A_81 = tpu.memref_slice %arg6[%rem3A_44, %dma_start3A_79, %dma_start3A_80] : memref<3x2x128xi32, #tpu.memory_space<vmem>> -> memref<1x2x128xi32, #tpu.memory_space<vmem>>
        %dma_start3A_82 = tpu.memref_squeeze %dma_start3A_81 : memref<1x2x128xi32, #tpu.memory_space<vmem>> -> memref<2x128xi32, #tpu.memory_space<vmem>>
        %dma_start3A_83 = arith.constant 0 : i32
        %dma_start3A_84 = arith.constant 0 : i32
        %dma_start3A_85 = tpu.memref_slice %arg3[%add3A_70, %dma_start3A_83, %dma_start3A_84] : memref<2528x2x128xi32, #tpu.memory_space<hbm>> -> memref<1x2x128xi32, #tpu.memory_space<hbm>>
        %dma_start3A_86 = tpu.memref_squeeze %dma_start3A_85 : memref<1x2x128xi32, #tpu.memory_space<hbm>> -> memref<2x128xi32, #tpu.memory_space<hbm>>
        tpu.enqueue_dma source(%dma_start3A_86 : memref<2x128xi32, #tpu.memory_space<hbm>>) target(%dma_start3A_82 : memref<2x128xi32, #tpu.memory_space<vmem>>) target_semaphore(%arg9 : memref<!tpu.dma_semaphore, #tpu.memory_space<semaphore_mem>>)
      } else {
      }
      %while3A_67 = arith.constant 0 : i32
      scf.yield %while3A_67 : i32
    }
    %barrier3A_41 = arith.constant 0 : index
    tpu.barrier barrier_id(%barrier3A_41)
    "tpu.region"() ({
      %run_scoped3A_42 = tpu.sem_alloc : memref<!tpu.dma_semaphore, #tpu.memory_space<semaphore_mem>>
      %dma_start3A_43 = arith.constant 0 : i32
      %dma_start3A_44 = tpu.memref_slice %arg5[%arg0, %mul3A_0, %dma_start3A_43] : memref<2x10112x128xf32, #tpu.memory_space<hbm>> -> memref<1x632x128xf32, #tpu.memory_space<hbm>>
      %dma_start3A_45 = tpu.memref_squeeze %dma_start3A_44 : memref<1x632x128xf32, #tpu.memory_space<hbm>> -> memref<632x128xf32, #tpu.memory_space<hbm>>
      %dma_start3A_46 = arith.constant 0 : i32
      %dma_start3A_47 = tpu.memref_slice %arg8[%mul3A_0, %dma_start3A_46] : memref<10112x128xf32, #tpu.memory_space<vmem_shared>> -> memref<632x128xf32, #tpu.memory_space<vmem_shared>>
      tpu.enqueue_dma source(%dma_start3A_47 : memref<632x128xf32, #tpu.memory_space<vmem_shared>>) target(%dma_start3A_45 : memref<632x128xf32, #tpu.memory_space<hbm>>) target_semaphore(%run_scoped3A_42 : memref<!tpu.dma_semaphore, #tpu.memory_space<semaphore_mem>>)
      %dma_wait3A = arith.constant 0 : i32
      %dma_wait3A_48 = tpu.memref_slice %arg5[%arg0, %mul3A_0, %dma_wait3A] : memref<2x10112x128xf32, #tpu.memory_space<hbm>> -> memref<1x632x128xf32, #tpu.memory_space<hbm>>
      %dma_wait3A_49 = tpu.memref_squeeze %dma_wait3A_48 : memref<1x632x128xf32, #tpu.memory_space<hbm>> -> memref<632x128xf32, #tpu.memory_space<hbm>>
      %dma_wait3A_50 = arith.constant 0 : i32
      %dma_wait3A_51 = tpu.memref_slice %arg8[%mul3A_0, %dma_wait3A_50] : memref<10112x128xf32, #tpu.memory_space<vmem_shared>> -> memref<632x128xf32, #tpu.memory_space<vmem_shared>>
      tpu.wait_dma2 semaphore(%run_scoped3A_42 : memref<!tpu.dma_semaphore, #tpu.memory_space<semaphore_mem>>) src(%dma_wait3A_51 : memref<632x128xf32, #tpu.memory_space<vmem_shared>>) dst(%dma_wait3A_49 : memref<632x128xf32, #tpu.memory_space<hbm>>)
      tpu.yield
    }) : () -> ()
    return
  }
}

#map = affine_map<(d0, d1) -> (0, 0)>
#map1 = affine_map<(d0, d1) -> (0, 0, 0)>
module attributes {stable_mosaic.version = 14 : i64} {
  func.func @body(%arg0: i32, %arg1: i32, %arg2: memref<10112x128xf32, #tpu.memory_space<hbm>>, %arg3: memref<2528x2x128xi32, #tpu.memory_space<hbm>>, %arg4: memref<10112x128xf32, #tpu.memory_space<hbm>>, %arg5: memref<2x10112x128xf32, #tpu.memory_space<hbm>>, %arg6: memref<3x2x128xi32, #tpu.memory_space<vmem>>, %arg7: memref<3x128x128xf32, #tpu.memory_space<vmem>>, %arg8: memref<10112x128xf32, #tpu.memory_space<vmem_shared>>, %arg9: memref<!tpu.dma_semaphore, #tpu.memory_space<semaphore_mem>>, %arg10: memref<!tpu.dma_semaphore, #tpu.memory_space<semaphore_mem>>) attributes {dimension_semantics = [#tpu.dimension_semantics<core_parallel>, #tpu.dimension_semantics<subcore_parallel>], iteration_bounds = array<i64: 2, 16>, scalar_prefetch = 0 : i64, scratch_operands = 5 : i64, tpu.core_type = #tpu.core_type<sc_vector_subcore>, window_params = [{transform_indices = #map}, {transform_indices = #map1}, {transform_indices = #map}, {transform_indices = #map1}]} {
    %mul3A = arith.constant 632 : i32
    %mul3A_0 = arith.muli %arg1, %mul3A : i32
    %eq3A = arith.constant 0 : i32
    %eq3A_1 = arith.cmpi eq, %arg0, %eq3A : i32
    %mul3A_2 = arith.constant 150 : i32
    %mul3A_3 = arith.muli %arg1, %mul3A_2 : i32
    %mul3A_4 = arith.constant 8 : i32
    %mul3A_5 = arith.muli %arg1, %mul3A_4 : i32
    %add3A = arith.constant 2400 : i32
    %add3A_6 = arith.addi %add3A, %mul3A_5 : i32
    %select_n3A = arith.select %eq3A_1, %mul3A_3, %add3A_6 : i32
    %eq3A_7 = arith.constant 0 : i32
    %eq3A_8 = arith.cmpi eq, %arg0, %eq3A_7 : i32
    %jit3A = arith.constant 150 : i32
    %jit3A_9 = arith.constant 8 : i32
    %select_n3A_10 = arith.select %eq3A_8, %jit3A, %jit3A_9 : i32
    "tpu.region"() ({
      %run_scoped3A_42 = tpu.sem_alloc : memref<!tpu.dma_semaphore, #tpu.memory_space<semaphore_mem>>
      %dma_start3A_43 = arith.constant 0 : i32
      %dma_start3A_44 = tpu.memref_slice %arg8[%mul3A_0, %dma_start3A_43] : memref<10112x128xf32, #tpu.memory_space<vmem_shared>> -> memref<632x128xf32, #tpu.memory_space<vmem_shared>>
      %dma_start3A_45 = arith.constant 0 : i32
      %dma_start3A_46 = tpu.memref_slice %arg4[%mul3A_0, %dma_start3A_45] : memref<10112x128xf32, #tpu.memory_space<hbm>> -> memref<632x128xf32, #tpu.memory_space<hbm>>
      tpu.enqueue_dma source(%dma_start3A_46 : memref<632x128xf32, #tpu.memory_space<hbm>>) target(%dma_start3A_44 : memref<632x128xf32, #tpu.memory_space<vmem_shared>>) target_semaphore(%run_scoped3A_42 : memref<!tpu.dma_semaphore, #tpu.memory_space<semaphore_mem>>)
      %dma_wait3A = arith.constant 0 : i32
      %dma_wait3A_47 = tpu.memref_slice %arg8[%mul3A_0, %dma_wait3A] : memref<10112x128xf32, #tpu.memory_space<vmem_shared>> -> memref<632x128xf32, #tpu.memory_space<vmem_shared>>
      %dma_wait3A_48 = arith.constant 0 : i32
      %dma_wait3A_49 = tpu.memref_slice %arg4[%mul3A_0, %dma_wait3A_48] : memref<10112x128xf32, #tpu.memory_space<hbm>> -> memref<632x128xf32, #tpu.memory_space<hbm>>
      tpu.wait_dma2 semaphore(%run_scoped3A_42 : memref<!tpu.dma_semaphore, #tpu.memory_space<semaphore_mem>>) src(%dma_wait3A_49 : memref<632x128xf32, #tpu.memory_space<hbm>>) dst(%dma_wait3A_47 : memref<632x128xf32, #tpu.memory_space<vmem_shared>>)
      tpu.yield
    }) : () -> ()
    %barrier3A = arith.constant 0 : index
    tpu.barrier barrier_id(%barrier3A)
    %run_scoped3A = arith.constant 0 : i32
    "tpu.region"() ({
      %run_scoped3A_42 = tpu.sem_alloc : memref<!tpu.dma_semaphore, #tpu.memory_space<semaphore_mem>>
      %dma_start3A_43 = arith.constant 0 : i32
      %dma_start3A_44 = arith.constant 0 : i32
      %dma_start3A_45 = tpu.memref_slice %arg6[%run_scoped3A, %dma_start3A_43, %dma_start3A_44] : memref<3x2x128xi32, #tpu.memory_space<vmem>> -> memref<1x2x128xi32, #tpu.memory_space<vmem>>
      %dma_start3A_46 = tpu.memref_squeeze %dma_start3A_45 : memref<1x2x128xi32, #tpu.memory_space<vmem>> -> memref<2x128xi32, #tpu.memory_space<vmem>>
      %dma_start3A_47 = arith.constant 0 : i32
      %dma_start3A_48 = arith.constant 0 : i32
      %dma_start3A_49 = tpu.memref_slice %arg3[%select_n3A, %dma_start3A_47, %dma_start3A_48] : memref<2528x2x128xi32, #tpu.memory_space<hbm>> -> memref<1x2x128xi32, #tpu.memory_space<hbm>>
      %dma_start3A_50 = tpu.memref_squeeze %dma_start3A_49 : memref<1x2x128xi32, #tpu.memory_space<hbm>> -> memref<2x128xi32, #tpu.memory_space<hbm>>
      %dma_start3A_51 = arith.constant 0 : i32
      %dma_start3A_52 = arith.constant 0 : i32
      %dma_start3A_53 = tpu.memref_slice %arg6[%run_scoped3A, %dma_start3A_51, %dma_start3A_52] : memref<3x2x128xi32, #tpu.memory_space<vmem>> -> memref<1x2x128xi32, #tpu.memory_space<vmem>>
      %dma_start3A_54 = tpu.memref_squeeze %dma_start3A_53 : memref<1x2x128xi32, #tpu.memory_space<vmem>> -> memref<2x128xi32, #tpu.memory_space<vmem>>
      %dma_start3A_55 = arith.constant 0 : i32
      %dma_start3A_56 = arith.constant 0 : i32
      %dma_start3A_57 = tpu.memref_slice %arg3[%select_n3A, %dma_start3A_55, %dma_start3A_56] : memref<2528x2x128xi32, #tpu.memory_space<hbm>> -> memref<1x2x128xi32, #tpu.memory_space<hbm>>
      %dma_start3A_58 = tpu.memref_squeeze %dma_start3A_57 : memref<1x2x128xi32, #tpu.memory_space<hbm>> -> memref<2x128xi32, #tpu.memory_space<hbm>>
      tpu.enqueue_dma source(%dma_start3A_58 : memref<2x128xi32, #tpu.memory_space<hbm>>) target(%dma_start3A_54 : memref<2x128xi32, #tpu.memory_space<vmem>>) target_semaphore(%run_scoped3A_42 : memref<!tpu.dma_semaphore, #tpu.memory_space<semaphore_mem>>)
      %dma_wait3A = arith.constant 0 : i32
      %dma_wait3A_59 = arith.constant 0 : i32
      %dma_wait3A_60 = tpu.memref_slice %arg6[%run_scoped3A, %dma_wait3A, %dma_wait3A_59] : memref<3x2x128xi32, #tpu.memory_space<vmem>> -> memref<1x2x128xi32, #tpu.memory_space<vmem>>
      %dma_wait3A_61 = tpu.memref_squeeze %dma_wait3A_60 : memref<1x2x128xi32, #tpu.memory_space<vmem>> -> memref<2x128xi32, #tpu.memory_space<vmem>>
      %dma_wait3A_62 = arith.constant 0 : i32
      %dma_wait3A_63 = arith.constant 0 : i32
      %dma_wait3A_64 = tpu.memref_slice %arg3[%select_n3A, %dma_wait3A_62, %dma_wait3A_63] : memref<2528x2x128xi32, #tpu.memory_space<hbm>> -> memref<1x2x128xi32, #tpu.memory_space<hbm>>
      %dma_wait3A_65 = tpu.memref_squeeze %dma_wait3A_64 : memref<1x2x128xi32, #tpu.memory_space<hbm>> -> memref<2x128xi32, #tpu.memory_space<hbm>>
      %dma_wait3A_66 = arith.constant 0 : i32
      %dma_wait3A_67 = arith.constant 0 : i32
      %dma_wait3A_68 = tpu.memref_slice %arg6[%run_scoped3A, %dma_wait3A_66, %dma_wait3A_67] : memref<3x2x128xi32, #tpu.memory_space<vmem>> -> memref<1x2x128xi32, #tpu.memory_space<vmem>>
      %dma_wait3A_69 = tpu.memref_squeeze %dma_wait3A_68 : memref<1x2x128xi32, #tpu.memory_space<vmem>> -> memref<2x128xi32, #tpu.memory_space<vmem>>
      %dma_wait3A_70 = arith.constant 0 : i32
      %dma_wait3A_71 = arith.constant 0 : i32
      %dma_wait3A_72 = tpu.memref_slice %arg3[%select_n3A, %dma_wait3A_70, %dma_wait3A_71] : memref<2528x2x128xi32, #tpu.memory_space<hbm>> -> memref<1x2x128xi32, #tpu.memory_space<hbm>>
      %dma_wait3A_73 = tpu.memref_squeeze %dma_wait3A_72 : memref<1x2x128xi32, #tpu.memory_space<hbm>> -> memref<2x128xi32, #tpu.memory_space<hbm>>
      tpu.wait_dma2 semaphore(%run_scoped3A_42 : memref<!tpu.dma_semaphore, #tpu.memory_space<semaphore_mem>>) src(%dma_wait3A_73 : memref<2x128xi32, #tpu.memory_space<hbm>>) dst(%dma_wait3A_69 : memref<2x128xi32, #tpu.memory_space<vmem>>)
      tpu.yield
    }) : () -> ()
    %gt3A = arith.constant 1 : i32
    %gt3A_11 = arith.cmpi sgt, %select_n3A_10, %gt3A : i32
    %convert_element_type3A = arith.extui %gt3A_11 : i1 to i32
    %cond3A = arith.constant 0 : i32
    %cond3A_12 = arith.cmpi ne, %convert_element_type3A, %cond3A : i32
    scf.if %cond3A_12 {
      %add3A_42 = arith.constant 1 : i32
      %add3A_43 = arith.addi %select_n3A, %add3A_42 : i32
      %dma_start3A_44 = arith.constant 1 : i32
      %dma_start3A_45 = arith.constant 0 : i32
      %dma_start3A_46 = arith.constant 0 : i32
      %dma_start3A_47 = tpu.memref_slice %arg6[%dma_start3A_44, %dma_start3A_45, %dma_start3A_46] : memref<3x2x128xi32, #tpu.memory_space<vmem>> -> memref<1x2x128xi32, #tpu.memory_space<vmem>>
      %dma_start3A_48 = tpu.memref_squeeze %dma_start3A_47 : memref<1x2x128xi32, #tpu.memory_space<vmem>> -> memref<2x128xi32, #tpu.memory_space<vmem>>
      %dma_start3A_49 = arith.constant 0 : i32
      %dma_start3A_50 = arith.constant 0 : i32
      %dma_start3A_51 = tpu.memref_slice %arg3[%add3A_43, %dma_start3A_49, %dma_start3A_50] : memref<2528x2x128xi32, #tpu.memory_space<hbm>> -> memref<1x2x128xi32, #tpu.memory_space<hbm>>
      %dma_start3A_52 = tpu.memref_squeeze %dma_start3A_51 : memref<1x2x128xi32, #tpu.memory_space<hbm>> -> memref<2x128xi32, #tpu.memory_space<hbm>>
      %dma_start3A_53 = arith.constant 0 : i32
      %dma_start3A_54 = arith.constant 0 : i32
      %dma_start3A_55 = tpu.memref_slice %arg6[%dma_start3A_44, %dma_start3A_53, %dma_start3A_54] : memref<3x2x128xi32, #tpu.memory_space<vmem>> -> memref<1x2x128xi32, #tpu.memory_space<vmem>>
      %dma_start3A_56 = tpu.memref_squeeze %dma_start3A_55 : memref<1x2x128xi32, #tpu.memory_space<vmem>> -> memref<2x128xi32, #tpu.memory_space<vmem>>
      %dma_start3A_57 = arith.constant 0 : i32
      %dma_start3A_58 = arith.constant 0 : i32
      %dma_start3A_59 = tpu.memref_slice %arg3[%add3A_43, %dma_start3A_57, %dma_start3A_58] : memref<2528x2x128xi32, #tpu.memory_space<hbm>> -> memref<1x2x128xi32, #tpu.memory_space<hbm>>
      %dma_start3A_60 = tpu.memref_squeeze %dma_start3A_59 : memref<1x2x128xi32, #tpu.memory_space<hbm>> -> memref<2x128xi32, #tpu.memory_space<hbm>>
      tpu.enqueue_dma source(%dma_start3A_60 : memref<2x128xi32, #tpu.memory_space<hbm>>) target(%dma_start3A_56 : memref<2x128xi32, #tpu.memory_space<vmem>>) target_semaphore(%arg9 : memref<!tpu.dma_semaphore, #tpu.memory_space<semaphore_mem>>)
    } else {
    }
    %gt3A_13 = arith.constant 2 : i32
    %gt3A_14 = arith.cmpi sgt, %select_n3A_10, %gt3A_13 : i32
    %convert_element_type3A_15 = arith.extui %gt3A_14 : i1 to i32
    %cond3A_16 = arith.constant 0 : i32
    %cond3A_17 = arith.cmpi ne, %convert_element_type3A_15, %cond3A_16 : i32
    scf.if %cond3A_17 {
      %add3A_42 = arith.constant 2 : i32
      %add3A_43 = arith.addi %select_n3A, %add3A_42 : i32
      %dma_start3A_44 = arith.constant 2 : i32
      %dma_start3A_45 = arith.constant 0 : i32
      %dma_start3A_46 = arith.constant 0 : i32
      %dma_start3A_47 = tpu.memref_slice %arg6[%dma_start3A_44, %dma_start3A_45, %dma_start3A_46] : memref<3x2x128xi32, #tpu.memory_space<vmem>> -> memref<1x2x128xi32, #tpu.memory_space<vmem>>
      %dma_start3A_48 = tpu.memref_squeeze %dma_start3A_47 : memref<1x2x128xi32, #tpu.memory_space<vmem>> -> memref<2x128xi32, #tpu.memory_space<vmem>>
      %dma_start3A_49 = arith.constant 0 : i32
      %dma_start3A_50 = arith.constant 0 : i32
      %dma_start3A_51 = tpu.memref_slice %arg3[%add3A_43, %dma_start3A_49, %dma_start3A_50] : memref<2528x2x128xi32, #tpu.memory_space<hbm>> -> memref<1x2x128xi32, #tpu.memory_space<hbm>>
      %dma_start3A_52 = tpu.memref_squeeze %dma_start3A_51 : memref<1x2x128xi32, #tpu.memory_space<hbm>> -> memref<2x128xi32, #tpu.memory_space<hbm>>
      %dma_start3A_53 = arith.constant 0 : i32
      %dma_start3A_54 = arith.constant 0 : i32
      %dma_start3A_55 = tpu.memref_slice %arg6[%dma_start3A_44, %dma_start3A_53, %dma_start3A_54] : memref<3x2x128xi32, #tpu.memory_space<vmem>> -> memref<1x2x128xi32, #tpu.memory_space<vmem>>
      %dma_start3A_56 = tpu.memref_squeeze %dma_start3A_55 : memref<1x2x128xi32, #tpu.memory_space<vmem>> -> memref<2x128xi32, #tpu.memory_space<vmem>>
      %dma_start3A_57 = arith.constant 0 : i32
      %dma_start3A_58 = arith.constant 0 : i32
      %dma_start3A_59 = tpu.memref_slice %arg3[%add3A_43, %dma_start3A_57, %dma_start3A_58] : memref<2528x2x128xi32, #tpu.memory_space<hbm>> -> memref<1x2x128xi32, #tpu.memory_space<hbm>>
      %dma_start3A_60 = tpu.memref_squeeze %dma_start3A_59 : memref<1x2x128xi32, #tpu.memory_space<hbm>> -> memref<2x128xi32, #tpu.memory_space<hbm>>
      tpu.enqueue_dma source(%dma_start3A_60 : memref<2x128xi32, #tpu.memory_space<hbm>>) target(%dma_start3A_56 : memref<2x128xi32, #tpu.memory_space<vmem>>) target_semaphore(%arg9 : memref<!tpu.dma_semaphore, #tpu.memory_space<semaphore_mem>>)
    } else {
    }
    %dma_start3A = arith.constant 0 : i32
    %dma_start3A_18 = arith.constant 0 : i32
    %dma_start3A_19 = arith.constant 0 : i32
    %dma_start3A_20 = arith.constant 0 : i32
    %dma_start3A_21 = arith.constant 0 : i32
    %dma_start3A_22 = tpu.memref_slice %arg7[%dma_start3A_19, %dma_start3A_20, %dma_start3A_21] : memref<3x128x128xf32, #tpu.memory_space<vmem>> -> memref<1x128x128xf32, #tpu.memory_space<vmem>>
    %dma_start3A_23 = tpu.memref_squeeze %dma_start3A_22 : memref<1x128x128xf32, #tpu.memory_space<vmem>> -> memref<128x128xf32, #tpu.memory_space<vmem>>
    %dma_start3A_24 = arith.constant 0 : i32
    %dma_start3A_25 = tpu.memref_slice %arg6[%dma_start3A, %dma_start3A_18, %dma_start3A_24] : memref<3x2x128xi32, #tpu.memory_space<vmem>> -> memref<1x1x128xi32, #tpu.memory_space<vmem>>
    %dma_start3A_26 = tpu.memref_squeeze %dma_start3A_25 : memref<1x1x128xi32, #tpu.memory_space<vmem>> -> memref<128xi32, #tpu.memory_space<vmem>>
    %dma_start3A_27 = arith.constant 0 : i32
    %dma_start3A_28 = arith.constant 0 : i32
    %dma_start3A_29 = tpu.memref_slice %arg2[%dma_start3A_27, %dma_start3A_28] : memref<10112x128xf32, #tpu.memory_space<hbm>> -> memref<10112x128xf32, #tpu.memory_space<hbm>>
    tpu.enqueue_indirect_dma source(%dma_start3A_29 : memref<10112x128xf32, #tpu.memory_space<hbm>>) target(%dma_start3A_23 : memref<128x128xf32, #tpu.memory_space<vmem>>) offsets(%dma_start3A_26 : memref<128xi32, #tpu.memory_space<vmem>>) semaphore(%arg10 : memref<!tpu.dma_semaphore, #tpu.memory_space<semaphore_mem>>)
    %while3A = arith.constant 0 : i32
    %while3A_30 = arith.constant 0 : i32
    %while3A_31 = arith.subi %select_n3A_10, %while3A : i32
    %while3A_32 = arith.addi %while3A, %while3A_31 : i32
    %while3A_33 = arith.constant 1 : i32
    %while3A_34 = arith.divsi %while3A_31, %while3A_33 : i32
    %while3A_35 = arith.muli %while3A_34, %while3A_33 : i32
    %while3A_36 = arith.addi %while3A, %while3A_35 : i32
    %while3A_37 = arith.constant 1 : i32
    %while3A_38 = scf.for %while3A_42 = %while3A to %while3A_36 step %while3A_37 iter_args(%while3A_43 = %while3A_30) -> (i32)  : i32 {
      %rem3A = arith.constant 3 : i32
      %rem3A_44 = arith.remsi %while3A_42, %rem3A : i32
      %add3A_45 = arith.constant 1 : i32
      %add3A_46 = arith.addi %while3A_42, %add3A_45 : i32
      %lt3A = arith.cmpi slt, %add3A_46, %select_n3A_10 : i32
      %convert_element_type3A_47 = arith.extui %lt3A : i1 to i32
      %cond3A_48 = arith.constant 0 : i32
      %cond3A_49 = arith.cmpi ne, %convert_element_type3A_47, %cond3A_48 : i32
      scf.if %cond3A_49 {
        %add3A_68 = arith.constant 1 : i32
        %add3A_69 = arith.addi %while3A_42, %add3A_68 : i32
        %rem3A_70 = arith.constant 3 : i32
        %rem3A_71 = arith.remsi %add3A_69, %rem3A_70 : i32
        %dma_wait3A_72 = arith.constant 0 : i32
        %dma_wait3A_73 = arith.constant 0 : i32
        %dma_wait3A_74 = arith.constant 0 : i32
        %dma_wait3A_75 = tpu.memref_slice %arg6[%dma_wait3A_72, %dma_wait3A_73, %dma_wait3A_74] : memref<3x2x128xi32, #tpu.memory_space<vmem>> -> memref<1x2x128xi32, #tpu.memory_space<vmem>>
        %dma_wait3A_76 = tpu.memref_squeeze %dma_wait3A_75 : memref<1x2x128xi32, #tpu.memory_space<vmem>> -> memref<2x128xi32, #tpu.memory_space<vmem>>
        %dma_wait3A_77 = arith.constant 0 : i32
        %dma_wait3A_78 = arith.constant 0 : i32
        %dma_wait3A_79 = tpu.memref_slice %arg3[%select_n3A, %dma_wait3A_77, %dma_wait3A_78] : memref<2528x2x128xi32, #tpu.memory_space<hbm>> -> memref<1x2x128xi32, #tpu.memory_space<hbm>>
        %dma_wait3A_80 = tpu.memref_squeeze %dma_wait3A_79 : memref<1x2x128xi32, #tpu.memory_space<hbm>> -> memref<2x128xi32, #tpu.memory_space<hbm>>
        %dma_wait3A_81 = arith.constant 0 : i32
        %dma_wait3A_82 = arith.constant 0 : i32
        %dma_wait3A_83 = tpu.memref_slice %arg6[%dma_wait3A_72, %dma_wait3A_81, %dma_wait3A_82] : memref<3x2x128xi32, #tpu.memory_space<vmem>> -> memref<1x2x128xi32, #tpu.memory_space<vmem>>
        %dma_wait3A_84 = tpu.memref_squeeze %dma_wait3A_83 : memref<1x2x128xi32, #tpu.memory_space<vmem>> -> memref<2x128xi32, #tpu.memory_space<vmem>>
        %dma_wait3A_85 = arith.constant 0 : i32
        %dma_wait3A_86 = arith.constant 0 : i32
        %dma_wait3A_87 = tpu.memref_slice %arg3[%select_n3A, %dma_wait3A_85, %dma_wait3A_86] : memref<2528x2x128xi32, #tpu.memory_space<hbm>> -> memref<1x2x128xi32, #tpu.memory_space<hbm>>
        %dma_wait3A_88 = tpu.memref_squeeze %dma_wait3A_87 : memref<1x2x128xi32, #tpu.memory_space<hbm>> -> memref<2x128xi32, #tpu.memory_space<hbm>>
        tpu.wait_dma2 semaphore(%arg9 : memref<!tpu.dma_semaphore, #tpu.memory_space<semaphore_mem>>) src(%dma_wait3A_88 : memref<2x128xi32, #tpu.memory_space<hbm>>) dst(%dma_wait3A_84 : memref<2x128xi32, #tpu.memory_space<vmem>>)
        %dma_start3A_89 = arith.constant 0 : i32
        %dma_start3A_90 = arith.constant 0 : i32
        %dma_start3A_91 = arith.constant 0 : i32
        %dma_start3A_92 = tpu.memref_slice %arg7[%rem3A_71, %dma_start3A_90, %dma_start3A_91] : memref<3x128x128xf32, #tpu.memory_space<vmem>> -> memref<1x128x128xf32, #tpu.memory_space<vmem>>
        %dma_start3A_93 = tpu.memref_squeeze %dma_start3A_92 : memref<1x128x128xf32, #tpu.memory_space<vmem>> -> memref<128x128xf32, #tpu.memory_space<vmem>>
        %dma_start3A_94 = arith.constant 0 : i32
        %dma_start3A_95 = tpu.memref_slice %arg6[%rem3A_71, %dma_start3A_89, %dma_start3A_94] : memref<3x2x128xi32, #tpu.memory_space<vmem>> -> memref<1x1x128xi32, #tpu.memory_space<vmem>>
        %dma_start3A_96 = tpu.memref_squeeze %dma_start3A_95 : memref<1x1x128xi32, #tpu.memory_space<vmem>> -> memref<128xi32, #tpu.memory_space<vmem>>
        %dma_start3A_97 = arith.constant 0 : i32
        %dma_start3A_98 = arith.constant 0 : i32
        %dma_start3A_99 = tpu.memref_slice %arg2[%dma_start3A_97, %dma_start3A_98] : memref<10112x128xf32, #tpu.memory_space<hbm>> -> memref<10112x128xf32, #tpu.memory_space<hbm>>
        tpu.enqueue_indirect_dma source(%dma_start3A_99 : memref<10112x128xf32, #tpu.memory_space<hbm>>) target(%dma_start3A_93 : memref<128x128xf32, #tpu.memory_space<vmem>>) offsets(%dma_start3A_96 : memref<128xi32, #tpu.memory_space<vmem>>) semaphore(%arg10 : memref<!tpu.dma_semaphore, #tpu.memory_space<semaphore_mem>>)
      } else {
      }
      %dma_wait3A = arith.constant 0 : i32
      %dma_wait3A_50 = arith.constant 0 : i32
      %dma_wait3A_51 = arith.constant 0 : i32
      %dma_wait3A_52 = tpu.memref_slice %arg7[%rem3A_44, %dma_wait3A_50, %dma_wait3A_51] : memref<3x128x128xf32, #tpu.memory_space<vmem>> -> memref<1x128x128xf32, #tpu.memory_space<vmem>>
      %dma_wait3A_53 = tpu.memref_squeeze %dma_wait3A_52 : memref<1x128x128xf32, #tpu.memory_space<vmem>> -> memref<128x128xf32, #tpu.memory_space<vmem>>
      %dma_wait3A_54 = arith.constant 0 : i32
      %dma_wait3A_55 = tpu.memref_slice %arg6[%rem3A_44, %dma_wait3A, %dma_wait3A_54] : memref<3x2x128xi32, #tpu.memory_space<vmem>> -> memref<1x1x128xi32, #tpu.memory_space<vmem>>
      %dma_wait3A_56 = tpu.memref_squeeze %dma_wait3A_55 : memref<1x1x128xi32, #tpu.memory_space<vmem>> -> memref<128xi32, #tpu.memory_space<vmem>>
      %dma_wait3A_57 = arith.constant 0 : i32
      %dma_wait3A_58 = arith.constant 0 : i32
      %dma_wait3A_59 = tpu.memref_slice %arg2[%dma_wait3A_57, %dma_wait3A_58] : memref<10112x128xf32, #tpu.memory_space<hbm>> -> memref<10112x128xf32, #tpu.memory_space<hbm>>
      tpu.wait_indirect_dma semaphore(%arg10 : memref<!tpu.dma_semaphore, #tpu.memory_space<semaphore_mem>>) src(%dma_wait3A_59 : memref<10112x128xf32, #tpu.memory_space<hbm>>) dst(%dma_wait3A_53 : memref<128x128xf32, #tpu.memory_space<vmem>>)
      %run_scoped3A_60 = arith.constant 1 : i32
      "tpu.region"() ({
        %run_scoped3A_68 = tpu.sem_alloc : memref<!tpu.dma_semaphore, #tpu.memory_space<semaphore_mem>>
        %dma_start3A_69 = arith.constant 0 : i32
        %dma_start3A_70 = arith.constant 0 : i32
        %dma_start3A_71 = tpu.memref_slice %arg7[%rem3A_44, %dma_start3A_69, %dma_start3A_70] : memref<3x128x128xf32, #tpu.memory_space<vmem>> -> memref<1x128x128xf32, #tpu.memory_space<vmem>>
        %dma_start3A_72 = tpu.memref_squeeze %dma_start3A_71 : memref<1x128x128xf32, #tpu.memory_space<vmem>> -> memref<128x128xf32, #tpu.memory_space<vmem>>
        %dma_start3A_73 = arith.constant 0 : i32
        %dma_start3A_74 = tpu.memref_slice %arg6[%rem3A_44, %run_scoped3A_60, %dma_start3A_73] : memref<3x2x128xi32, #tpu.memory_space<vmem>> -> memref<1x1x128xi32, #tpu.memory_space<vmem>>
        %dma_start3A_75 = tpu.memref_squeeze %dma_start3A_74 : memref<1x1x128xi32, #tpu.memory_space<vmem>> -> memref<128xi32, #tpu.memory_space<vmem>>
        %dma_start3A_76 = arith.constant 0 : i32
        %dma_start3A_77 = arith.constant 0 : i32
        %dma_start3A_78 = tpu.memref_slice %arg8[%dma_start3A_76, %dma_start3A_77] : memref<10112x128xf32, #tpu.memory_space<vmem_shared>> -> memref<10112x128xf32, #tpu.memory_space<vmem_shared>>
        tpu.enqueue_indirect_dma source(%dma_start3A_72 : memref<128x128xf32, #tpu.memory_space<vmem>>) target(%dma_start3A_78 : memref<10112x128xf32, #tpu.memory_space<vmem_shared>>) offsets(%dma_start3A_75 : memref<128xi32, #tpu.memory_space<vmem>>) semaphore(%run_scoped3A_68 : memref<!tpu.dma_semaphore, #tpu.memory_space<semaphore_mem>>) {add = true}
        %dma_wait3A_79 = arith.constant 0 : i32
        %dma_wait3A_80 = arith.constant 0 : i32
        %dma_wait3A_81 = tpu.memref_slice %arg7[%rem3A_44, %dma_wait3A_79, %dma_wait3A_80] : memref<3x128x128xf32, #tpu.memory_space<vmem>> -> memref<1x128x128xf32, #tpu.memory_space<vmem>>
        %dma_wait3A_82 = tpu.memref_squeeze %dma_wait3A_81 : memref<1x128x128xf32, #tpu.memory_space<vmem>> -> memref<128x128xf32, #tpu.memory_space<vmem>>
        %dma_wait3A_83 = arith.constant 0 : i32
        %dma_wait3A_84 = tpu.memref_slice %arg6[%rem3A_44, %run_scoped3A_60, %dma_wait3A_83] : memref<3x2x128xi32, #tpu.memory_space<vmem>> -> memref<1x1x128xi32, #tpu.memory_space<vmem>>
        %dma_wait3A_85 = tpu.memref_squeeze %dma_wait3A_84 : memref<1x1x128xi32, #tpu.memory_space<vmem>> -> memref<128xi32, #tpu.memory_space<vmem>>
        %dma_wait3A_86 = arith.constant 0 : i32
        %dma_wait3A_87 = arith.constant 0 : i32
        %dma_wait3A_88 = tpu.memref_slice %arg8[%dma_wait3A_86, %dma_wait3A_87] : memref<10112x128xf32, #tpu.memory_space<vmem_shared>> -> memref<10112x128xf32, #tpu.memory_space<vmem_shared>>
        tpu.wait_indirect_dma semaphore(%run_scoped3A_68 : memref<!tpu.dma_semaphore, #tpu.memory_space<semaphore_mem>>) src(%dma_wait3A_82 : memref<128x128xf32, #tpu.memory_space<vmem>>) dst(%dma_wait3A_88 : memref<10112x128xf32, #tpu.memory_space<vmem_shared>>)
        tpu.yield
      }) : () -> ()
      %add3A_61 = arith.constant 3 : i32
      %add3A_62 = arith.addi %while3A_42, %add3A_61 : i32
      %lt3A_63 = arith.cmpi slt, %add3A_62, %select_n3A_10 : i32
      %convert_element_type3A_64 = arith.extui %lt3A_63 : i1 to i32
      %cond3A_65 = arith.constant 0 : i32
      %cond3A_66 = arith.cmpi ne, %convert_element_type3A_64, %cond3A_65 : i32
      scf.if %cond3A_66 {
        %add3A_68 = arith.addi %select_n3A, %while3A_42 : i32
        %add3A_69 = arith.constant 3 : i32
        %add3A_70 = arith.addi %add3A_68, %add3A_69 : i32
        %dma_start3A_71 = arith.constant 0 : i32
        %dma_start3A_72 = arith.constant 0 : i32
        %dma_start3A_73 = tpu.memref_slice %arg6[%rem3A_44, %dma_start3A_71, %dma_start3A_72] : memref<3x2x128xi32, #tpu.memory_space<vmem>> -> memref<1x2x128xi32, #tpu.memory_space<vmem>>
        %dma_start3A_74 = tpu.memref_squeeze %dma_start3A_73 : memref<1x2x128xi32, #tpu.memory_space<vmem>> -> memref<2x128xi32, #tpu.memory_space<vmem>>
        %dma_start3A_75 = arith.constant 0 : i32
        %dma_start3A_76 = arith.constant 0 : i32
        %dma_start3A_77 = tpu.memref_slice %arg3[%add3A_70, %dma_start3A_75, %dma_start3A_76] : memref<2528x2x128xi32, #tpu.memory_space<hbm>> -> memref<1x2x128xi32, #tpu.memory_space<hbm>>
        %dma_start3A_78 = tpu.memref_squeeze %dma_start3A_77 : memref<1x2x128xi32, #tpu.memory_space<hbm>> -> memref<2x128xi32, #tpu.memory_space<hbm>>
        %dma_start3A_79 = arith.constant 0 : i32
        %dma_start3A_80 = arith.constant 0 : i32
        %dma_start3A_81 = tpu.memref_slice %arg6[%rem3A_44, %dma_start3A_79, %dma_start3A_80] : memref<3x2x128xi32, #tpu.memory_space<vmem>> -> memref<1x2x128xi32, #tpu.memory_space<vmem>>
        %dma_start3A_82 = tpu.memref_squeeze %dma_start3A_81 : memref<1x2x128xi32, #tpu.memory_space<vmem>> -> memref<2x128xi32, #tpu.memory_space<vmem>>
        %dma_start3A_83 = arith.constant 0 : i32
        %dma_start3A_84 = arith.constant 0 : i32
        %dma_start3A_85 = tpu.memref_slice %arg3[%add3A_70, %dma_start3A_83, %dma_start3A_84] : memref<2528x2x128xi32, #tpu.memory_space<hbm>> -> memref<1x2x128xi32, #tpu.memory_space<hbm>>
        %dma_start3A_86 = tpu.memref_squeeze %dma_start3A_85 : memref<1x2x128xi32, #tpu.memory_space<hbm>> -> memref<2x128xi32, #tpu.memory_space<hbm>>
        tpu.enqueue_dma source(%dma_start3A_86 : memref<2x128xi32, #tpu.memory_space<hbm>>) target(%dma_start3A_82 : memref<2x128xi32, #tpu.memory_space<vmem>>) target_semaphore(%arg9 : memref<!tpu.dma_semaphore, #tpu.memory_space<semaphore_mem>>)
      } else {
      }
      %while3A_67 = arith.constant 0 : i32
      scf.yield %while3A_67 : i32
    }
    %while3A_39 = arith.constant 1 : i32
    %while3A_40 = scf.for %while3A_42 = %while3A_36 to %while3A_32 step %while3A_39 iter_args(%while3A_43 = %while3A_38) -> (i32)  : i32 {
      %rem3A = arith.constant 3 : i32
      %rem3A_44 = arith.remsi %while3A_42, %rem3A : i32
      %add3A_45 = arith.constant 1 : i32
      %add3A_46 = arith.addi %while3A_42, %add3A_45 : i32
      %lt3A = arith.cmpi slt, %add3A_46, %select_n3A_10 : i32
      %convert_element_type3A_47 = arith.extui %lt3A : i1 to i32
      %cond3A_48 = arith.constant 0 : i32
      %cond3A_49 = arith.cmpi ne, %convert_element_type3A_47, %cond3A_48 : i32
      scf.if %cond3A_49 {
        %add3A_68 = arith.constant 1 : i32
        %add3A_69 = arith.addi %while3A_42, %add3A_68 : i32
        %rem3A_70 = arith.constant 3 : i32
        %rem3A_71 = arith.remsi %add3A_69, %rem3A_70 : i32
        %dma_wait3A_72 = arith.constant 0 : i32
        %dma_wait3A_73 = arith.constant 0 : i32
        %dma_wait3A_74 = arith.constant 0 : i32
        %dma_wait3A_75 = tpu.memref_slice %arg6[%dma_wait3A_72, %dma_wait3A_73, %dma_wait3A_74] : memref<3x2x128xi32, #tpu.memory_space<vmem>> -> memref<1x2x128xi32, #tpu.memory_space<vmem>>
        %dma_wait3A_76 = tpu.memref_squeeze %dma_wait3A_75 : memref<1x2x128xi32, #tpu.memory_space<vmem>> -> memref<2x128xi32, #tpu.memory_space<vmem>>
        %dma_wait3A_77 = arith.constant 0 : i32
        %dma_wait3A_78 = arith.constant 0 : i32
        %dma_wait3A_79 = tpu.memref_slice %arg3[%select_n3A, %dma_wait3A_77, %dma_wait3A_78] : memref<2528x2x128xi32, #tpu.memory_space<hbm>> -> memref<1x2x128xi32, #tpu.memory_space<hbm>>
        %dma_wait3A_80 = tpu.memref_squeeze %dma_wait3A_79 : memref<1x2x128xi32, #tpu.memory_space<hbm>> -> memref<2x128xi32, #tpu.memory_space<hbm>>
        %dma_wait3A_81 = arith.constant 0 : i32
        %dma_wait3A_82 = arith.constant 0 : i32
        %dma_wait3A_83 = tpu.memref_slice %arg6[%dma_wait3A_72, %dma_wait3A_81, %dma_wait3A_82] : memref<3x2x128xi32, #tpu.memory_space<vmem>> -> memref<1x2x128xi32, #tpu.memory_space<vmem>>
        %dma_wait3A_84 = tpu.memref_squeeze %dma_wait3A_83 : memref<1x2x128xi32, #tpu.memory_space<vmem>> -> memref<2x128xi32, #tpu.memory_space<vmem>>
        %dma_wait3A_85 = arith.constant 0 : i32
        %dma_wait3A_86 = arith.constant 0 : i32
        %dma_wait3A_87 = tpu.memref_slice %arg3[%select_n3A, %dma_wait3A_85, %dma_wait3A_86] : memref<2528x2x128xi32, #tpu.memory_space<hbm>> -> memref<1x2x128xi32, #tpu.memory_space<hbm>>
        %dma_wait3A_88 = tpu.memref_squeeze %dma_wait3A_87 : memref<1x2x128xi32, #tpu.memory_space<hbm>> -> memref<2x128xi32, #tpu.memory_space<hbm>>
        tpu.wait_dma2 semaphore(%arg9 : memref<!tpu.dma_semaphore, #tpu.memory_space<semaphore_mem>>) src(%dma_wait3A_88 : memref<2x128xi32, #tpu.memory_space<hbm>>) dst(%dma_wait3A_84 : memref<2x128xi32, #tpu.memory_space<vmem>>)
        %dma_start3A_89 = arith.constant 0 : i32
        %dma_start3A_90 = arith.constant 0 : i32
        %dma_start3A_91 = arith.constant 0 : i32
        %dma_start3A_92 = tpu.memref_slice %arg7[%rem3A_71, %dma_start3A_90, %dma_start3A_91] : memref<3x128x128xf32, #tpu.memory_space<vmem>> -> memref<1x128x128xf32, #tpu.memory_space<vmem>>
        %dma_start3A_93 = tpu.memref_squeeze %dma_start3A_92 : memref<1x128x128xf32, #tpu.memory_space<vmem>> -> memref<128x128xf32, #tpu.memory_space<vmem>>
        %dma_start3A_94 = arith.constant 0 : i32
        %dma_start3A_95 = tpu.memref_slice %arg6[%rem3A_71, %dma_start3A_89, %dma_start3A_94] : memref<3x2x128xi32, #tpu.memory_space<vmem>> -> memref<1x1x128xi32, #tpu.memory_space<vmem>>
        %dma_start3A_96 = tpu.memref_squeeze %dma_start3A_95 : memref<1x1x128xi32, #tpu.memory_space<vmem>> -> memref<128xi32, #tpu.memory_space<vmem>>
        %dma_start3A_97 = arith.constant 0 : i32
        %dma_start3A_98 = arith.constant 0 : i32
        %dma_start3A_99 = tpu.memref_slice %arg2[%dma_start3A_97, %dma_start3A_98] : memref<10112x128xf32, #tpu.memory_space<hbm>> -> memref<10112x128xf32, #tpu.memory_space<hbm>>
        tpu.enqueue_indirect_dma source(%dma_start3A_99 : memref<10112x128xf32, #tpu.memory_space<hbm>>) target(%dma_start3A_93 : memref<128x128xf32, #tpu.memory_space<vmem>>) offsets(%dma_start3A_96 : memref<128xi32, #tpu.memory_space<vmem>>) semaphore(%arg10 : memref<!tpu.dma_semaphore, #tpu.memory_space<semaphore_mem>>)
      } else {
      }
      %dma_wait3A = arith.constant 0 : i32
      %dma_wait3A_50 = arith.constant 0 : i32
      %dma_wait3A_51 = arith.constant 0 : i32
      %dma_wait3A_52 = tpu.memref_slice %arg7[%rem3A_44, %dma_wait3A_50, %dma_wait3A_51] : memref<3x128x128xf32, #tpu.memory_space<vmem>> -> memref<1x128x128xf32, #tpu.memory_space<vmem>>
      %dma_wait3A_53 = tpu.memref_squeeze %dma_wait3A_52 : memref<1x128x128xf32, #tpu.memory_space<vmem>> -> memref<128x128xf32, #tpu.memory_space<vmem>>
      %dma_wait3A_54 = arith.constant 0 : i32
      %dma_wait3A_55 = tpu.memref_slice %arg6[%rem3A_44, %dma_wait3A, %dma_wait3A_54] : memref<3x2x128xi32, #tpu.memory_space<vmem>> -> memref<1x1x128xi32, #tpu.memory_space<vmem>>
      %dma_wait3A_56 = tpu.memref_squeeze %dma_wait3A_55 : memref<1x1x128xi32, #tpu.memory_space<vmem>> -> memref<128xi32, #tpu.memory_space<vmem>>
      %dma_wait3A_57 = arith.constant 0 : i32
      %dma_wait3A_58 = arith.constant 0 : i32
      %dma_wait3A_59 = tpu.memref_slice %arg2[%dma_wait3A_57, %dma_wait3A_58] : memref<10112x128xf32, #tpu.memory_space<hbm>> -> memref<10112x128xf32, #tpu.memory_space<hbm>>
      tpu.wait_indirect_dma semaphore(%arg10 : memref<!tpu.dma_semaphore, #tpu.memory_space<semaphore_mem>>) src(%dma_wait3A_59 : memref<10112x128xf32, #tpu.memory_space<hbm>>) dst(%dma_wait3A_53 : memref<128x128xf32, #tpu.memory_space<vmem>>)
      %run_scoped3A_60 = arith.constant 1 : i32
      "tpu.region"() ({
        %run_scoped3A_68 = tpu.sem_alloc : memref<!tpu.dma_semaphore, #tpu.memory_space<semaphore_mem>>
        %dma_start3A_69 = arith.constant 0 : i32
        %dma_start3A_70 = arith.constant 0 : i32
        %dma_start3A_71 = tpu.memref_slice %arg7[%rem3A_44, %dma_start3A_69, %dma_start3A_70] : memref<3x128x128xf32, #tpu.memory_space<vmem>> -> memref<1x128x128xf32, #tpu.memory_space<vmem>>
        %dma_start3A_72 = tpu.memref_squeeze %dma_start3A_71 : memref<1x128x128xf32, #tpu.memory_space<vmem>> -> memref<128x128xf32, #tpu.memory_space<vmem>>
        %dma_start3A_73 = arith.constant 0 : i32
        %dma_start3A_74 = tpu.memref_slice %arg6[%rem3A_44, %run_scoped3A_60, %dma_start3A_73] : memref<3x2x128xi32, #tpu.memory_space<vmem>> -> memref<1x1x128xi32, #tpu.memory_space<vmem>>
        %dma_start3A_75 = tpu.memref_squeeze %dma_start3A_74 : memref<1x1x128xi32, #tpu.memory_space<vmem>> -> memref<128xi32, #tpu.memory_space<vmem>>
        %dma_start3A_76 = arith.constant 0 : i32
        %dma_start3A_77 = arith.constant 0 : i32
        %dma_start3A_78 = tpu.memref_slice %arg8[%dma_start3A_76, %dma_start3A_77] : memref<10112x128xf32, #tpu.memory_space<vmem_shared>> -> memref<10112x128xf32, #tpu.memory_space<vmem_shared>>
        tpu.enqueue_indirect_dma source(%dma_start3A_72 : memref<128x128xf32, #tpu.memory_space<vmem>>) target(%dma_start3A_78 : memref<10112x128xf32, #tpu.memory_space<vmem_shared>>) offsets(%dma_start3A_75 : memref<128xi32, #tpu.memory_space<vmem>>) semaphore(%run_scoped3A_68 : memref<!tpu.dma_semaphore, #tpu.memory_space<semaphore_mem>>) {add = true}
        %dma_wait3A_79 = arith.constant 0 : i32
        %dma_wait3A_80 = arith.constant 0 : i32
        %dma_wait3A_81 = tpu.memref_slice %arg7[%rem3A_44, %dma_wait3A_79, %dma_wait3A_80] : memref<3x128x128xf32, #tpu.memory_space<vmem>> -> memref<1x128x128xf32, #tpu.memory_space<vmem>>
        %dma_wait3A_82 = tpu.memref_squeeze %dma_wait3A_81 : memref<1x128x128xf32, #tpu.memory_space<vmem>> -> memref<128x128xf32, #tpu.memory_space<vmem>>
        %dma_wait3A_83 = arith.constant 0 : i32
        %dma_wait3A_84 = tpu.memref_slice %arg6[%rem3A_44, %run_scoped3A_60, %dma_wait3A_83] : memref<3x2x128xi32, #tpu.memory_space<vmem>> -> memref<1x1x128xi32, #tpu.memory_space<vmem>>
        %dma_wait3A_85 = tpu.memref_squeeze %dma_wait3A_84 : memref<1x1x128xi32, #tpu.memory_space<vmem>> -> memref<128xi32, #tpu.memory_space<vmem>>
        %dma_wait3A_86 = arith.constant 0 : i32
        %dma_wait3A_87 = arith.constant 0 : i32
        %dma_wait3A_88 = tpu.memref_slice %arg8[%dma_wait3A_86, %dma_wait3A_87] : memref<10112x128xf32, #tpu.memory_space<vmem_shared>> -> memref<10112x128xf32, #tpu.memory_space<vmem_shared>>
        tpu.wait_indirect_dma semaphore(%run_scoped3A_68 : memref<!tpu.dma_semaphore, #tpu.memory_space<semaphore_mem>>) src(%dma_wait3A_82 : memref<128x128xf32, #tpu.memory_space<vmem>>) dst(%dma_wait3A_88 : memref<10112x128xf32, #tpu.memory_space<vmem_shared>>)
        tpu.yield
      }) : () -> ()
      %add3A_61 = arith.constant 3 : i32
      %add3A_62 = arith.addi %while3A_42, %add3A_61 : i32
      %lt3A_63 = arith.cmpi slt, %add3A_62, %select_n3A_10 : i32
      %convert_element_type3A_64 = arith.extui %lt3A_63 : i1 to i32
      %cond3A_65 = arith.constant 0 : i32
      %cond3A_66 = arith.cmpi ne, %convert_element_type3A_64, %cond3A_65 : i32
      scf.if %cond3A_66 {
        %add3A_68 = arith.addi %select_n3A, %while3A_42 : i32
        %add3A_69 = arith.constant 3 : i32
        %add3A_70 = arith.addi %add3A_68, %add3A_69 : i32
        %dma_start3A_71 = arith.constant 0 : i32
        %dma_start3A_72 = arith.constant 0 : i32
        %dma_start3A_73 = tpu.memref_slice %arg6[%rem3A_44, %dma_start3A_71, %dma_start3A_72] : memref<3x2x128xi32, #tpu.memory_space<vmem>> -> memref<1x2x128xi32, #tpu.memory_space<vmem>>
        %dma_start3A_74 = tpu.memref_squeeze %dma_start3A_73 : memref<1x2x128xi32, #tpu.memory_space<vmem>> -> memref<2x128xi32, #tpu.memory_space<vmem>>
        %dma_start3A_75 = arith.constant 0 : i32
        %dma_start3A_76 = arith.constant 0 : i32
        %dma_start3A_77 = tpu.memref_slice %arg3[%add3A_70, %dma_start3A_75, %dma_start3A_76] : memref<2528x2x128xi32, #tpu.memory_space<hbm>> -> memref<1x2x128xi32, #tpu.memory_space<hbm>>
        %dma_start3A_78 = tpu.memref_squeeze %dma_start3A_77 : memref<1x2x128xi32, #tpu.memory_space<hbm>> -> memref<2x128xi32, #tpu.memory_space<hbm>>
        %dma_start3A_79 = arith.constant 0 : i32
        %dma_start3A_80 = arith.constant 0 : i32
        %dma_start3A_81 = tpu.memref_slice %arg6[%rem3A_44, %dma_start3A_79, %dma_start3A_80] : memref<3x2x128xi32, #tpu.memory_space<vmem>> -> memref<1x2x128xi32, #tpu.memory_space<vmem>>
        %dma_start3A_82 = tpu.memref_squeeze %dma_start3A_81 : memref<1x2x128xi32, #tpu.memory_space<vmem>> -> memref<2x128xi32, #tpu.memory_space<vmem>>
        %dma_start3A_83 = arith.constant 0 : i32
        %dma_start3A_84 = arith.constant 0 : i32
        %dma_start3A_85 = tpu.memref_slice %arg3[%add3A_70, %dma_start3A_83, %dma_start3A_84] : memref<2528x2x128xi32, #tpu.memory_space<hbm>> -> memref<1x2x128xi32, #tpu.memory_space<hbm>>
        %dma_start3A_86 = tpu.memref_squeeze %dma_start3A_85 : memref<1x2x128xi32, #tpu.memory_space<hbm>> -> memref<2x128xi32, #tpu.memory_space<hbm>>
        tpu.enqueue_dma source(%dma_start3A_86 : memref<2x128xi32, #tpu.memory_space<hbm>>) target(%dma_start3A_82 : memref<2x128xi32, #tpu.memory_space<vmem>>) target_semaphore(%arg9 : memref<!tpu.dma_semaphore, #tpu.memory_space<semaphore_mem>>)
      } else {
      }
      %while3A_67 = arith.constant 0 : i32
      scf.yield %while3A_67 : i32
    }
    %barrier3A_41 = arith.constant 0 : index
    tpu.barrier barrier_id(%barrier3A_41)
    "tpu.region"() ({
      %run_scoped3A_42 = tpu.sem_alloc : memref<!tpu.dma_semaphore, #tpu.memory_space<semaphore_mem>>
      %dma_start3A_43 = arith.constant 0 : i32
      %dma_start3A_44 = tpu.memref_slice %arg5[%arg0, %mul3A_0, %dma_start3A_43] : memref<2x10112x128xf32, #tpu.memory_space<hbm>> -> memref<1x632x128xf32, #tpu.memory_space<hbm>>
      %dma_start3A_45 = tpu.memref_squeeze %dma_start3A_44 : memref<1x632x128xf32, #tpu.memory_space<hbm>> -> memref<632x128xf32, #tpu.memory_space<hbm>>
      %dma_start3A_46 = arith.constant 0 : i32
      %dma_start3A_47 = tpu.memref_slice %arg8[%mul3A_0, %dma_start3A_46] : memref<10112x128xf32, #tpu.memory_space<vmem_shared>> -> memref<632x128xf32, #tpu.memory_space<vmem_shared>>
      tpu.enqueue_dma source(%dma_start3A_47 : memref<632x128xf32, #tpu.memory_space<vmem_shared>>) target(%dma_start3A_45 : memref<632x128xf32, #tpu.memory_space<hbm>>) target_semaphore(%run_scoped3A_42 : memref<!tpu.dma_semaphore, #tpu.memory_space<semaphore_mem>>)
      %dma_wait3A = arith.constant 0 : i32
      %dma_wait3A_48 = tpu.memref_slice %arg5[%arg0, %mul3A_0, %dma_wait3A] : memref<2x10112x128xf32, #tpu.memory_space<hbm>> -> memref<1x632x128xf32, #tpu.memory_space<hbm>>
      %dma_wait3A_49 = tpu.memref_squeeze %dma_wait3A_48 : memref<1x632x128xf32, #tpu.memory_space<hbm>> -> memref<632x128xf32, #tpu.memory_space<hbm>>
      %dma_wait3A_50 = arith.constant 0 : i32
      %dma_wait3A_51 = tpu.memref_slice %arg8[%mul3A_0, %dma_wait3A_50] : memref<10112x128xf32, #tpu.memory_space<vmem_shared>> -> memref<632x128xf32, #tpu.memory_space<vmem_shared>>
      tpu.wait_dma2 semaphore(%run_scoped3A_42 : memref<!tpu.dma_semaphore, #tpu.memory_space<semaphore_mem>>) src(%dma_wait3A_51 : memref<632x128xf32, #tpu.memory_space<vmem_shared>>) dst(%dma_wait3A_49 : memref<632x128xf32, #tpu.memory_space<hbm>>)
      tpu.yield
    }) : () -> ()
    return
  }
}

#map = affine_map<(d0, d1) -> (0, 0, 0)>
#map1 = affine_map<(d0, d1) -> (0, 0)>
module attributes {stable_mosaic.version = 14 : i64} {
  func.func @body(%arg0: i32, %arg1: i32, %arg2: memref<32x79x128xi32, #tpu.memory_space<hbm>>, %arg3: memref<128x128xf32, #tpu.memory_space<hbm>>, %arg4: memref<10112x128xf32, #tpu.memory_space<hbm>>, %arg5: memref<2x10112x128xf32, #tpu.memory_space<hbm>>, %arg6: memref<79x128xi32, #tpu.memory_space<vmem>>, %arg7: memref<128x128xf32, #tpu.memory_space<vmem>>, %arg8: memref<10112x128xf32, #tpu.memory_space<vmem_shared>>) attributes {dimension_semantics = [#tpu.dimension_semantics<core_parallel>, #tpu.dimension_semantics<subcore_parallel>], iteration_bounds = array<i64: 2, 16>, scalar_prefetch = 0 : i64, scratch_operands = 3 : i64, tpu.core_type = #tpu.core_type<sc_vector_subcore>, window_params = [{transform_indices = #map}, {transform_indices = #map1}, {transform_indices = #map1}, {transform_indices = #map}]} {
    %mul3A = arith.constant 16 : i32
    %mul3A_0 = arith.muli %arg0, %mul3A : i32
    %add3A = arith.addi %mul3A_0, %arg1 : i32
    %mul3A_1 = arith.constant 632 : i32
    %mul3A_2 = arith.muli %arg1, %mul3A_1 : i32
    "tpu.region"() ({
      %run_scoped3A = tpu.sem_alloc : memref<!tpu.dma_semaphore, #tpu.memory_space<semaphore_mem>>
      %dma_start3A = arith.constant 0 : i32
      %dma_start3A_10 = arith.constant 0 : i32
      %dma_start3A_11 = tpu.memref_slice %arg2[%add3A, %dma_start3A, %dma_start3A_10] : memref<32x79x128xi32, #tpu.memory_space<hbm>> -> memref<1x79x128xi32, #tpu.memory_space<hbm>>
      %dma_start3A_12 = tpu.memref_squeeze %dma_start3A_11 : memref<1x79x128xi32, #tpu.memory_space<hbm>> -> memref<79x128xi32, #tpu.memory_space<hbm>>
      %dma_start3A_13 = arith.constant 0 : i32
      %dma_start3A_14 = arith.constant 0 : i32
      %dma_start3A_15 = tpu.memref_slice %arg2[%add3A, %dma_start3A_13, %dma_start3A_14] : memref<32x79x128xi32, #tpu.memory_space<hbm>> -> memref<1x79x128xi32, #tpu.memory_space<hbm>>
      %dma_start3A_16 = tpu.memref_squeeze %dma_start3A_15 : memref<1x79x128xi32, #tpu.memory_space<hbm>> -> memref<79x128xi32, #tpu.memory_space<hbm>>
      tpu.enqueue_dma source(%dma_start3A_16 : memref<79x128xi32, #tpu.memory_space<hbm>>) target(%arg6 : memref<79x128xi32, #tpu.memory_space<vmem>>) target_semaphore(%run_scoped3A : memref<!tpu.dma_semaphore, #tpu.memory_space<semaphore_mem>>)
      %dma_wait3A = arith.constant 0 : i32
      %dma_wait3A_17 = arith.constant 0 : i32
      %dma_wait3A_18 = tpu.memref_slice %arg2[%add3A, %dma_wait3A, %dma_wait3A_17] : memref<32x79x128xi32, #tpu.memory_space<hbm>> -> memref<1x79x128xi32, #tpu.memory_space<hbm>>
      %dma_wait3A_19 = tpu.memref_squeeze %dma_wait3A_18 : memref<1x79x128xi32, #tpu.memory_space<hbm>> -> memref<79x128xi32, #tpu.memory_space<hbm>>
      %dma_wait3A_20 = arith.constant 0 : i32
      %dma_wait3A_21 = arith.constant 0 : i32
      %dma_wait3A_22 = tpu.memref_slice %arg2[%add3A, %dma_wait3A_20, %dma_wait3A_21] : memref<32x79x128xi32, #tpu.memory_space<hbm>> -> memref<1x79x128xi32, #tpu.memory_space<hbm>>
      %dma_wait3A_23 = tpu.memref_squeeze %dma_wait3A_22 : memref<1x79x128xi32, #tpu.memory_space<hbm>> -> memref<79x128xi32, #tpu.memory_space<hbm>>
      tpu.wait_dma2 semaphore(%run_scoped3A : memref<!tpu.dma_semaphore, #tpu.memory_space<semaphore_mem>>) src(%dma_wait3A_23 : memref<79x128xi32, #tpu.memory_space<hbm>>) dst(%arg6 : memref<79x128xi32, #tpu.memory_space<vmem>>)
      tpu.yield
    }) : () -> ()
    "tpu.region"() ({
      %run_scoped3A = tpu.sem_alloc : memref<!tpu.dma_semaphore, #tpu.memory_space<semaphore_mem>>
      tpu.enqueue_dma source(%arg3 : memref<128x128xf32, #tpu.memory_space<hbm>>) target(%arg7 : memref<128x128xf32, #tpu.memory_space<vmem>>) target_semaphore(%run_scoped3A : memref<!tpu.dma_semaphore, #tpu.memory_space<semaphore_mem>>)
      tpu.wait_dma2 semaphore(%run_scoped3A : memref<!tpu.dma_semaphore, #tpu.memory_space<semaphore_mem>>) src(%arg3 : memref<128x128xf32, #tpu.memory_space<hbm>>) dst(%arg7 : memref<128x128xf32, #tpu.memory_space<vmem>>)
      tpu.yield
    }) : () -> ()
    "tpu.region"() ({
      %run_scoped3A = tpu.sem_alloc : memref<!tpu.dma_semaphore, #tpu.memory_space<semaphore_mem>>
      %dma_start3A = arith.constant 0 : i32
      %dma_start3A_10 = tpu.memref_slice %arg8[%mul3A_2, %dma_start3A] : memref<10112x128xf32, #tpu.memory_space<vmem_shared>> -> memref<632x128xf32, #tpu.memory_space<vmem_shared>>
      %dma_start3A_11 = arith.constant 0 : i32
      %dma_start3A_12 = tpu.memref_slice %arg4[%mul3A_2, %dma_start3A_11] : memref<10112x128xf32, #tpu.memory_space<hbm>> -> memref<632x128xf32, #tpu.memory_space<hbm>>
      tpu.enqueue_dma source(%dma_start3A_12 : memref<632x128xf32, #tpu.memory_space<hbm>>) target(%dma_start3A_10 : memref<632x128xf32, #tpu.memory_space<vmem_shared>>) target_semaphore(%run_scoped3A : memref<!tpu.dma_semaphore, #tpu.memory_space<semaphore_mem>>)
      %dma_wait3A = arith.constant 0 : i32
      %dma_wait3A_13 = tpu.memref_slice %arg8[%mul3A_2, %dma_wait3A] : memref<10112x128xf32, #tpu.memory_space<vmem_shared>> -> memref<632x128xf32, #tpu.memory_space<vmem_shared>>
      %dma_wait3A_14 = arith.constant 0 : i32
      %dma_wait3A_15 = tpu.memref_slice %arg4[%mul3A_2, %dma_wait3A_14] : memref<10112x128xf32, #tpu.memory_space<hbm>> -> memref<632x128xf32, #tpu.memory_space<hbm>>
      tpu.wait_dma2 semaphore(%run_scoped3A : memref<!tpu.dma_semaphore, #tpu.memory_space<semaphore_mem>>) src(%dma_wait3A_15 : memref<632x128xf32, #tpu.memory_space<hbm>>) dst(%dma_wait3A_13 : memref<632x128xf32, #tpu.memory_space<vmem_shared>>)
      tpu.yield
    }) : () -> ()
    %barrier3A = arith.constant 0 : index
    tpu.barrier barrier_id(%barrier3A)
    %scan3A = arith.constant 0 : i32
    %scan3A_3 = arith.constant 0 : i32
    %scan3A_4 = arith.constant 79 : i32
    %scan3A_5 = arith.addi %scan3A_3, %scan3A_4 : i32
    %scan3A_6 = arith.constant 1 : i32
    %scan3A_7 = scf.for %scan3A_10 = %scan3A_3 to %scan3A_5 step %scan3A_6 iter_args(%scan3A_11 = %scan3A) -> (i32)  : i32 {
      "tpu.region"() ({
        %run_scoped3A = tpu.sem_alloc : memref<!tpu.dma_semaphore, #tpu.memory_space<semaphore_mem>>
        %dma_start3A = arith.constant 0 : i32
        %dma_start3A_13 = tpu.memref_slice %arg6[%scan3A_10, %dma_start3A] : memref<79x128xi32, #tpu.memory_space<vmem>> -> memref<1x128xi32, #tpu.memory_space<vmem>>
        %dma_start3A_14 = tpu.memref_squeeze %dma_start3A_13 : memref<1x128xi32, #tpu.memory_space<vmem>> -> memref<128xi32, #tpu.memory_space<vmem>>
        %dma_start3A_15 = arith.constant 0 : i32
        %dma_start3A_16 = arith.constant 0 : i32
        %dma_start3A_17 = tpu.memref_slice %arg8[%dma_start3A_15, %dma_start3A_16] : memref<10112x128xf32, #tpu.memory_space<vmem_shared>> -> memref<10112x128xf32, #tpu.memory_space<vmem_shared>>
        tpu.enqueue_indirect_dma source(%arg7 : memref<128x128xf32, #tpu.memory_space<vmem>>) target(%dma_start3A_17 : memref<10112x128xf32, #tpu.memory_space<vmem_shared>>) offsets(%dma_start3A_14 : memref<128xi32, #tpu.memory_space<vmem>>) semaphore(%run_scoped3A : memref<!tpu.dma_semaphore, #tpu.memory_space<semaphore_mem>>) {add = true}
        %dma_wait3A = arith.constant 0 : i32
        %dma_wait3A_18 = tpu.memref_slice %arg6[%scan3A_10, %dma_wait3A] : memref<79x128xi32, #tpu.memory_space<vmem>> -> memref<1x128xi32, #tpu.memory_space<vmem>>
        %dma_wait3A_19 = tpu.memref_squeeze %dma_wait3A_18 : memref<1x128xi32, #tpu.memory_space<vmem>> -> memref<128xi32, #tpu.memory_space<vmem>>
        %dma_wait3A_20 = arith.constant 0 : i32
        %dma_wait3A_21 = arith.constant 0 : i32
        %dma_wait3A_22 = tpu.memref_slice %arg8[%dma_wait3A_20, %dma_wait3A_21] : memref<10112x128xf32, #tpu.memory_space<vmem_shared>> -> memref<10112x128xf32, #tpu.memory_space<vmem_shared>>
        tpu.wait_indirect_dma semaphore(%run_scoped3A : memref<!tpu.dma_semaphore, #tpu.memory_space<semaphore_mem>>) src(%arg7 : memref<128x128xf32, #tpu.memory_space<vmem>>) dst(%dma_wait3A_22 : memref<10112x128xf32, #tpu.memory_space<vmem_shared>>)
        tpu.yield
      }) : () -> ()
      %scan3A_12 = arith.constant 0 : i32
      scf.yield %scan3A_12 : i32
    }
    %scan3A_8 = arith.constant 79 : i32
    %barrier3A_9 = arith.constant 0 : index
    tpu.barrier barrier_id(%barrier3A_9)
    "tpu.region"() ({
      %run_scoped3A = tpu.sem_alloc : memref<!tpu.dma_semaphore, #tpu.memory_space<semaphore_mem>>
      %dma_start3A = arith.constant 0 : i32
      %dma_start3A_10 = tpu.memref_slice %arg5[%arg0, %mul3A_2, %dma_start3A] : memref<2x10112x128xf32, #tpu.memory_space<hbm>> -> memref<1x632x128xf32, #tpu.memory_space<hbm>>
      %dma_start3A_11 = tpu.memref_squeeze %dma_start3A_10 : memref<1x632x128xf32, #tpu.memory_space<hbm>> -> memref<632x128xf32, #tpu.memory_space<hbm>>
      %dma_start3A_12 = arith.constant 0 : i32
      %dma_start3A_13 = tpu.memref_slice %arg8[%mul3A_2, %dma_start3A_12] : memref<10112x128xf32, #tpu.memory_space<vmem_shared>> -> memref<632x128xf32, #tpu.memory_space<vmem_shared>>
      tpu.enqueue_dma source(%dma_start3A_13 : memref<632x128xf32, #tpu.memory_space<vmem_shared>>) target(%dma_start3A_11 : memref<632x128xf32, #tpu.memory_space<hbm>>) target_semaphore(%run_scoped3A : memref<!tpu.dma_semaphore, #tpu.memory_space<semaphore_mem>>)
      %dma_wait3A = arith.constant 0 : i32
      %dma_wait3A_14 = tpu.memref_slice %arg5[%arg0, %mul3A_2, %dma_wait3A] : memref<2x10112x128xf32, #tpu.memory_space<hbm>> -> memref<1x632x128xf32, #tpu.memory_space<hbm>>
      %dma_wait3A_15 = tpu.memref_squeeze %dma_wait3A_14 : memref<1x632x128xf32, #tpu.memory_space<hbm>> -> memref<632x128xf32, #tpu.memory_space<hbm>>
      %dma_wait3A_16 = arith.constant 0 : i32
      %dma_wait3A_17 = tpu.memref_slice %arg8[%mul3A_2, %dma_wait3A_16] : memref<10112x128xf32, #tpu.memory_space<vmem_shared>> -> memref<632x128xf32, #tpu.memory_space<vmem_shared>>
      tpu.wait_dma2 semaphore(%run_scoped3A : memref<!tpu.dma_semaphore, #tpu.memory_space<semaphore_mem>>) src(%dma_wait3A_17 : memref<632x128xf32, #tpu.memory_space<vmem_shared>>) dst(%dma_wait3A_15 : memref<632x128xf32, #tpu.memory_space<hbm>>)
      tpu.yield
    }) : () -> ()
    return
  }
}

module attributes {stable_mosaic.version = 14 : i64} {
  func.func @_tc_pre_body(%arg0: i32, %arg1: memref<632x128xf32, #tpu.memory_space<vmem>>, %arg2: memref<128x128xf32, #tpu.memory_space<vmem>>, %arg3: memref<1x128xf32, #tpu.memory_space<vmem>>, %arg4: memref<632x128xf32, #tpu.memory_space<vmem>>) attributes {dimension_semantics = [#tpu.dimension_semantics<arbitrary>], iteration_bounds = array<i64: 16>, scalar_prefetch = 0 : i64, scratch_operands = 0 : i64, tpu.core_type = #tpu.core_type<tc>, window_params = [{transform_indices = @transform_0, window_bounds = array<i64: 632, 128>}, {pipeline_mode = #tpu.pipeline_mode<synchronous>, transform_indices = @transform_1, window_bounds = array<i64: 128, 128>}, {pipeline_mode = #tpu.pipeline_mode<synchronous>, transform_indices = @transform_2, window_bounds = array<i64: 1, 128>}, {transform_indices = @transform_3, window_bounds = array<i64: 632, 128>}]} {
    %get3A = arith.constant 0 : index
    %get3A_0 = arith.constant 0 : index
    %get3A_1 = vector.load %arg1[%get3A, %get3A_0] : memref<632x128xf32, #tpu.memory_space<vmem>>, vector<632x128xf32>
    %get3A_2 = arith.constant 0 : index
    %get3A_3 = arith.constant 0 : index
    %get3A_4 = vector.load %arg2[%get3A_2, %get3A_3] : memref<128x128xf32, #tpu.memory_space<vmem>>, vector<128x128xf32>
    %dot_general3A = arith.constant dense<0.000000e+00> : vector<632x128xf32>
    %dot_general3A_5 = tpu.matmul %get3A_1, %get3A_4, %dot_general3A {dimension_numbers = #tpu.dot_dimension_numbers<[1], [1], [0], [0], [0, 0, 1, 0], [], []>, transpose_lhs_hint = false} : vector<632x128xf32>, vector<128x128xf32>, vector<632x128xf32> -> vector<632x128xf32>
    %get3A_6 = arith.constant 0 : index
    %get3A_7 = arith.constant 0 : index
    %get3A_8 = vector.load %arg3[%get3A_6, %get3A_7] : memref<1x128xf32, #tpu.memory_space<vmem>>, vector<1x128xf32>
    %add3A = vector.broadcast %get3A_8 : vector<1x128xf32> to vector<632x128xf32>
    %add3A_9 = arith.addf %dot_general3A_5, %add3A : vector<632x128xf32>
    %swap3A = arith.constant 0 : index
    %swap3A_10 = arith.constant 0 : index
    %swap3A_11 = vector.load %arg4[%swap3A, %swap3A_10] : memref<632x128xf32, #tpu.memory_space<vmem>>, vector<632x128xf32>
    tpu.vector_store %arg4[%swap3A, %swap3A_10], %add3A_9 {strides = array<i32>} : memref<632x128xf32, #tpu.memory_space<vmem>>, vector<632x128xf32>,
    return
  }
  func.func @transform_0(%arg0: i32) -> (i32, i32) {
    %c0_i32 = arith.constant 0 : i32
    %c0_i32_0 = arith.constant 0 : i32
    return %arg0, %c0_i32 : i32, i32
  }
  func.func @transform_1(%arg0: i32) -> (i32, i32) {
    %c0_i32 = arith.constant 0 : i32
    %c0_i32_0 = arith.constant 0 : i32
    %c0_i32_1 = arith.constant 0 : i32
    return %c0_i32, %c0_i32_0 : i32, i32
  }
  func.func @transform_2(%arg0: i32) -> (i32, i32) {
    %c0_i32 = arith.constant 0 : i32
    %c0_i32_0 = arith.constant 0 : i32
    %c0_i32_1 = arith.constant 0 : i32
    return %c0_i32, %c0_i32_0 : i32, i32
  }
  func.func @transform_3(%arg0: i32) -> (i32, i32) {
    %c0_i32 = arith.constant 0 : i32
    %c0_i32_0 = arith.constant 0 : i32
    return %arg0, %c0_i32 : i32, i32
  }
}

module attributes {stable_mosaic.version = 14 : i64} {
  func.func @_tc_post_body(%arg0: i32, %arg1: memref<2x632x128xf32, #tpu.memory_space<vmem>>, %arg2: memref<2x632x128xf32, #tpu.memory_space<vmem>>, %arg3: memref<632x128xf32, #tpu.memory_space<vmem>>, %arg4: memref<128x128xf32, #tpu.memory_space<vmem>>, %arg5: memref<632x128xf32, #tpu.memory_space<vmem>>) attributes {dimension_semantics = [#tpu.dimension_semantics<arbitrary>], iteration_bounds = array<i64: 16>, scalar_prefetch = 0 : i64, scratch_operands = 0 : i64, tpu.core_type = #tpu.core_type<tc>, window_params = [{transform_indices = @transform_0, window_bounds = array<i64: 2, 632, 128>}, {transform_indices = @transform_1, window_bounds = array<i64: 2, 632, 128>}, {transform_indices = @transform_2, window_bounds = array<i64: 632, 128>}, {pipeline_mode = #tpu.pipeline_mode<synchronous>, transform_indices = @transform_3, window_bounds = array<i64: 128, 128>}, {transform_indices = @transform_4, window_bounds = array<i64: 632, 128>}]} {
    %get3A = arith.constant 0 : index
    %get3A_0 = arith.constant 0 : index
    %get3A_1 = arith.constant 0 : index
    %get3A_2 = vector.load %arg2[%get3A, %get3A_0, %get3A_1] : memref<2x632x128xf32, #tpu.memory_space<vmem>>, vector<1x632x1xf32>
    %get3A_3 = vector.shape_cast %get3A_2 : vector<1x632x1xf32> to vector<632x1xf32>
    %get3A_4 = arith.constant 1 : index
    %get3A_5 = arith.constant 0 : index
    %get3A_6 = arith.constant 0 : index
    %get3A_7 = vector.load %arg2[%get3A_4, %get3A_5, %get3A_6] : memref<2x632x128xf32, #tpu.memory_space<vmem>>, vector<1x632x1xf32>
    %get3A_8 = vector.shape_cast %get3A_7 : vector<1x632x1xf32> to vector<632x1xf32>
    %add3A = arith.addf %get3A_3, %get3A_8 : vector<632x1xf32>
    %max3A = arith.constant 1.000000e+00 : f32
    %max3A_9 = vector.broadcast %max3A : f32 to vector<632x1xf32>
    %max3A_10 = arith.maximumf %add3A, %max3A_9 : vector<632x1xf32>
    %div3A = arith.constant 1.000000e+00 : f32
    %div3A_11 = vector.broadcast %div3A : f32 to vector<632x1xf32>
    %div3A_12 = arith.divf %div3A_11, %max3A_10 : vector<632x1xf32>
    %get3A_13 = arith.constant 0 : index
    %get3A_14 = arith.constant 0 : index
    %get3A_15 = arith.constant 0 : index
    %get3A_16 = vector.load %arg1[%get3A_13, %get3A_14, %get3A_15] : memref<2x632x128xf32, #tpu.memory_space<vmem>>, vector<1x632x128xf32>
    %get3A_17 = vector.shape_cast %get3A_16 : vector<1x632x128xf32> to vector<632x128xf32>
    %get3A_18 = arith.constant 1 : index
    %get3A_19 = arith.constant 0 : index
    %get3A_20 = arith.constant 0 : index
    %get3A_21 = vector.load %arg1[%get3A_18, %get3A_19, %get3A_20] : memref<2x632x128xf32, #tpu.memory_space<vmem>>, vector<1x632x128xf32>
    %get3A_22 = vector.shape_cast %get3A_21 : vector<1x632x128xf32> to vector<632x128xf32>
    %add3A_23 = arith.addf %get3A_17, %get3A_22 : vector<632x128xf32>
    %mul3A = vector.broadcast %div3A_12 : vector<632x1xf32> to vector<632x128xf32>
    %mul3A_24 = arith.mulf %add3A_23, %mul3A : vector<632x128xf32>
    %get3A_25 = arith.constant 0 : index
    %get3A_26 = arith.constant 0 : index
    %get3A_27 = vector.load %arg4[%get3A_25, %get3A_26] : memref<128x128xf32, #tpu.memory_space<vmem>>, vector<128x128xf32>
    %dot_general3A = arith.constant dense<0.000000e+00> : vector<632x128xf32>
    %dot_general3A_28 = tpu.matmul %mul3A_24, %get3A_27, %dot_general3A {dimension_numbers = #tpu.dot_dimension_numbers<[1], [1], [0], [0], [0, 0, 1, 0], [], []>, transpose_lhs_hint = false} : vector<632x128xf32>, vector<128x128xf32>, vector<632x128xf32> -> vector<632x128xf32>
    %get3A_29 = arith.constant 0 : index
    %get3A_30 = arith.constant 0 : index
    %get3A_31 = vector.load %arg3[%get3A_29, %get3A_30] : memref<632x128xf32, #tpu.memory_space<vmem>>, vector<632x128xf32>
    %add3A_32 = arith.addf %dot_general3A_28, %get3A_31 : vector<632x128xf32>
    %max3A_33 = arith.constant 0.000000e+00 : f32
    %max3A_34 = vector.broadcast %max3A_33 : f32 to vector<632x128xf32>
    %max3A_35 = arith.maximumf %add3A_32, %max3A_34 : vector<632x128xf32>
    %swap3A = arith.constant 0 : index
    %swap3A_36 = arith.constant 0 : index
    %swap3A_37 = vector.load %arg5[%swap3A, %swap3A_36] : memref<632x128xf32, #tpu.memory_space<vmem>>, vector<632x128xf32>
    tpu.vector_store %arg5[%swap3A, %swap3A_36], %max3A_35 {strides = array<i32>} : memref<632x128xf32, #tpu.memory_space<vmem>>, vector<632x128xf32>,
    return
  }
  func.func @transform_0(%arg0: i32) -> (i32, i32, i32) {
    %c0_i32 = arith.constant 0 : i32
    %c0_i32_0 = arith.constant 0 : i32
    %c0_i32_1 = arith.constant 0 : i32
    return %c0_i32, %arg0, %c0_i32_0 : i32, i32, i32
  }
  func.func @transform_1(%arg0: i32) -> (i32, i32, i32) {
    %c0_i32 = arith.constant 0 : i32
    %c0_i32_0 = arith.constant 0 : i32
    %c0_i32_1 = arith.constant 0 : i32
    return %c0_i32, %arg0, %c0_i32_0 : i32, i32, i32
  }
  func.func @transform_2(%arg0: i32) -> (i32, i32) {
    %c0_i32 = arith.constant 0 : i32
    %c0_i32_0 = arith.constant 0 : i32
    return %arg0, %c0_i32 : i32, i32
  }
  func.func @transform_3(%arg0: i32) -> (i32, i32) {
    %c0_i32 = arith.constant 0 : i32
    %c0_i32_0 = arith.constant 0 : i32
    %c0_i32_1 = arith.constant 0 : i32
    return %c0_i32, %c0_i32_0 : i32, i32
  }
  func.func @transform_4(%arg0: i32) -> (i32, i32) {
    %c0_i32 = arith.constant 0 : i32
    %c0_i32_0 = arith.constant 0 : i32
    return %arg0, %c0_i32 : i32, i32
  }
}

module attributes {stable_mosaic.version = 14 : i64} {
  func.func @_tc_ro_pre_body(%arg0: i32, %arg1: memref<632x128xf32, #tpu.memory_space<vmem>>, %arg2: memref<632x128xf32, #tpu.memory_space<vmem>>, %arg3: memref<128x128xf32, #tpu.memory_space<vmem>>, %arg4: memref<128x128xf32, #tpu.memory_space<vmem>>, %arg5: memref<1x128xf32, #tpu.memory_space<vmem>>, %arg6: memref<632x128xf32, #tpu.memory_space<vmem>>) attributes {dimension_semantics = [#tpu.dimension_semantics<arbitrary>], iteration_bounds = array<i64: 16>, scalar_prefetch = 0 : i64, scratch_operands = 0 : i64, tpu.core_type = #tpu.core_type<tc>, window_params = [{transform_indices = @transform_0, window_bounds = array<i64: 632, 128>}, {transform_indices = @transform_1, window_bounds = array<i64: 632, 128>}, {pipeline_mode = #tpu.pipeline_mode<synchronous>, transform_indices = @transform_2, window_bounds = array<i64: 128, 128>}, {pipeline_mode = #tpu.pipeline_mode<synchronous>, transform_indices = @transform_3, window_bounds = array<i64: 128, 128>}, {pipeline_mode = #tpu.pipeline_mode<synchronous>, transform_indices = @transform_4, window_bounds = array<i64: 1, 128>}, {transform_indices = @transform_5, window_bounds = array<i64: 632, 128>}]} {
    %get3A = arith.constant 0 : index
    %get3A_0 = arith.constant 0 : index
    %get3A_1 = vector.load %arg1[%get3A, %get3A_0] : memref<632x128xf32, #tpu.memory_space<vmem>>, vector<632x128xf32>
    %get3A_2 = arith.constant 0 : index
    %get3A_3 = arith.constant 0 : index
    %get3A_4 = vector.load %arg3[%get3A_2, %get3A_3] : memref<128x128xf32, #tpu.memory_space<vmem>>, vector<128x128xf32>
    %dot_general3A = arith.constant dense<0.000000e+00> : vector<632x128xf32>
    %dot_general3A_5 = tpu.matmul %get3A_1, %get3A_4, %dot_general3A {dimension_numbers = #tpu.dot_dimension_numbers<[1], [1], [0], [0], [0, 0, 1, 0], [], []>, transpose_lhs_hint = false} : vector<632x128xf32>, vector<128x128xf32>, vector<632x128xf32> -> vector<632x128xf32>
    %get3A_6 = arith.constant 0 : index
    %get3A_7 = arith.constant 0 : index
    %get3A_8 = vector.load %arg2[%get3A_6, %get3A_7] : memref<632x128xf32, #tpu.memory_space<vmem>>, vector<632x128xf32>
    %get3A_9 = arith.constant 0 : index
    %get3A_10 = arith.constant 0 : index
    %get3A_11 = vector.load %arg4[%get3A_9, %get3A_10] : memref<128x128xf32, #tpu.memory_space<vmem>>, vector<128x128xf32>
    %dot_general3A_12 = arith.constant dense<0.000000e+00> : vector<632x128xf32>
    %dot_general3A_13 = tpu.matmul %get3A_8, %get3A_11, %dot_general3A_12 {dimension_numbers = #tpu.dot_dimension_numbers<[1], [1], [0], [0], [0, 0, 1, 0], [], []>, transpose_lhs_hint = false} : vector<632x128xf32>, vector<128x128xf32>, vector<632x128xf32> -> vector<632x128xf32>
    %add3A = arith.addf %dot_general3A_5, %dot_general3A_13 : vector<632x128xf32>
    %get3A_14 = arith.constant 0 : index
    %get3A_15 = arith.constant 0 : index
    %get3A_16 = vector.load %arg5[%get3A_14, %get3A_15] : memref<1x128xf32, #tpu.memory_space<vmem>>, vector<1x128xf32>
    %add3A_17 = vector.broadcast %get3A_16 : vector<1x128xf32> to vector<632x128xf32>
    %add3A_18 = arith.addf %add3A, %add3A_17 : vector<632x128xf32>
    %swap3A = arith.constant 0 : index
    %swap3A_19 = arith.constant 0 : index
    %swap3A_20 = vector.load %arg6[%swap3A, %swap3A_19] : memref<632x128xf32, #tpu.memory_space<vmem>>, vector<632x128xf32>
    tpu.vector_store %arg6[%swap3A, %swap3A_19], %add3A_18 {strides = array<i32>} : memref<632x128xf32, #tpu.memory_space<vmem>>, vector<632x128xf32>,
    return
  }
  func.func @transform_0(%arg0: i32) -> (i32, i32) {
    %c0_i32 = arith.constant 0 : i32
    %c0_i32_0 = arith.constant 0 : i32
    return %arg0, %c0_i32 : i32, i32
  }
  func.func @transform_1(%arg0: i32) -> (i32, i32) {
    %c0_i32 = arith.constant 0 : i32
    %c0_i32_0 = arith.constant 0 : i32
    return %arg0, %c0_i32 : i32, i32
  }
  func.func @transform_2(%arg0: i32) -> (i32, i32) {
    %c0_i32 = arith.constant 0 : i32
    %c0_i32_0 = arith.constant 0 : i32
    %c0_i32_1 = arith.constant 0 : i32
    return %c0_i32, %c0_i32_0 : i32, i32
  }
  func.func @transform_3(%arg0: i32) -> (i32, i32) {
    %c0_i32 = arith.constant 0 : i32
    %c0_i32_0 = arith.constant 0 : i32
    %c0_i32_1 = arith.constant 0 : i32
    return %c0_i32, %c0_i32_0 : i32, i32
  }
  func.func @transform_4(%arg0: i32) -> (i32, i32) {
    %c0_i32 = arith.constant 0 : i32
    %c0_i32_0 = arith.constant 0 : i32
    %c0_i32_1 = arith.constant 0 : i32
    return %c0_i32, %c0_i32_0 : i32, i32
  }
  func.func @transform_5(%arg0: i32) -> (i32, i32) {
    %c0_i32 = arith.constant 0 : i32
    %c0_i32_0 = arith.constant 0 : i32
    return %arg0, %c0_i32 : i32, i32
  }
}

module attributes {stable_mosaic.version = 14 : i64} {
  func.func @_tc_ro_post_body(%arg0: i32, %arg1: memref<2x632x128xf32, #tpu.memory_space<vmem>>, %arg2: memref<2x632x128xf32, #tpu.memory_space<vmem>>, %arg3: memref<632x128xf32, #tpu.memory_space<vmem>>, %arg4: memref<128x128xf32, #tpu.memory_space<vmem>>, %arg5: memref<632x128xf32, #tpu.memory_space<vmem>>, %arg6: memref<128x128xf32, #tpu.memory_space<vmem>>, %arg7: memref<632x128xf32, #tpu.memory_space<vmem>>) attributes {dimension_semantics = [#tpu.dimension_semantics<arbitrary>], iteration_bounds = array<i64: 16>, scalar_prefetch = 0 : i64, scratch_operands = 0 : i64, tpu.core_type = #tpu.core_type<tc>, window_params = [{transform_indices = @transform_0, window_bounds = array<i64: 2, 632, 128>}, {transform_indices = @transform_1, window_bounds = array<i64: 2, 632, 128>}, {transform_indices = @transform_2, window_bounds = array<i64: 632, 128>}, {pipeline_mode = #tpu.pipeline_mode<synchronous>, transform_indices = @transform_3, window_bounds = array<i64: 128, 128>}, {transform_indices = @transform_4, window_bounds = array<i64: 632, 128>}, {pipeline_mode = #tpu.pipeline_mode<synchronous>, transform_indices = @transform_5, window_bounds = array<i64: 128, 128>}, {transform_indices = @transform_6, window_bounds = array<i64: 632, 128>}]} {
    %get3A = arith.constant 0 : index
    %get3A_0 = arith.constant 0 : index
    %get3A_1 = arith.constant 0 : index
    %get3A_2 = vector.load %arg2[%get3A, %get3A_0, %get3A_1] : memref<2x632x128xf32, #tpu.memory_space<vmem>>, vector<1x632x1xf32>
    %get3A_3 = vector.shape_cast %get3A_2 : vector<1x632x1xf32> to vector<632x1xf32>
    %get3A_4 = arith.constant 1 : index
    %get3A_5 = arith.constant 0 : index
    %get3A_6 = arith.constant 0 : index
    %get3A_7 = vector.load %arg2[%get3A_4, %get3A_5, %get3A_6] : memref<2x632x128xf32, #tpu.memory_space<vmem>>, vector<1x632x1xf32>
    %get3A_8 = vector.shape_cast %get3A_7 : vector<1x632x1xf32> to vector<632x1xf32>
    %add3A = arith.addf %get3A_3, %get3A_8 : vector<632x1xf32>
    %max3A = arith.constant 1.000000e+00 : f32
    %max3A_9 = vector.broadcast %max3A : f32 to vector<632x1xf32>
    %max3A_10 = arith.maximumf %add3A, %max3A_9 : vector<632x1xf32>
    %div3A = arith.constant 1.000000e+00 : f32
    %div3A_11 = vector.broadcast %div3A : f32 to vector<632x1xf32>
    %div3A_12 = arith.divf %div3A_11, %max3A_10 : vector<632x1xf32>
    %get3A_13 = arith.constant 0 : index
    %get3A_14 = arith.constant 0 : index
    %get3A_15 = arith.constant 0 : index
    %get3A_16 = vector.load %arg1[%get3A_13, %get3A_14, %get3A_15] : memref<2x632x128xf32, #tpu.memory_space<vmem>>, vector<1x632x128xf32>
    %get3A_17 = vector.shape_cast %get3A_16 : vector<1x632x128xf32> to vector<632x128xf32>
    %get3A_18 = arith.constant 1 : index
    %get3A_19 = arith.constant 0 : index
    %get3A_20 = arith.constant 0 : index
    %get3A_21 = vector.load %arg1[%get3A_18, %get3A_19, %get3A_20] : memref<2x632x128xf32, #tpu.memory_space<vmem>>, vector<1x632x128xf32>
    %get3A_22 = vector.shape_cast %get3A_21 : vector<1x632x128xf32> to vector<632x128xf32>
    %add3A_23 = arith.addf %get3A_17, %get3A_22 : vector<632x128xf32>
    %mul3A = vector.broadcast %div3A_12 : vector<632x1xf32> to vector<632x128xf32>
    %mul3A_24 = arith.mulf %add3A_23, %mul3A : vector<632x128xf32>
    %get3A_25 = arith.constant 0 : index
    %get3A_26 = arith.constant 0 : index
    %get3A_27 = vector.load %arg4[%get3A_25, %get3A_26] : memref<128x128xf32, #tpu.memory_space<vmem>>, vector<128x128xf32>
    %dot_general3A = arith.constant dense<0.000000e+00> : vector<632x128xf32>
    %dot_general3A_28 = tpu.matmul %mul3A_24, %get3A_27, %dot_general3A {dimension_numbers = #tpu.dot_dimension_numbers<[1], [1], [0], [0], [0, 0, 1, 0], [], []>, transpose_lhs_hint = false} : vector<632x128xf32>, vector<128x128xf32>, vector<632x128xf32> -> vector<632x128xf32>
    %get3A_29 = arith.constant 0 : index
    %get3A_30 = arith.constant 0 : index
    %get3A_31 = vector.load %arg3[%get3A_29, %get3A_30] : memref<632x128xf32, #tpu.memory_space<vmem>>, vector<632x128xf32>
    %add3A_32 = arith.addf %dot_general3A_28, %get3A_31 : vector<632x128xf32>
    %max3A_33 = arith.constant 0.000000e+00 : f32
    %max3A_34 = vector.broadcast %max3A_33 : f32 to vector<632x128xf32>
    %max3A_35 = arith.maximumf %add3A_32, %max3A_34 : vector<632x128xf32>
    %get3A_36 = arith.constant 0 : index
    %get3A_37 = arith.constant 0 : index
    %get3A_38 = vector.load %arg5[%get3A_36, %get3A_37] : memref<632x128xf32, #tpu.memory_space<vmem>>, vector<632x128xf32>
    %get3A_39 = arith.constant 0 : index
    %get3A_40 = arith.constant 0 : index
    %get3A_41 = vector.load %arg6[%get3A_39, %get3A_40] : memref<128x128xf32, #tpu.memory_space<vmem>>, vector<128x128xf32>
    %dot_general3A_42 = arith.constant dense<0.000000e+00> : vector<632x128xf32>
    %dot_general3A_43 = tpu.matmul %max3A_35, %get3A_41, %dot_general3A_42 {dimension_numbers = #tpu.dot_dimension_numbers<[1], [1], [0], [0], [0, 0, 1, 0], [], []>, transpose_lhs_hint = false} : vector<632x128xf32>, vector<128x128xf32>, vector<632x128xf32> -> vector<632x128xf32>
    %add3A_44 = arith.addf %get3A_38, %dot_general3A_43 : vector<632x128xf32>
    %reduce_max3A = arith.constant dense<0xFF800000> : vector<632xf32>
    %reduce_max3A_45 = vector.multi_reduction <maximumf>, %add3A_44, %reduce_max3A [1] : vector<632x128xf32> to vector<632xf32>
    %broadcast_in_dim3A = vector.shape_cast %reduce_max3A_45 : vector<632xf32> to vector<632x1xf32>
    %sub3A = vector.broadcast %broadcast_in_dim3A : vector<632x1xf32> to vector<632x128xf32>
    %sub3A_46 = arith.subf %add3A_44, %sub3A : vector<632x128xf32>
    %exp3A = math.exp %sub3A_46 : vector<632x128xf32>
    %reduce_sum3A = arith.constant dense<0.000000e+00> : vector<632xf32>
    %reduce_sum3A_47 = vector.multi_reduction <add>, %exp3A, %reduce_sum3A [1] : vector<632x128xf32> to vector<632xf32>
    %broadcast_in_dim3A_48 = vector.shape_cast %reduce_sum3A_47 : vector<632xf32> to vector<632x1xf32>
    %log3A = math.log %broadcast_in_dim3A_48 : vector<632x1xf32>
    %sub3A_49 = vector.broadcast %log3A : vector<632x1xf32> to vector<632x128xf32>
    %sub3A_50 = arith.subf %sub3A_46, %sub3A_49 : vector<632x128xf32>
    %swap3A = arith.constant 0 : index
    %swap3A_51 = arith.constant 0 : index
    %swap3A_52 = vector.load %arg7[%swap3A, %swap3A_51] : memref<632x128xf32, #tpu.memory_space<vmem>>, vector<632x128xf32>
    tpu.vector_store %arg7[%swap3A, %swap3A_51], %sub3A_50 {strides = array<i32>} : memref<632x128xf32, #tpu.memory_space<vmem>>, vector<632x128xf32>,
    return
  }
  func.func @transform_0(%arg0: i32) -> (i32, i32, i32) {
    %c0_i32 = arith.constant 0 : i32
    %c0_i32_0 = arith.constant 0 : i32
    %c0_i32_1 = arith.constant 0 : i32
    return %c0_i32, %arg0, %c0_i32_0 : i32, i32, i32
  }
  func.func @transform_1(%arg0: i32) -> (i32, i32, i32) {
    %c0_i32 = arith.constant 0 : i32
    %c0_i32_0 = arith.constant 0 : i32
    %c0_i32_1 = arith.constant 0 : i32
    return %c0_i32, %arg0, %c0_i32_0 : i32, i32, i32
  }
  func.func @transform_2(%arg0: i32) -> (i32, i32) {
    %c0_i32 = arith.constant 0 : i32
    %c0_i32_0 = arith.constant 0 : i32
    return %arg0, %c0_i32 : i32, i32
  }
  func.func @transform_3(%arg0: i32) -> (i32, i32) {
    %c0_i32 = arith.constant 0 : i32
    %c0_i32_0 = arith.constant 0 : i32
    %c0_i32_1 = arith.constant 0 : i32
    return %c0_i32, %c0_i32_0 : i32, i32
  }
  func.func @transform_4(%arg0: i32) -> (i32, i32) {
    %c0_i32 = arith.constant 0 : i32
    %c0_i32_0 = arith.constant 0 : i32
    return %arg0, %c0_i32 : i32, i32
  }
  func.func @transform_5(%arg0: i32) -> (i32, i32) {
    %c0_i32 = arith.constant 0 : i32
    %c0_i32_0 = arith.constant 0 : i32
    %c0_i32_1 = arith.constant 0 : i32
    return %c0_i32, %c0_i32_0 : i32, i32
  }
  func.func @transform_6(%arg0: i32) -> (i32, i32) {
    %c0_i32 = arith.constant 0 : i32
    %c0_i32_0 = arith.constant 0 : i32
    return %arg0, %c0_i32 : i32, i32
  }
}

</mosaic_0001>

<sc_bundles>
// kernel: kernel.13.cloned.1.call-start
scs
__scs_entry_jumppad:
0x0: {  	(pc) =	sbr.rel $0x88, $3  }
0x1: {  	(tag) =	ssettag $0x0;
	lr =	simm.s32 $0x1  }
0x2: {  	[smem:$0x3F94] =	sst lr;
	_ =	strace $0xD0000000  }
0x3: {  	_ = 	snop  }
0x4: {  	_ = 	snop  }
0x5: {  	_ = 	snop  }
0x6: {  	_ = 	snop  }
0x7: {  	_ = 	snop  }
__scs_overlays_trampoline_lowered:
0x8: {  	[smem:$0x3FA3] =	sst s0  }
0x9: {  	[smem:$0x3FA4] =	sst s1  }
0xa: {  	[smem:$0x3FA5] =	sst s2  }
0xb: {  	[smem:$0x3FA6] =	sst s3  }
0xc: {  	[smem:$0x3FA7] =	sst s4  }
0xd: {  	[smem:$0x3FA8] =	sst s5  }
0xe: {  	[smem:$0x3FA9] =	sst s6  }
0xf: {  	[smem:$0x3FAA] =	sst s7  }
0x10: {  	[smem:$0x3FAB] =	sst s8  }
0x11: {  	[smem:$0x3FAC] =	sst s9;
	s0 =	simm.s32 @!p0 $0x0  }
0x12: {  	s1 =	sld [smem:$0x3F92];
	s0 =	simm.s32 @p0 $0x1  }
0x13: {  	[smem:$0x3FAD] =	sst s0;
	s0 =	simm.s32 @!p1 $0x0  }
0x14: {  	s2 =	sld [smem:$0x3F91];
	s0 =	simm.s32 @p1 $0x1  }
0x15: {  	[smem:$0x3FAE] =	sst s0;
	s0 =	simm.s32 @!p2 $0x0  }
0x16: {  	s3 =	sld [smem:$0x3FDB];
	s0 =	simm.s32 @p2 $0x1  }
0x17: {  	s4 =	simm.s32 $0x1BF5;
	[smem:$0x3FB0] =	sst s0  }
0x18: {  	s0 =	sld [smem:$0x3F93];
	_ =	swait.ge [sflag:s4], $0x0  }
0x19: {  	s7 =	sld [smem:$0x3F94]  }
0x1a: {  	s8 =	sadd.s32 $0xFFFFE003, lr  }
0x1b: {  	s9 =	sadd.s32 $0xFFFFFEF7, lr;
	s5 =	simm.s32 $0xFFFFFFFF;
	p2 =	slt.u32 s8, $0xFFFFF086  }
0x1c: {  	p1 =	slt.u32 s9, $0xF7A;
	s5 =	simm.s32 @!p2 $0x0  }
0x1d: {  	s5 =	simm.s32 @p1 $0x1;
	p0 =	seq.s32 s7, s2  }
0x1e: {  	s7 =	smul.u32 @!p0 $0xF7A, s2;
	p2 =	seq.s32 @!p0 s5, $0x0  }
0x1f: {  	s9 =	smul.u32 $0xF7A, s1;
	s8 =	simm.s32 @!p0 $0x1BF5;
	p2 =	por !p2, p0  }
0x20: {  	[sflag:s8] =	ssyncset.s32 @!p0 $0xFFFFF086;
	s6 =	sadd.s32 @!p0 s3, s7;
	s7 =	simm.s32 @!p0 $0x108  }
0x21: {  	s3 =	sadd.s32 s3, s9;
	s6 =	sadd.s32 @!p0 $0x88, s6;
	s7 =	simm.s32 @p2 $0x1082  }
0x22: {  	[simem:s7], [sflag:s8] =	dma.local @!p0 [hbm:s6], $0xF7A  }
0x23: {  	s9 =	sor.u32 $0xD0000000, s2;
	s6 =	simm.s32 $0x108;
	_ =	swait.ge @!p0 [sflag:s8], $0x0  }
0x24: {  	s3 =	sadd.s32 $0x88, s3;
	s6 =	simm.s32 @!p1 $0x1082;
	[sflag:s4] =	ssyncset.s32 $0xFFFFF086  }
0x25: {  	[simem:s6], [sflag:s4] =	dma.local [hbm:s3], $0xF7A  }
0x26: {  	[smem:$0x3F94] =	sst s1;
	(tag) =	ssettag s2;
	_ =	strace s9  }
0x27: {  	s1 =	sld [smem:$0x3FA4]  }
0x28: {  	s2 =	sld [smem:$0x3FA5]  }
0x29: {  	s4 =	sld [smem:$0x3FA7]  }
0x2a: {  	p0 =	seq.s32 s5, $0x0;
	s5 =	sld [smem:$0x3FA8]  }
0x2b: {  	s6 =	sld [smem:$0x3FA9]  }
0x2c: {  	s7 =	sld [smem:$0x3FAA]  }
0x2d: {  	s3 =	simm.s32 $0x108;
	s8 =	sld [smem:$0x3FAB]  }
0x2e: {  	s3 =	simm.s32 @!p0 $0x1082;
	s9 =	sld [smem:$0x3FAC]  }
0x2f: {  	lr =	sadd.s32 s0, s3;
	s0 =	sld [smem:$0x3FA3]  }
0x30: {  	s3 =	sld [smem:$0x3FA6]  }
0x31: {  	[smem:$0x3FAF] =	sst s10  }
0x32: {  	s10 =	sld [smem:$0x3FAD];
	_ =	sdelay $0x3  }
0x33: {  	p0 =	seq.s32 s10, $0x1;
	s10 =	sld [smem:$0x3FAF];
	_ =	sdelay $0x3  }
0x34: {  	[smem:$0x3FAF] =	sst s10  }
0x35: {  	s10 =	sld [smem:$0x3FAE];
	_ =	sdelay $0x3  }
0x36: {  	p1 =	seq.s32 s10, $0x1;
	s10 =	sld [smem:$0x3FAF];
	_ =	sdelay $0x3  }
0x37: {  	[smem:$0x3FAF] =	sst s10  }
0x38: {  	s10 =	sld [smem:$0x3FB0]  }
0x39: {  	_ = 	snop;
	(pc) =	sbr.ind lr, $3  }
0x3a: {  	_ = 	snop  }
0x3b: {  	_ = 	snop  }
0x3c: {  	p2 =	seq.s32 s10, $0x1;
	s10 =	sld [smem:$0x3FAF]  }
0x3d: {  	_ =	shalt  }
0x3e: {  	_ =	shalt  }
0x3f: {  	_ =	shalt  }
0x40: {  	_ =	shalt  }
0x41: {  	_ =	shalt  }
0x42: {  	_ =	shalt  }
0x43: {  	_ =	shalt  }
0x44: {  	_ =	shalt  }
0x45: {  	_ =	shalt  }
0x46: {  	_ =	shalt  }
0x47: {  	_ =	shalt  }
0x48: {  	_ =	shalt  }
0x49: {  	_ =	shalt  }
0x4a: {  	_ =	shalt  }
0x4b: {  	_ =	shalt  }
0x4c: {  	_ =	shalt  }
0x4d: {  	_ =	shalt  }
0x4e: {  	_ =	shalt  }
0x4f: {  	_ =	shalt  }
0x50: {  	_ =	shalt  }
0x51: {  	_ =	shalt  }
0x52: {  	_ =	shalt  }
0x53: {  	_ =	shalt  }
0x54: {  	_ =	shalt  }
0x55: {  	_ =	shalt  }
0x56: {  	_ =	shalt  }
0x57: {  	_ =	shalt  }
0x58: {  	_ =	shalt  }
0x59: {  	_ =	shalt  }
0x5a: {  	_ =	shalt  }
0x5b: {  	_ =	shalt  }
0x5c: {  	_ =	shalt  }
0x5d: {  	_ =	shalt  }
0x5e: {  	_ =	shalt  }
0x5f: {  	_ =	shalt  }
0x60: {  	_ =	shalt  }
0x61: {  	_ =	shalt  }
0x62: {  	_ =	shalt  }
0x63: {  	_ =	shalt  }
0x64: {  	_ =	shalt  }
0x65: {  	_ =	shalt  }
0x66: {  	_ =	shalt  }
0x67: {  	_ =	shalt  }
0x68: {  	_ =	shalt  }
0x69: {  	_ =	shalt  }
0x6a: {  	_ =	shalt  }
0x6b: {  	_ =	shalt  }
0x6c: {  	_ =	shalt  }
0x6d: {  	_ =	shalt  }
0x6e: {  	_ =	shalt  }
0x6f: {  	_ =	shalt  }
0x70: {  	_ =	shalt  }
0x71: {  	_ =	shalt  }
0x72: {  	_ =	shalt  }
0x73: {  	_ =	shalt  }
0x74: {  	_ =	shalt  }
0x75: {  	_ =	shalt  }
0x76: {  	_ =	shalt  }
0x77: {  	_ =	shalt  }
0x78: {  	_ =	shalt  }
0x79: {  	_ =	shalt  }
0x7a: {  	_ =	shalt  }
0x7b: {  	_ =	shalt  }
0x7c: {  	_ =	shalt  }
0x7d: {  	_ =	shalt  }
0x7e: {  	_ =	shalt  }
0x7f: {  	_ =	shalt  }
0x80: {  	_ =	shalt  }
0x81: {  	_ =	shalt  }
0x82: {  	_ =	shalt  }
0x83: {  	_ =	shalt  }
0x84: {  	_ =	shalt  }
0x85: {  	_ =	shalt  }
0x86: {  	_ =	shalt  }
0x87: {  	_ =	shalt  }
.Lfunc_end0:
.L_simem_size_0:
called_computation_lowered:
.L_overlay_start_0:
0x88: {  	s2 =	sld [smem:$0x3FD9]  }
0x89: {  	s3 =	sld [smem:$0x3FFE];
	_ =	sdelay $0x1  }
0x8a: {  	s1 =	srdreg.scid  }
0x8b: {  	s0 =	sand.u32 $0x1, s1  }
0x8c: {  	s17 =	sshll.u32 s0, $0xA;
	s2 =	sadd.s32 s3, s2  }
0x8d: {  	s2 =	sadd.s32 s2, s17  }
0x8e: {  	[smem:$0x3FBB] =	sst s2  }
0x8f: {  	_ = 	snop  }
0x90: {  	(tm) =	ssettm $0x1  }
0x91: {  	s18 =	sld [smem:$0x3FFB];
	_ =	sdelay $0x3  }
0x92: {  	_ =	strace s18  }
0x93: {  	s2 =	sld [smem:$0x3FFC];
	_ =	sdelay $0x3  }
0x94: {  	_ =	strace s2  }
0x95: {  	s2 =	sld [smem:$0x3FFD];
	_ =	sdelay $0x3  }
0x96: {  	_ =	strace s2  }
0x97: {  	_ =	strace $0x8FFFFFFF  }
0x98: {  	s19 =	sld [smem:$0x3FDB];
	_ =	sdelay $0x1  }
0x99: {  	s20 =	simm.s32 $_scs_section_size  }
0x9a: {  	s4 =	simm.s32 $_size__tile_overlayer_lowered;
	s5 =	simm.s32 $_tile_overlayer_lowered  }
0x9b: {  	s6 =	simm.s32 $0x1BFF;
	s21 =	sshll.u32 s5, $0x1;
	s3 =	sadd.s32 s20, s19  }
0x9c: {  	s22 =	simm.s32 $0x0;
	s4 =	sshll.u32 s4, $0x1;
	s5 =	sadd.s32 s21, s3  }
0x9d: {  	[timem:s22], [sflag:s6] =	dma.local [hbm:s5], s4  }
0x9e: {  	_ =	swait.ge [sflag:s6], s4  }
0x9f: {  	s4 =	ssub.s32 $0x0, s4;
	[sflag:s6] =	ssyncset.done $0x0  }
0xa0: {  	[sflag:s6] =	ssyncadd.s32 s4;
	_ =	sdelay $0x1  }
0xa1: {  	s23 =	simm.s32 $0x1B8B  }
0xa2: {  	_ =	swait.ge [sflag:s23], $0x1  }
0xa3: {  	[sflag:s23] =	ssyncset.done $0x0  }
0xa4: {  	[sflag:s23] =	ssyncadd.s32 $0xFFFFFFFF  }
0xa5: {  	s4 =	sld [smem:$0x0]  }
0xa6: {  	s5 =	sand.u32 $0xFFFFFFFE, s1  }
0xa7: {  	p0 =	sne.s32 s1, s5  }
0xa8: {  	s5 =	sshll.u32 @p0 s5, $0xE  }
0xa9: {  	s5 =	sadd.s32 @p0 $0x11B8D, s5;
	s6 =	sshll.u32 @p0 s4, $0x11  }
0xaa: {  	s5 =	sor.u32 @p0 s6, s5  }
0xab: {  	[sflag:s5] =	ssyncadd.remote.s32 @p0 $0x1;
	_ =	sdelay $0x1  }
0xac: {  	s5 =	simm.s32 @p0 $0x1B8D  }
0xad: {  	_ =	swait.eq @p0 [sflag:s5], $0x1  }
0xae: {  	[sflag:s5] =	ssyncadd.s32 @p0 $0xFFFFFFFF  }
0xaf: {  	s6 =	sshll.u32 @!p0 s1, $0xE  }
0xb0: {  	s6 =	sor.u32 @!p0 $0x4000, s6;
	s5 =	simm.s32 @!p0 $0x1B8D  }
0xb1: {  	s4 =	sshll.u32 @!p0 s4, $0x11;
	s6 =	sadd.s32 @!p0 $0x11B8D, s6;
	_ =	swait.eq @!p0 [sflag:s5], $0x1  }
0xb2: {  	s4 =	sor.u32 @!p0 s4, s6;
	[sflag:s5] =	ssyncadd.s32 @!p0 $0xFFFFFFFF  }
0xb3: {  	s25 =	simm.s32 $0x1B8E;
	s24 =	sld [smem:$0x3FFE];
	[sflag:s4] =	ssyncadd.remote.s32 @!p0 $0x1  }
0xb4: {  	s26 =	simm.s32 $execute0_lowered;
	[smem:$0x3FD2] =	sst s25  }
0xb5: {  	s5 =	sshll.u32 s26, $0x1;
	_ =	strace $0x80000049;
	[dreg:$0x1] =	wrdreg $0xFFFFFFFF  }
0xb6: {  	s28 =	simm.s32 $_size_execute0_lowered;
	s3 =	sadd.s32 s3, s5;
	[dreg:$0x0] =	wrdreg $0x0  }
0xb7: {  	s5 =	sshll.u32 s28, $0x1;
	[dreg:$0x2] =	wrdreg s3  }
0xb8: {  	[dreg:$0x3] =	wrdreg s5  }
0xb9: {  	[dreg:$0x4] =	wrdreg $0xC0  }
0xba: {  	_ =	task [dreg:s22], $0x5FFFF  }
0xbb: {  	[dreg:$0x1] =	wrdreg $0xFFFFFFFF  }
0xbc: {  	[dreg:$0x0] =	wrdreg $0x60  }
0xbd: {  	[dreg:$0x2] =	wrdreg s24  }
0xbe: {  	[dreg:$0x3] =	wrdreg $0x68000  }
0xbf: {  	[dreg:$0x4] =	wrdreg $0x9  }
0xc0: {  	_ =	task.clear_ibuf [dreg:s22], $0x5FFFF;
	_ =	strace $0x90000049  }
0xc1: {  	s29 =	simm.s32 $0x9;
	_ =	strace $0x8000004B  }
0xc2: {  	_ =	swait.ge [sflag:s29], $0x1  }
0xc3: {  	[sflag:s29] =	ssyncadd.s32 $0xFFFFFFFF  }
0xc4: {  	_ =	strace $0x9000004B  }
0xc5: {  	_ =	sfence  }
0xc6: {  	s30 =	sld [smem:$0x0];
	_ =	sdelay $0x2  }
0xc7: {  	s31 =	sshll.u32 s1, $0xD;
	s1 =	sshrl.u32 s1, $0x2  }
0xc8: {  	s4 =	sand.u32 $0x4000, s31;
	s1 =	sadd.s32 s1, s30  }
0xc9: {  	s0 =	sor.u32 s4, s0;
	s1 =	sshll.u32 s1, $0x11  }
0xca: {  	s0 =	sor.u32 s1, s0  }
0xcb: {  	s0 =	sadd.s32 $0x8F2B, s0  }
0xcc: {  	[sflag:s0] =	ssyncadd.remote.s32 $0x1  }
0xcd: {  	_ =	sfence.sel $0xFFFF  }
0xce: {  	[dreg:$0x0] =	wrdreg $0xFFFFFFFF;
	(pc) =	sbr.abs _section_cstart, $3  }
0xcf: {  	[dreg:$0x1] =	wrdreg $0xFFFFFFFF  }
0xd0: {  	_ =	task.clear_ibuf [dreg:s22], $0x2FFFF;
	_ =	strace $0x9FFFFFFF  }
0xd1: {  	(tm) =	ssettm $0x7FFFFFFF  }
tec
execute0_lowered:
.L_overlay_start_1:
0x0: {  	(tag) =	ssettag $0x1  }
0x1: {  	s0 =	srdreg.scid;
	s6 =	rddreg [dreg:$0x0]  }
0x2: {  	s2 =	rddreg [dreg:$0x1];
	s5 =	sand.u32 $0x1, s0;
	s0 =	stileid.u32  }
0x3: {  	s3 =	simm.s32 $0x0;
	s13 =	simm.s32 $0x80;
	s7 =	smul.u32 $0x13C00, s0  }
0x4: {  	s14 =	simm.s32 $0x0;
	[smem:$0x7FF] =	sst s3;
	s8 =	smul.u32 $0x13C000, s5  }
0x5: {  	s1 =	sshll.u32 s5, $0x4;
	s5 =	ssub.s32 $0x2, s5;
	s29 =	smul.u32 $0x4F000, s0  }
0x6: {  	s31 =	sshll.u32 s0, $0x6;
	s4 =	sor.u32 s0, s1;
	s1 =	rddreg [dreg:$0x2]  }
0x7: {  	_ =	strace $0x8000004A;
	s11 =	sshrl.u32 s5, $0x1;
	s4 =	smul.u32 $0x500, s4  }
0x8: {  	s10 =	sshrl.u32 s7, $0x3;
	s7 =	sadd.s32 s7, s8;
	s11 =	ssub.s32 s5, s11  }
0x9: {  	s30 =	sshrl.u32 s29, $0x2;
	s10 =	sadd.s32 s10, s6;
	s7 =	sshrl.u32 s7, $0x3  }
0xa: {  	s12 =	sadd.s32 s30, s2;
	s8 =	smax.u32 s11, $0x1;
	s11 =	sor.u32 $0x1C01, s31  }
0xb: {  	s9 =	sadd.s32 s4, s6;
	s4 =	sadd.s32 $0xAB600, s6;
	s7 =	sadd.s32 s7, s6  }
0xc: {  	s6 =	sadd.s32 $0x2AE00, s10;
	s10 =	simm.s32 $0x2800;
	s12 =	sshrl.u32 s12, $0x3  }
0xd: {  	s5 =	sadd.s32 $0xA1600, s9;
	s7 =	sadd.s32 $0xABE00, s7;
	s9 =	simm.s32 $0x1  }
.LBB2_1:
0xe: {  	[tilespmem:s3], [sflag:$0x1] =	stream.linear.gather [hbm4b:s5+s3], $0x2780, $0x38;
	[tilespmem:$0x1A400] =	vst v63  }
0xf: {  	_ =	swait.ge [sflag:s9], $0x2780  }
0x10: {  	[sflag:s9] =	ssyncset.done $0x0  }
0x11: {  	[sflag:s9] =	ssyncadd.s32 $0xFFFFD880  }
0x12: {  	[tilespmem:s10], [sflag:$0x1] =	stream.linear.gather [hbm4b:s4+s3], $0x4000, $0x38;
	[tilespmem:$0x1A400] =	vst v63  }
0x13: {  	_ =	swait.ge [sflag:s9], $0x4000  }
0x14: {  	[sflag:s9] =	ssyncset.done $0x0  }
0x15: {  	[sflag:s9] =	ssyncadd.s32 $0xFFFFC000  }
0x16: {  	[spmem:s12], [sflag:s11] =	dma.local [hbm:s6], $0x2780  }
0x17: {  	_ =	swait.ge [sflag:s9], $0x2780  }
0x18: {  	[sflag:s9] =	ssyncset.done $0x0  }
0x19: {  	[sflag:s9] =	ssyncadd.s32 $0xFFFFD880  }
0x1a: {  	s15 =	simm.s32 $0x0;
	[bflag:$0x0] =	sbarrier.arrive $0xFFFF  }
0x1b: {  	[spmem:s2] =	stream.indirect.scatter.add.f32 [tilespmem:s10], [sflag:$0x1], $0x80, s15, s13, $0xb8;
	[tilespmem:$0x1A400] =	vst v63  }
0x1c: {  	_ =	swait.ge [sflag:s9], $0x4000  }
0x1d: {  	s15 =	simm.s32 $0x200;
	[sflag:s9] =	ssyncset.done $0x0  }
.LBB2_2:
0x1e: {  	s16 =	sshra.s32 s15, $0x2;
	[sflag:s9] =	ssyncadd.s32 $0xFFFFC000;
	p0 =	sne.s32 s15, $0x9C00  }
0x1f: {  	[spmem:s2] =	stream.indirect.scatter.add.f32 [tilespmem:s10], [sflag:$0x1], $0x80, s16, s13, $0xb8;
	[tilespmem:$0x1A400] =	vst v63  }
.Ltmp0:
0x20: {  	_ = 	snop;
	(pc) =	sbr.rel @p0 .LBB2_2-.Ltmp0, $4  }
0x21: {  	_ = 	snop  }
0x22: {  	s15 =	sadd.s32 $0x200, s15  }
0x23: {  	_ =	swait.ge [sflag:s9], $0x4000  }
0x24: {  	[sflag:s9] =	ssyncset.done $0x0  }
0x25: {  	s14 =	sadd.s32 $0x1, s14  }
0x26: {  	[sflag:s9] =	ssyncadd.s32 $0xFFFFC000;
	p0 =	sne.s32 s14, s8  }
.Ltmp1:
0x27: {  	[bflag:$0x0] =	sbarrier.arrive $0xFFFF;
	(pc) =	sbr.rel @p0 .LBB2_1-.Ltmp1, $4  }
0x28: {  	[hbm:s7], [sflag:s11] =	dma.local [spmem:s12], $0x2780  }
0x29: {  	_ =	swait.ge [sflag:s9], $0x2780  }
0x2a: {  	[sflag:s9] =	ssyncset.done $0x0  }
0x2b: {  	[sflag:s9] =	ssyncadd.s32 $0xFFFFD880  }
0x2c: {  	_ =	sfence.sel $0x180000  }
0x2d: {  	[bflag:$0x0] =	sbarrier.arrive $0xFFFF  }
0x2e: {  	p0 =	sne.s32 s0, $0x0;
	_ =	strace $0x9000004A  }
0x2f: {  	s0 =	sadd.s32 @!p0 $0x100000, s1;
	[bflag:$0x2] =	sbarrier.arrive $0xFFFF  }
0x30: {  	[sflag:s0] =	ssyncadd.tile.s32 @!p0 $0x1;
	_ =	shalt  }
.Lfunc_end2:
_tile_overlayer_lowered:
.L_overlay_start_2:
0x31: {  	(tag) =	ssettag $0x2  }
0x32: {  	s0 =	rddreg [dreg:$0x0];
	s2 =	stileid.u32  }
0x33: {  	s1 =	rddreg [dreg:$0x1];
	p0 =	sne.s32 s2, $0x0  }
0x34: {  	s3 =	rddreg [dreg:$0x2];
	[bflag:$0x3] =	sbarrier.arrive $0xFFFF;
	s2 =	simm.s32 @!p0 $0x1C01  }
0x35: {  	[timem:s3], [sflag:s2] =	dma.local @!p0 [hbm:s0], s1  }
0x36: {  	s0 =	simm.s32 @!p0 $0x1  }
0x37: {  	_ =	swait.ge @!p0 [sflag:s0], s1  }
0x38: {  	s1 =	ssub.s32 @!p0 $0x0, s1;
	[sflag:s0] =	ssyncset.done @!p0 $0x0  }
0x39: {  	[sflag:s0] =	ssyncadd.s32 @!p0 s1  }
0x3a: {  	[bflag:$0x3] =	sbarrier.arrive $0xFFFF  }
0x3b: {  	_ =	shalt  }

// kernel: kernel.16.cloned.1.call-start
scs
__scs_entry_jumppad:
0x0: {  	(pc) =	sbr.rel $0x88, $3  }
0x1: {  	(tag) =	ssettag $0x0;
	lr =	simm.s32 $0x1  }
0x2: {  	[smem:$0x3F94] =	sst lr;
	_ =	strace $0xD0000000  }
0x3: {  	_ = 	snop  }
0x4: {  	_ = 	snop  }
0x5: {  	_ = 	snop  }
0x6: {  	_ = 	snop  }
0x7: {  	_ = 	snop  }
__scs_overlays_trampoline_lowered:
0x8: {  	[smem:$0x3FA3] =	sst s0  }
0x9: {  	[smem:$0x3FA4] =	sst s1  }
0xa: {  	[smem:$0x3FA5] =	sst s2  }
0xb: {  	[smem:$0x3FA6] =	sst s3  }
0xc: {  	[smem:$0x3FA7] =	sst s4  }
0xd: {  	[smem:$0x3FA8] =	sst s5  }
0xe: {  	[smem:$0x3FA9] =	sst s6  }
0xf: {  	[smem:$0x3FAA] =	sst s7  }
0x10: {  	[smem:$0x3FAB] =	sst s8  }
0x11: {  	[smem:$0x3FAC] =	sst s9;
	s0 =	simm.s32 @!p0 $0x0  }
0x12: {  	s1 =	sld [smem:$0x3F92];
	s0 =	simm.s32 @p0 $0x1  }
0x13: {  	[smem:$0x3FAD] =	sst s0;
	s0 =	simm.s32 @!p1 $0x0  }
0x14: {  	s2 =	sld [smem:$0x3F91];
	s0 =	simm.s32 @p1 $0x1  }
0x15: {  	[smem:$0x3FAE] =	sst s0;
	s0 =	simm.s32 @!p2 $0x0  }
0x16: {  	s3 =	sld [smem:$0x3FDB];
	s0 =	simm.s32 @p2 $0x1  }
0x17: {  	s4 =	simm.s32 $0x1BF5;
	[smem:$0x3FB0] =	sst s0  }
0x18: {  	s0 =	sld [smem:$0x3F93];
	_ =	swait.ge [sflag:s4], $0x0  }
0x19: {  	s7 =	sld [smem:$0x3F94]  }
0x1a: {  	s8 =	sadd.s32 $0xFFFFE003, lr  }
0x1b: {  	s9 =	sadd.s32 $0xFFFFFEF7, lr;
	s5 =	simm.s32 $0xFFFFFFFF;
	p2 =	slt.u32 s8, $0xFFFFF086  }
0x1c: {  	p1 =	slt.u32 s9, $0xF7A;
	s5 =	simm.s32 @!p2 $0x0  }
0x1d: {  	s5 =	simm.s32 @p1 $0x1;
	p0 =	seq.s32 s7, s2  }
0x1e: {  	s7 =	smul.u32 @!p0 $0xF7A, s2;
	p2 =	seq.s32 @!p0 s5, $0x0  }
0x1f: {  	s9 =	smul.u32 $0xF7A, s1;
	s8 =	simm.s32 @!p0 $0x1BF5;
	p2 =	por !p2, p0  }
0x20: {  	[sflag:s8] =	ssyncset.s32 @!p0 $0xFFFFF086;
	s6 =	sadd.s32 @!p0 s3, s7;
	s7 =	simm.s32 @!p0 $0x108  }
0x21: {  	s3 =	sadd.s32 s3, s9;
	s6 =	sadd.s32 @!p0 $0x88, s6;
	s7 =	simm.s32 @p2 $0x1082  }
0x22: {  	[simem:s7], [sflag:s8] =	dma.local @!p0 [hbm:s6], $0xF7A  }
0x23: {  	s9 =	sor.u32 $0xD0000000, s2;
	s6 =	simm.s32 $0x108;
	_ =	swait.ge @!p0 [sflag:s8], $0x0  }
0x24: {  	s3 =	sadd.s32 $0x88, s3;
	s6 =	simm.s32 @!p1 $0x1082;
	[sflag:s4] =	ssyncset.s32 $0xFFFFF086  }
0x25: {  	[simem:s6], [sflag:s4] =	dma.local [hbm:s3], $0xF7A  }
0x26: {  	[smem:$0x3F94] =	sst s1;
	(tag) =	ssettag s2;
	_ =	strace s9  }
0x27: {  	s1 =	sld [smem:$0x3FA4]  }
0x28: {  	s2 =	sld [smem:$0x3FA5]  }
0x29: {  	s4 =	sld [smem:$0x3FA7]  }
0x2a: {  	p0 =	seq.s32 s5, $0x0;
	s5 =	sld [smem:$0x3FA8]  }
0x2b: {  	s6 =	sld [smem:$0x3FA9]  }
0x2c: {  	s7 =	sld [smem:$0x3FAA]  }
0x2d: {  	s3 =	simm.s32 $0x108;
	s8 =	sld [smem:$0x3FAB]  }
0x2e: {  	s3 =	simm.s32 @!p0 $0x1082;
	s9 =	sld [smem:$0x3FAC]  }
0x2f: {  	lr =	sadd.s32 s0, s3;
	s0 =	sld [smem:$0x3FA3]  }
0x30: {  	s3 =	sld [smem:$0x3FA6]  }
0x31: {  	[smem:$0x3FAF] =	sst s10  }
0x32: {  	s10 =	sld [smem:$0x3FAD];
	_ =	sdelay $0x3  }
0x33: {  	p0 =	seq.s32 s10, $0x1;
	s10 =	sld [smem:$0x3FAF];
	_ =	sdelay $0x3  }
0x34: {  	[smem:$0x3FAF] =	sst s10  }
0x35: {  	s10 =	sld [smem:$0x3FAE];
	_ =	sdelay $0x3  }
0x36: {  	p1 =	seq.s32 s10, $0x1;
	s10 =	sld [smem:$0x3FAF];
	_ =	sdelay $0x3  }
0x37: {  	[smem:$0x3FAF] =	sst s10  }
0x38: {  	s10 =	sld [smem:$0x3FB0]  }
0x39: {  	_ = 	snop;
	(pc) =	sbr.ind lr, $3  }
0x3a: {  	_ = 	snop  }
0x3b: {  	_ = 	snop  }
0x3c: {  	p2 =	seq.s32 s10, $0x1;
	s10 =	sld [smem:$0x3FAF]  }
0x3d: {  	_ =	shalt  }
0x3e: {  	_ =	shalt  }
0x3f: {  	_ =	shalt  }
0x40: {  	_ =	shalt  }
0x41: {  	_ =	shalt  }
0x42: {  	_ =	shalt  }
0x43: {  	_ =	shalt  }
0x44: {  	_ =	shalt  }
0x45: {  	_ =	shalt  }
0x46: {  	_ =	shalt  }
0x47: {  	_ =	shalt  }
0x48: {  	_ =	shalt  }
0x49: {  	_ =	shalt  }
0x4a: {  	_ =	shalt  }
0x4b: {  	_ =	shalt  }
0x4c: {  	_ =	shalt  }
0x4d: {  	_ =	shalt  }
0x4e: {  	_ =	shalt  }
0x4f: {  	_ =	shalt  }
0x50: {  	_ =	shalt  }
0x51: {  	_ =	shalt  }
0x52: {  	_ =	shalt  }
0x53: {  	_ =	shalt  }
0x54: {  	_ =	shalt  }
0x55: {  	_ =	shalt  }
0x56: {  	_ =	shalt  }
0x57: {  	_ =	shalt  }
0x58: {  	_ =	shalt  }
0x59: {  	_ =	shalt  }
0x5a: {  	_ =	shalt  }
0x5b: {  	_ =	shalt  }
0x5c: {  	_ =	shalt  }
0x5d: {  	_ =	shalt  }
0x5e: {  	_ =	shalt  }
0x5f: {  	_ =	shalt  }
0x60: {  	_ =	shalt  }
0x61: {  	_ =	shalt  }
0x62: {  	_ =	shalt  }
0x63: {  	_ =	shalt  }
0x64: {  	_ =	shalt  }
0x65: {  	_ =	shalt  }
0x66: {  	_ =	shalt  }
0x67: {  	_ =	shalt  }
0x68: {  	_ =	shalt  }
0x69: {  	_ =	shalt  }
0x6a: {  	_ =	shalt  }
0x6b: {  	_ =	shalt  }
0x6c: {  	_ =	shalt  }
0x6d: {  	_ =	shalt  }
0x6e: {  	_ =	shalt  }
0x6f: {  	_ =	shalt  }
0x70: {  	_ =	shalt  }
0x71: {  	_ =	shalt  }
0x72: {  	_ =	shalt  }
0x73: {  	_ =	shalt  }
0x74: {  	_ =	shalt  }
0x75: {  	_ =	shalt  }
0x76: {  	_ =	shalt  }
0x77: {  	_ =	shalt  }
0x78: {  	_ =	shalt  }
0x79: {  	_ =	shalt  }
0x7a: {  	_ =	shalt  }
0x7b: {  	_ =	shalt  }
0x7c: {  	_ =	shalt  }
0x7d: {  	_ =	shalt  }
0x7e: {  	_ =	shalt  }
0x7f: {  	_ =	shalt  }
0x80: {  	_ =	shalt  }
0x81: {  	_ =	shalt  }
0x82: {  	_ =	shalt  }
0x83: {  	_ =	shalt  }
0x84: {  	_ =	shalt  }
0x85: {  	_ =	shalt  }
0x86: {  	_ =	shalt  }
0x87: {  	_ =	shalt  }
.Lfunc_end0:
.L_simem_size_0:
called_computation.1_lowered:
.L_overlay_start_0:
0x88: {  	s2 =	sld [smem:$0x3FD9]  }
0x89: {  	s3 =	sld [smem:$0x3FFE];
	_ =	sdelay $0x1  }
0x8a: {  	s1 =	srdreg.scid  }
0x8b: {  	s0 =	sand.u32 $0x1, s1  }
0x8c: {  	s17 =	sshll.u32 s0, $0xA;
	s2 =	sadd.s32 s3, s2  }
0x8d: {  	s2 =	sadd.s32 s2, s17  }
0x8e: {  	[smem:$0x3FBB] =	sst s2  }
0x8f: {  	_ = 	snop  }
0x90: {  	s2 =	sld [smem:$0x3FD0];
	(tm) =	ssettm $0x1  }
0x91: {  	s18 =	sld [smem:$0x3FFB];
	_ =	sdelay $0x3  }
0x92: {  	_ =	strace s18  }
0x93: {  	s3 =	sld [smem:$0x3FFC];
	_ =	sdelay $0x3  }
0x94: {  	_ =	strace s3  }
0x95: {  	s3 =	sld [smem:$0x3FFD];
	_ =	sdelay $0x3  }
0x96: {  	_ =	strace s3  }
0x97: {  	_ =	strace $0x8FFFFFFF  }
0x98: {  	s19 =	sld [smem:$0x3FDB];
	_ =	sdelay $0x1  }
0x99: {  	s4 =	simm.s32 $_scs_section_size  }
0x9a: {  	s5 =	simm.s32 $_size__tile_overlayer_lowered;
	s6 =	simm.s32 $_tile_overlayer_lowered  }
0x9b: {  	s22 =	simm.s32 $0x1BFF;
	s21 =	sshll.u32 s6, $0x1;
	s3 =	sadd.s32 s4, s19  }
0x9c: {  	s7 =	simm.s32 $0x0;
	s20 =	sshll.u32 s5, $0x1;
	s5 =	sadd.s32 s21, s3  }
0x9d: {  	[timem:s7], [sflag:s22] =	dma.local [hbm:s5], s20  }
0x9e: {  	_ =	swait.ge [sflag:s22], s20  }
0x9f: {  	s4 =	ssub.s32 $0x0, s20;
	[sflag:s22] =	ssyncset.done $0x0  }
0xa0: {  	[sflag:s22] =	ssyncadd.s32 s4;
	_ =	sdelay $0x1  }
0xa1: {  	s23 =	simm.s32 $0x1B8B  }
0xa2: {  	_ =	swait.ge [sflag:s23], $0x1  }
0xa3: {  	[sflag:s23] =	ssyncset.done $0x0  }
0xa4: {  	s25 =	simm.s32 $0x1B8E;
	s24 =	sld [smem:$0x3FFE];
	[sflag:s23] =	ssyncadd.s32 $0xFFFFFFFF  }
0xa5: {  	s26 =	simm.s32 $execute0_lowered;
	[smem:$0x3FD2] =	sst s25  }
0xa6: {  	s5 =	sshll.u32 s26, $0x1;
	_ =	strace $0x80000046;
	[dreg:$0x1] =	wrdreg $0xFFFFFFFF  }
0xa7: {  	s28 =	simm.s32 $_size_execute0_lowered;
	s3 =	sadd.s32 s3, s5;
	[dreg:$0x0] =	wrdreg $0x0  }
0xa8: {  	s5 =	sshll.u32 s28, $0x1;
	[dreg:$0x2] =	wrdreg s3  }
0xa9: {  	[dreg:$0x3] =	wrdreg s5  }
0xaa: {  	[dreg:$0x4] =	wrdreg $0xC0  }
0xab: {  	_ =	task [dreg:s7], $0x5FFFF  }
0xac: {  	[dreg:$0x1] =	wrdreg $0xFFFFFFFF  }
0xad: {  	[dreg:$0x0] =	wrdreg $0x60  }
0xae: {  	[dreg:$0x2] =	wrdreg s24  }
0xaf: {  	[dreg:$0x3] =	wrdreg s2  }
0xb0: {  	[dreg:$0x4] =	wrdreg $0xC3000  }
0xb1: {  	[dreg:$0x5] =	wrdreg $0xA  }
0xb2: {  	_ =	task.clear_ibuf [dreg:s7], $0x6FFFF;
	_ =	strace $0x90000046  }
0xb3: {  	s29 =	simm.s32 $0xA;
	_ =	strace $0x80000048  }
0xb4: {  	_ =	swait.ge [sflag:s29], $0x1  }
0xb5: {  	[sflag:s29] =	ssyncadd.s32 $0xFFFFFFFF  }
0xb6: {  	_ =	strace $0x90000048  }
0xb7: {  	_ =	sfence  }
0xb8: {  	s30 =	sld [smem:$0x0];
	_ =	sdelay $0x2  }
0xb9: {  	s31 =	sshll.u32 s1, $0xD;
	s1 =	sshrl.u32 s1, $0x2  }
0xba: {  	s3 =	sand.u32 $0x4000, s31;
	s1 =	sadd.s32 s1, s30  }
0xbb: {  	s0 =	sor.u32 s3, s0;
	s1 =	sshll.u32 s1, $0x11  }
0xbc: {  	s0 =	sor.u32 s1, s0  }
0xbd: {  	s0 =	sadd.s32 $0x8F2B, s0  }
0xbe: {  	[sflag:s0] =	ssyncadd.remote.s32 $0x1  }
0xbf: {  	_ =	sfence.sel $0xFFFF  }
0xc0: {  	[dreg:$0x0] =	wrdreg $0xFFFFFFFF;
	(pc) =	sbr.abs _section_cstart, $3  }
0xc1: {  	[dreg:$0x1] =	wrdreg $0xFFFFFFFF  }
0xc2: {  	_ =	task.clear_ibuf [dreg:s7], $0x2FFFF;
	_ =	strace $0x9FFFFFFF  }
0xc3: {  	(tm) =	ssettm $0x7FFFFFFF  }
tec
execute0_lowered:
.L_overlay_start_1:
0x0: {  	(tag) =	ssettag $0x1  }
0x1: {  	s0 =	rddreg [dreg:$0x0]  }
0x2: {  	s2 =	rddreg [dreg:$0x1];
	s12 =	stileid.u32  }
0x3: {  	s1 =	srdreg.scid;
	s3 =	rddreg [dreg:$0x2];
	s4 =	simm.s32 $0x0  }
0x4: {  	s16 =	simm.s32 $0x3;
	s18 =	simm.s32 $0x80;
	s5 =	smul.u32 $0x13C00, s12  }
0x5: {  	s19 =	simm.s32 $0x2;
	s20 =	simm.s32 $0x0;
	s8 =	smul.u32 $0x96, s12  }
0x6: {  	s1 =	sand.u32 $0x1, s1;
	[smem:$0x7FF] =	sst s4;
	s11 =	smul.u32 $0x4F000, s12  }
0x7: {  	s10 =	sshll.u32 s12, $0x3;
	s28 =	sshll.u32 s12, $0x6;
	s6 =	smul.u32 $0x13C000, s1  }
0x8: {  	_ =	strace $0x80000047;
	s24 =	ssub.s32 $0x2, s1;
	p0 =	seq.s32 s1, $0x0  }
0x9: {  	s1 =	sadd.s32 $0x960, s10;
	s7 =	sshrl.u32 s5, $0x3;
	s9 =	sshrl.u32 s24, $0x1  }
0xa: {  	s1 =	smov.u32 @p0 s8;
	s25 =	sshrl.u32 s11, $0x2;
	s6 =	sadd.s32 s5, s6  }
0xb: {  	s5 =	sadd.s32 $0x3600, s0;
	s7 =	sadd.s32 s7, s0;
	s13 =	ssub.s32 s24, s9  }
0xc: {  	s14 =	sadd.s32 s25, s3;
	s26 =	sshll.u32 s1, $0x5;
	s9 =	sor.u32 $0x1C03, s28  }
0xd: {  	s1 =	sshll.u32 s1, $0x8;
	s6 =	sshrl.u32 s6, $0x3;
	s7 =	sadd.s32 $0x2AE00, s7  }
0xe: {  	s8 =	sadd.s32 s2, s26;
	s13 =	smax.u32 s13, $0x1;
	s0 =	sadd.s32 s6, s0  }
0xf: {  	s6 =	simm.s32 $0x96;
	[dreg:$0x5] =	wrdreg s7;
	s29 =	sadd.s32 $0x20, s8  }
0x10: {  	s31 =	sadd.s32 $0x40, s8;
	s6 =	simm.s32 @!p0 $0x8;
	[dreg:$0x6] =	wrdreg s29  }
0x11: {  	s15 =	sshrl.u32 s14, $0x3;
	[dreg:$0x7] =	wrdreg s31;
	s30 =	sadd.s32 $0xFFFFFFFD, s6  }
0x12: {  	s12 =	sadd.s32 $0x52600, s0;
	s0 =	sadd.s32 $0x300, s1;
	[dreg:$0x4] =	wrdreg s30  }
.LBB2_1:
0x13: {  	s1 =	rddreg [dreg:$0x5]  }
0x14: {  	[spmem:s15], [sflag:s9] =	dma.local [hbm:s1], $0x2780  }
0x15: {  	_ =	swait.ge [sflag:s16], $0x2780  }
0x16: {  	[sflag:s16] =	ssyncset.done $0x0  }
0x17: {  	[sflag:s16] =	ssyncadd.s32 $0xFFFFD880  }
0x18: {  	[bflag:$0x0] =	sbarrier.arrive $0xFFFF  }
0x19: {  	[tilespmem:s4], [sflag:$0x3] =	stream.linear.gather [hbm4b:s8+s4], $0x100, $0x38;
	[tilespmem:$0x1FF00] =	vst v63  }
0x1a: {  	_ =	swait.ge [sflag:s16], $0x100  }
0x1b: {  	s23 =	simm.s32 $0x100;
	[sflag:s16] =	ssyncset.done $0x0  }
0x1c: {  	p1 =	sne.s32 s6, $0x1;
	s29 =	rddreg [dreg:$0x6];
	[sflag:s16] =	ssyncadd.s32 $0xFFFFFF00  }
0x1d: {  	[tilespmem:s23], [sflag:$0x1] =	stream.linear.gather [hbm4b:s29+s4], $0x100, $0x38;
	[tilespmem:$0x1FF00] =	vst v63  }
.Ltmp0:
0x1e: {  	s7 =	simm.s32 $0x200;
	s22 =	simm.s32 $0x300;
	(pc) =	sbr.rel @!p1 .LBB2_2-.Ltmp0, $4  }
0x1f: {  	s24 =	simm.s32 $0x4300;
	s31 =	simm.s32 $0x1;
	s30 =	rddreg [dreg:$0x7]  }
0x20: {  	[tilespmem:s7], [sflag:$0x1] =	stream.linear.gather [hbm4b:s30+s4], $0x100, $0x38;
	[tilespmem:$0x1FF00] =	vst v63  }
0x21: {  	s21 =	simm.s32 $0x1;
	p0 =	por $0x0, $0x0;
	s1 =	smulhi.u32 $0xAAAAAAAB, s31  }
0x22: {  	[tilespmem:s22], [sflag:$0x2] =	stream.indirect.gather [hbm4b:s5+s18], $0x80, s4, s18, $0xb8;
	[tilespmem:$0x1FF00] =	vst v63  }
0x23: {  	s14 =	smulhi.u32 $0xAAAAAAAB, s4  }
0x24: {  	s1 =	sshrl.u32 s1, $0x1;
	p0 =	sle.u32 s6, $0x1;
	s31 =	simm.s32 $0x2  }
0x25: {  	p2 =	sne.s32 s6, $0x2;
	s26 =	simm.s32 $0x100;
	s29 =	simm.s32 $0x2  }
0x26: {  	s30 =	simm.s32 $0x2;
	s22 =	smul.u32 $0xFFFFF400, s1;
	s23 =	simm.s32 @!p0 $0x1  }
0x27: {  	s1 =	smul.u32 $0xFFFD0000, s1;
	s14 =	sshrl.u32 s14, $0x1;
	_ =	swait.ge @!p0 [sflag:s23], $0x100  }
0x28: {  	s22 =	sshra.s32 s22, $0x2;
	s24 =	smul.u32 $0xFFFFF400, s14;
	[sflag:s23] =	ssyncset.done @!p0 $0x0  }
0x29: {  	s1 =	sshra.s32 s1, $0x2;
	s14 =	smul.u32 $0xFFFD0000, s14;
	s22 =	sadd.s32 $0x100, s22  }
0x2a: {  	s1 =	sadd.s32 $0x4300, s1;
	[sflag:s23] =	ssyncadd.s32 @!p0 $0xFFFFFF00;
	s23 =	simm.s32 @!p0 $0x80  }
0x2b: {  	[tilespmem:s1], [sflag:$0x2] =	stream.indirect.gather @!p0 [hbm4b:s5+s23], $0x80, s22, s23, $0xb8;
	[tilespmem:$0x1FF00] =	vst v63  }
0x2c: {  	s22 =	sshra.s32 s24, $0x2;
	s14 =	sshra.s32 s14, $0x2;
	s1 =	smulhi.u32 $0xAAAAAAAB, s29  }
0x2d: {  	p0 =	por $0x1, $0x1;
	_ =	swait.ge [sflag:s19], $0x4000;
	s28 =	sadd.s32 $0x0, s22  }
0x2e: {  	s23 =	sadd.s32 $0x300, s14;
	s22 =	simm.s32 $0x4300;
	[sflag:s19] =	ssyncset.done $0x0  }
.Ltmp1:
0x2f: {  	s24 =	sadd.s32 $0x80, s28;
	[sflag:s19] =	ssyncadd.s32 $0xFFFFC000;
	(pc) =	sbr.rel @!p2 .LBB2_4-.Ltmp1, $4  }
0x30: {  	[spmem:s3] =	stream.indirect.scatter.add.f32 [tilespmem:s23], [sflag:$0x3], $0x80, s24, s18, $0xb8;
	[tilespmem:$0x1FF00] =	vst v63  }
0x31: {  	s14 =	smov.u32 s0;
	s24 =	simm.s32 $0x8300;
	_ =	swait.ge [sflag:s16], $0x4000  }
0x32: {  	s23 =	simm.s32 $0x200;
	[sflag:s16] =	ssyncset.done $0x0;
	s25 =	rddreg [dreg:$0x4]  }
0x33: {  	[sflag:s16] =	ssyncadd.s32 $0xFFFFC000;
	p1 =	sle.u32 s25, $0x0;
	s25 =	sadd.s32 $0x100, s0  }
.LBB2_5:
0x34: {  	s17 =	smulhi.u32 $0xAAAAAAAB, s21;
	s7 =	simm.s32 @!p1 $0x0  }
0x35: {  	s10 =	smov.u32 s21;
	s14 =	sshrl.u32 @!p1 s14, $0x3;
	s1 =	sshrl.u32 s1, $0x1  }
0x36: {  	p2 =	sge.u32 s31, s6;
	s14 =	sadd.s32 @!p1 s2, s14;
	s31 =	smul.u32 $0xFFFFF400, s1  }
0x37: {  	[tilespmem:s28], [sflag:$0x1] =	stream.linear.gather @!p1 [hbm4b:s14+s7], $0x100, $0x38;
	[tilespmem:$0x1FF00] =	vst v63  }
0x38: {  	s21 =	smov.u32 s30;
	s1 =	smul.u32 $0xFFFD0000, s1;
	s7 =	sshrl.u32 s17, $0x1  }
0x39: {  	s30 =	sadd.s32 $0x1, s30;
	s11 =	simm.s32 @!p2 $0x1;
	s17 =	smul.u32 $0xFFFFF400, s7  }
0x3a: {  	s29 =	sadd.s32 $0x1, s29;
	_ =	swait.ge @!p2 [sflag:s11], $0x100;
	s7 =	smul.u32 $0xFFFD0000, s7  }
0x3b: {  	s14 =	sshra.s32 s31, $0x2;
	[sflag:s11] =	ssyncset.done @!p2 $0x0;
	s1 =	sshra.s32 s1, $0x2  }
0x3c: {  	s31 =	smov.u32 s30;
	s14 =	sadd.s32 s14, s23;
	s1 =	sadd.s32 s1, s24  }
0x3d: {  	[sflag:s11] =	ssyncadd.s32 @!p2 $0xFFFFFF00;
	s11 =	simm.s32 @!p2 $0x80;
	s17 =	sshra.s32 s17, $0x2  }
0x3e: {  	s7 =	sshra.s32 s7, $0x2;
	s24 =	sadd.s32 $0x4000, s24;
	s23 =	sadd.s32 $0x100, s23  }
0x3f: {  	[tilespmem:s1], [sflag:$0x2] =	stream.indirect.gather @!p2 [hbm4b:s5+s11], $0x80, s14, s11, $0xb8;
	[tilespmem:$0x1FF00] =	vst v63  }
0x40: {  	p2 =	sne.s32 s6, s30;
	s28 =	sadd.s32 s17, s26;
	_ =	swait.ge [sflag:s19], $0x4000  }
0x41: {  	s11 =	sadd.s32 s7, s22;
	s26 =	sadd.s32 $0x100, s26;
	[sflag:s19] =	ssyncset.done $0x0  }
.Ltmp2:
0x42: {  	s14 =	sadd.s32 $0x80, s28;
	[sflag:s19] =	ssyncadd.s32 $0xFFFFC000;
	(pc) =	sbr.rel @p2 .LBB2_5-.Ltmp2, $4  }
0x43: {  	[spmem:s3] =	stream.indirect.scatter.add.f32 [tilespmem:s11], [sflag:$0x3], $0x80, s14, s18, $0xb8;
	[tilespmem:$0x1FF00] =	vst v63  }
0x44: {  	s22 =	sadd.s32 $0x4000, s22;
	s1 =	smulhi.u32 $0xAAAAAAAB, s29;
	_ =	swait.ge [sflag:s16], $0x4000  }
0x45: {  	s14 =	smov.u32 s25;
	[sflag:s16] =	ssyncset.done $0x0;
	s17 =	rddreg [dreg:$0x4]  }
0x46: {  	s25 =	sadd.s32 $0x100, s25;
	[sflag:s16] =	ssyncadd.s32 $0xFFFFC000;
	p1 =	sge.u32 s10, s17  }
0x47: {  	s29 =	smov.u32 s21;
	s21 =	smov.u32 s31  }
.LBB2_7:
0x48: {  	p1 =	por p1, !p0;
	s7 =	smulhi.u32 $0xAAAAAAAB, s29;
	s1 =	sshrl.u32 s1, $0x1  }
0x49: {  	p0 =	sge.u32 s21, s6;
	s11 =	sshrl.u32 @!p1 s14, $0x3;
	s31 =	smul.u32 $0xFFFFF400, s1  }
0x4a: {  	s10 =	simm.s32 @!p1 $0x0;
	s1 =	smul.u32 $0xFFFD0000, s1;
	s11 =	sadd.s32 @!p1 s2, s11  }
0x4b: {  	[tilespmem:s28], [sflag:$0x1] =	stream.linear.gather @!p1 [hbm4b:s11+s10], $0x100, $0x38;
	[tilespmem:$0x1FF00] =	vst v63  }
0x4c: {  	s17 =	simm.s32 @!p0 $0x1;
	s7 =	sshrl.u32 s7, $0x1;
	s14 =	sshra.s32 s31, $0x2  }
0x4d: {  	s21 =	smul.u32 $0xFFFFF400, s7;
	s1 =	sshra.s32 s1, $0x2;
	_ =	swait.ge @!p0 [sflag:s17], $0x100  }
0x4e: {  	s7 =	smul.u32 $0xFFFD0000, s7;
	s10 =	sadd.s32 s14, s23;
	[sflag:s17] =	ssyncset.done @!p0 $0x0  }
0x4f: {  	s1 =	sadd.s32 s1, s24;
	s14 =	simm.s32 @!p0 $0x80;
	[sflag:s17] =	ssyncadd.s32 @!p0 $0xFFFFFF00  }
0x50: {  	[tilespmem:s1], [sflag:$0x2] =	stream.indirect.gather @!p0 [hbm4b:s5+s14], $0x80, s10, s14, $0xb8;
	[tilespmem:$0x1FF00] =	vst v63  }
0x51: {  	s28 =	sshra.s32 s21, $0x2;
	_ =	swait.ge [sflag:s19], $0x4000  }
0x52: {  	s7 =	sshra.s32 s7, $0x2;
	s1 =	sadd.s32 s28, s26;
	[sflag:s19] =	ssyncset.done $0x0  }
0x53: {  	s7 =	sadd.s32 s7, s22;
	s30 =	sadd.s32 $0x80, s1;
	[sflag:s19] =	ssyncadd.s32 $0xFFFFC000  }
0x54: {  	[spmem:s3] =	stream.indirect.scatter.add.f32 [tilespmem:s7], [sflag:$0x3], $0x80, s30, s18, $0xb8;
	[tilespmem:$0x1FF00] =	vst v63  }
0x55: {  	_ =	swait.ge [sflag:s16], $0x4000  }
0x56: {  	s31 =	rddreg [dreg:$0x4]  }
0x57: {  	p0 =	sge.u32 s29, s31  }
0x58: {  	s20 =	sadd.s32 $0x1, s20;
	[sflag:s16] =	ssyncset.done $0x0;
	s7 =	sshrl.u32 @!p0 s25, $0x3  }
0x59: {  	[sflag:s16] =	ssyncadd.s32 $0xFFFFC000;
	s10 =	simm.s32 @!p0 $0x0;
	s7 =	sadd.s32 @!p0 s2, s7  }
0x5a: {  	[tilespmem:s1], [sflag:$0x1] =	stream.linear.gather @!p0 [hbm4b:s7+s10], $0x100, $0x38;
	[tilespmem:$0x1FF00] =	vst v63  }
0x5b: {  	p0 =	sne.s32 s20, s13;
	[bflag:$0x0] =	sbarrier.arrive $0xFFFF  }
0x5c: {  	[hbm:s12], [sflag:s9] =	dma.local [spmem:s15], $0x2780  }
.Ltmp3:
0x5d: {  	_ = 	snop;
	(pc) =	sbr.rel @p0 .LBB2_1-.Ltmp3, $4  }
.Ltmp4:
0x5e: {  	_ = 	snop;
	(pc) =	sbr.rel @!p0 .LBB2_8-.Ltmp4, $4  }
0x5f: {  	_ =	swait.ge [sflag:s16], $0x2780  }
0x60: {  	[sflag:s16] =	ssyncset.done $0x0  }
0x61: {  	[sflag:s16] =	ssyncadd.s32 $0xFFFFD880  }
0x62: {  	_ = 	snop  }
.LBB2_2:
.Ltmp5:
0x63: {  	(pc) =	sbr.rel .LBB2_7-.Ltmp5, $2  }
0x64: {  	_ =	sdelay $0x2  }
0x65: {  	s29 =	simm.s32 $0x0;
	s26 =	simm.s32 $0x0;
	s25 =	smov.u32 s0  }
.LBB2_4:
.Ltmp6:
0x66: {  	(pc) =	sbr.rel .LBB2_7-.Ltmp6, $2  }
0x67: {  	_ =	sdelay $0x2  }
0x68: {  	s29 =	simm.s32 $0x1;
	s21 =	simm.s32 $0x2;
	s14 =	smov.u32 s0  }
.LBB2_8:
0x69: {  	_ =	sfence.sel $0x180000  }
0x6a: {  	[bflag:$0x0] =	sbarrier.arrive $0xFFFF  }
0x6b: {  	_ =	strace $0x90000047  }
0x6c: {  	s0 =	stileid.u32;
	[bflag:$0x2] =	sbarrier.arrive $0xFFFF  }
0x6d: {  	p0 =	sne.s32 s0, $0x0;
	s0 =	rddreg [dreg:$0x3]  }
0x6e: {  	s0 =	sadd.s32 @!p0 $0x100000, s0  }
0x6f: {  	[sflag:s0] =	ssyncadd.tile.s32 @!p0 $0x1;
	_ =	shalt  }
.Lfunc_end2:
_tile_overlayer_lowered:
.L_overlay_start_2:
0x70: {  	(tag) =	ssettag $0x2  }
0x71: {  	s0 =	rddreg [dreg:$0x0];
	s2 =	stileid.u32  }
0x72: {  	s1 =	rddreg [dreg:$0x1];
	p0 =	sne.s32 s2, $0x0  }
0x73: {  	s3 =	rddreg [dreg:$0x2];
	[bflag:$0x3] =	sbarrier.arrive $0xFFFF;
	s2 =	simm.s32 @!p0 $0x1C03  }
0x74: {  	[timem:s3], [sflag:s2] =	dma.local @!p0 [hbm:s0], s1  }
0x75: {  	s0 =	simm.s32 @!p0 $0x3  }
0x76: {  	_ =	swait.ge @!p0 [sflag:s0], s1  }
0x77: {  	s1 =	ssub.s32 @!p0 $0x0, s1;
	[sflag:s0] =	ssyncset.done @!p0 $0x0  }
0x78: {  	[sflag:s0] =	ssyncadd.s32 @!p0 s1  }
0x79: {  	[bflag:$0x3] =	sbarrier.arrive $0xFFFF  }
0x7a: {  	_ =	shalt  }

// kernel: kernel.19.cloned.1.call-start
scs
__scs_entry_jumppad:
0x0: {  	(pc) =	sbr.rel $0x88, $3  }
0x1: {  	(tag) =	ssettag $0x0;
	lr =	simm.s32 $0x1  }
0x2: {  	[smem:$0x3F94] =	sst lr;
	_ =	strace $0xD0000000  }
0x3: {  	_ = 	snop  }
0x4: {  	_ = 	snop  }
0x5: {  	_ = 	snop  }
0x6: {  	_ = 	snop  }
0x7: {  	_ = 	snop  }
__scs_overlays_trampoline_lowered:
0x8: {  	[smem:$0x3FA3] =	sst s0  }
0x9: {  	[smem:$0x3FA4] =	sst s1  }
0xa: {  	[smem:$0x3FA5] =	sst s2  }
0xb: {  	[smem:$0x3FA6] =	sst s3  }
0xc: {  	[smem:$0x3FA7] =	sst s4  }
0xd: {  	[smem:$0x3FA8] =	sst s5  }
0xe: {  	[smem:$0x3FA9] =	sst s6  }
0xf: {  	[smem:$0x3FAA] =	sst s7  }
0x10: {  	[smem:$0x3FAB] =	sst s8  }
0x11: {  	[smem:$0x3FAC] =	sst s9;
	s0 =	simm.s32 @!p0 $0x0  }
0x12: {  	s1 =	sld [smem:$0x3F92];
	s0 =	simm.s32 @p0 $0x1  }
0x13: {  	[smem:$0x3FAD] =	sst s0;
	s0 =	simm.s32 @!p1 $0x0  }
0x14: {  	s2 =	sld [smem:$0x3F91];
	s0 =	simm.s32 @p1 $0x1  }
0x15: {  	[smem:$0x3FAE] =	sst s0;
	s0 =	simm.s32 @!p2 $0x0  }
0x16: {  	s3 =	sld [smem:$0x3FDB];
	s0 =	simm.s32 @p2 $0x1  }
0x17: {  	s4 =	simm.s32 $0x1BF5;
	[smem:$0x3FB0] =	sst s0  }
0x18: {  	s0 =	sld [smem:$0x3F93];
	_ =	swait.ge [sflag:s4], $0x0  }
0x19: {  	s7 =	sld [smem:$0x3F94]  }
0x1a: {  	s8 =	sadd.s32 $0xFFFFE003, lr  }
0x1b: {  	s9 =	sadd.s32 $0xFFFFFEF7, lr;
	s5 =	simm.s32 $0xFFFFFFFF;
	p2 =	slt.u32 s8, $0xFFFFF086  }
0x1c: {  	p1 =	slt.u32 s9, $0xF7A;
	s5 =	simm.s32 @!p2 $0x0  }
0x1d: {  	s5 =	simm.s32 @p1 $0x1;
	p0 =	seq.s32 s7, s2  }
0x1e: {  	s7 =	smul.u32 @!p0 $0xF7A, s2;
	p2 =	seq.s32 @!p0 s5, $0x0  }
0x1f: {  	s9 =	smul.u32 $0xF7A, s1;
	s8 =	simm.s32 @!p0 $0x1BF5;
	p2 =	por !p2, p0  }
0x20: {  	[sflag:s8] =	ssyncset.s32 @!p0 $0xFFFFF086;
	s6 =	sadd.s32 @!p0 s3, s7;
	s7 =	simm.s32 @!p0 $0x108  }
0x21: {  	s3 =	sadd.s32 s3, s9;
	s6 =	sadd.s32 @!p0 $0x88, s6;
	s7 =	simm.s32 @p2 $0x1082  }
0x22: {  	[simem:s7], [sflag:s8] =	dma.local @!p0 [hbm:s6], $0xF7A  }
0x23: {  	s9 =	sor.u32 $0xD0000000, s2;
	s6 =	simm.s32 $0x108;
	_ =	swait.ge @!p0 [sflag:s8], $0x0  }
0x24: {  	s3 =	sadd.s32 $0x88, s3;
	s6 =	simm.s32 @!p1 $0x1082;
	[sflag:s4] =	ssyncset.s32 $0xFFFFF086  }
0x25: {  	[simem:s6], [sflag:s4] =	dma.local [hbm:s3], $0xF7A  }
0x26: {  	[smem:$0x3F94] =	sst s1;
	(tag) =	ssettag s2;
	_ =	strace s9  }
0x27: {  	s1 =	sld [smem:$0x3FA4]  }
0x28: {  	s2 =	sld [smem:$0x3FA5]  }
0x29: {  	s4 =	sld [smem:$0x3FA7]  }
0x2a: {  	p0 =	seq.s32 s5, $0x0;
	s5 =	sld [smem:$0x3FA8]  }
0x2b: {  	s6 =	sld [smem:$0x3FA9]  }
0x2c: {  	s7 =	sld [smem:$0x3FAA]  }
0x2d: {  	s3 =	simm.s32 $0x108;
	s8 =	sld [smem:$0x3FAB]  }
0x2e: {  	s3 =	simm.s32 @!p0 $0x1082;
	s9 =	sld [smem:$0x3FAC]  }
0x2f: {  	lr =	sadd.s32 s0, s3;
	s0 =	sld [smem:$0x3FA3]  }
0x30: {  	s3 =	sld [smem:$0x3FA6]  }
0x31: {  	[smem:$0x3FAF] =	sst s10  }
0x32: {  	s10 =	sld [smem:$0x3FAD];
	_ =	sdelay $0x3  }
0x33: {  	p0 =	seq.s32 s10, $0x1;
	s10 =	sld [smem:$0x3FAF];
	_ =	sdelay $0x3  }
0x34: {  	[smem:$0x3FAF] =	sst s10  }
0x35: {  	s10 =	sld [smem:$0x3FAE];
	_ =	sdelay $0x3  }
0x36: {  	p1 =	seq.s32 s10, $0x1;
	s10 =	sld [smem:$0x3FAF];
	_ =	sdelay $0x3  }
0x37: {  	[smem:$0x3FAF] =	sst s10  }
0x38: {  	s10 =	sld [smem:$0x3FB0]  }
0x39: {  	_ = 	snop;
	(pc) =	sbr.ind lr, $3  }
0x3a: {  	_ = 	snop  }
0x3b: {  	_ = 	snop  }
0x3c: {  	p2 =	seq.s32 s10, $0x1;
	s10 =	sld [smem:$0x3FAF]  }
0x3d: {  	_ =	shalt  }
0x3e: {  	_ =	shalt  }
0x3f: {  	_ =	shalt  }
0x40: {  	_ =	shalt  }
0x41: {  	_ =	shalt  }
0x42: {  	_ =	shalt  }
0x43: {  	_ =	shalt  }
0x44: {  	_ =	shalt  }
0x45: {  	_ =	shalt  }
0x46: {  	_ =	shalt  }
0x47: {  	_ =	shalt  }
0x48: {  	_ =	shalt  }
0x49: {  	_ =	shalt  }
0x4a: {  	_ =	shalt  }
0x4b: {  	_ =	shalt  }
0x4c: {  	_ =	shalt  }
0x4d: {  	_ =	shalt  }
0x4e: {  	_ =	shalt  }
0x4f: {  	_ =	shalt  }
0x50: {  	_ =	shalt  }
0x51: {  	_ =	shalt  }
0x52: {  	_ =	shalt  }
0x53: {  	_ =	shalt  }
0x54: {  	_ =	shalt  }
0x55: {  	_ =	shalt  }
0x56: {  	_ =	shalt  }
0x57: {  	_ =	shalt  }
0x58: {  	_ =	shalt  }
0x59: {  	_ =	shalt  }
0x5a: {  	_ =	shalt  }
0x5b: {  	_ =	shalt  }
0x5c: {  	_ =	shalt  }
0x5d: {  	_ =	shalt  }
0x5e: {  	_ =	shalt  }
0x5f: {  	_ =	shalt  }
0x60: {  	_ =	shalt  }
0x61: {  	_ =	shalt  }
0x62: {  	_ =	shalt  }
0x63: {  	_ =	shalt  }
0x64: {  	_ =	shalt  }
0x65: {  	_ =	shalt  }
0x66: {  	_ =	shalt  }
0x67: {  	_ =	shalt  }
0x68: {  	_ =	shalt  }
0x69: {  	_ =	shalt  }
0x6a: {  	_ =	shalt  }
0x6b: {  	_ =	shalt  }
0x6c: {  	_ =	shalt  }
0x6d: {  	_ =	shalt  }
0x6e: {  	_ =	shalt  }
0x6f: {  	_ =	shalt  }
0x70: {  	_ =	shalt  }
0x71: {  	_ =	shalt  }
0x72: {  	_ =	shalt  }
0x73: {  	_ =	shalt  }
0x74: {  	_ =	shalt  }
0x75: {  	_ =	shalt  }
0x76: {  	_ =	shalt  }
0x77: {  	_ =	shalt  }
0x78: {  	_ =	shalt  }
0x79: {  	_ =	shalt  }
0x7a: {  	_ =	shalt  }
0x7b: {  	_ =	shalt  }
0x7c: {  	_ =	shalt  }
0x7d: {  	_ =	shalt  }
0x7e: {  	_ =	shalt  }
0x7f: {  	_ =	shalt  }
0x80: {  	_ =	shalt  }
0x81: {  	_ =	shalt  }
0x82: {  	_ =	shalt  }
0x83: {  	_ =	shalt  }
0x84: {  	_ =	shalt  }
0x85: {  	_ =	shalt  }
0x86: {  	_ =	shalt  }
0x87: {  	_ =	shalt  }
.Lfunc_end0:
.L_simem_size_0:
called_computation.2_lowered:
.L_overlay_start_0:
0x88: {  	s2 =	sld [smem:$0x3FD9]  }
0x89: {  	s3 =	sld [smem:$0x3FFE];
	_ =	sdelay $0x1  }
0x8a: {  	s1 =	srdreg.scid  }
0x8b: {  	s0 =	sand.u32 $0x1, s1  }
0x8c: {  	s17 =	sshll.u32 s0, $0xA;
	s2 =	sadd.s32 s3, s2  }
0x8d: {  	s2 =	sadd.s32 s2, s17  }
0x8e: {  	[smem:$0x3FBB] =	sst s2  }
0x8f: {  	_ = 	snop  }
0x90: {  	s2 =	sld [smem:$0x3FD0];
	(tm) =	ssettm $0x1  }
0x91: {  	s18 =	sld [smem:$0x3FFB];
	_ =	sdelay $0x3  }
0x92: {  	_ =	strace s18  }
0x93: {  	s3 =	sld [smem:$0x3FFC];
	_ =	sdelay $0x3  }
0x94: {  	_ =	strace s3  }
0x95: {  	s3 =	sld [smem:$0x3FFD];
	_ =	sdelay $0x3  }
0x96: {  	_ =	strace s3  }
0x97: {  	_ =	strace $0x8FFFFFFF  }
0x98: {  	s19 =	sld [smem:$0x3FDB];
	_ =	sdelay $0x1  }
0x99: {  	s4 =	simm.s32 $_scs_section_size  }
0x9a: {  	s5 =	simm.s32 $_size__tile_overlayer_lowered;
	s6 =	simm.s32 $_tile_overlayer_lowered  }
0x9b: {  	s22 =	simm.s32 $0x1BFF;
	s21 =	sshll.u32 s6, $0x1;
	s3 =	sadd.s32 s4, s19  }
0x9c: {  	s7 =	simm.s32 $0x0;
	s20 =	sshll.u32 s5, $0x1;
	s5 =	sadd.s32 s21, s3  }
0x9d: {  	[timem:s7], [sflag:s22] =	dma.local [hbm:s5], s20  }
0x9e: {  	_ =	swait.ge [sflag:s22], s20  }
0x9f: {  	s4 =	ssub.s32 $0x0, s20;
	[sflag:s22] =	ssyncset.done $0x0  }
0xa0: {  	[sflag:s22] =	ssyncadd.s32 s4;
	_ =	sdelay $0x1  }
0xa1: {  	s23 =	simm.s32 $0x1B8B  }
0xa2: {  	_ =	swait.ge [sflag:s23], $0x1  }
0xa3: {  	[sflag:s23] =	ssyncset.done $0x0  }
0xa4: {  	s25 =	simm.s32 $0x1B8E;
	s24 =	sld [smem:$0x3FFE];
	[sflag:s23] =	ssyncadd.s32 $0xFFFFFFFF  }
0xa5: {  	s26 =	simm.s32 $execute0_lowered;
	[smem:$0x3FD2] =	sst s25  }
0xa6: {  	s5 =	sshll.u32 s26, $0x1;
	_ =	strace $0x8000004C;
	[dreg:$0x1] =	wrdreg $0xFFFFFFFF  }
0xa7: {  	s28 =	simm.s32 $_size_execute0_lowered;
	s3 =	sadd.s32 s3, s5;
	[dreg:$0x0] =	wrdreg $0x0  }
0xa8: {  	s5 =	sshll.u32 s28, $0x1;
	[dreg:$0x2] =	wrdreg s3  }
0xa9: {  	[dreg:$0x3] =	wrdreg s5  }
0xaa: {  	[dreg:$0x4] =	wrdreg $0xC0  }
0xab: {  	_ =	task [dreg:s7], $0x5FFFF  }
0xac: {  	[dreg:$0x1] =	wrdreg $0xFFFFFFFF  }
0xad: {  	[dreg:$0x0] =	wrdreg $0x60  }
0xae: {  	[dreg:$0x2] =	wrdreg s24  }
0xaf: {  	[dreg:$0x3] =	wrdreg s2  }
0xb0: {  	[dreg:$0x4] =	wrdreg $0xC3000  }
0xb1: {  	[dreg:$0x5] =	wrdreg $0x9  }
0xb2: {  	_ =	task.clear_ibuf [dreg:s7], $0x6FFFF;
	_ =	strace $0x9000004C  }
0xb3: {  	s29 =	simm.s32 $0x9;
	_ =	strace $0x8000004E  }
0xb4: {  	_ =	swait.ge [sflag:s29], $0x1  }
0xb5: {  	[sflag:s29] =	ssyncadd.s32 $0xFFFFFFFF  }
0xb6: {  	_ =	strace $0x9000004E  }
0xb7: {  	_ =	sfence  }
0xb8: {  	s30 =	sld [smem:$0x0];
	_ =	sdelay $0x2  }
0xb9: {  	s31 =	sshll.u32 s1, $0xD;
	s1 =	sshrl.u32 s1, $0x2  }
0xba: {  	s3 =	sand.u32 $0x4000, s31;
	s1 =	sadd.s32 s1, s30  }
0xbb: {  	s0 =	sor.u32 s3, s0;
	s1 =	sshll.u32 s1, $0x11  }
0xbc: {  	s0 =	sor.u32 s1, s0  }
0xbd: {  	s0 =	sadd.s32 $0x8F2B, s0  }
0xbe: {  	[sflag:s0] =	ssyncadd.remote.s32 $0x1  }
0xbf: {  	_ =	sfence.sel $0xFFFF  }
0xc0: {  	[dreg:$0x0] =	wrdreg $0xFFFFFFFF;
	(pc) =	sbr.abs _section_cstart, $3  }
0xc1: {  	[dreg:$0x1] =	wrdreg $0xFFFFFFFF  }
0xc2: {  	_ =	task.clear_ibuf [dreg:s7], $0x2FFFF;
	_ =	strace $0x9FFFFFFF  }
0xc3: {  	(tm) =	ssettm $0x7FFFFFFF  }
tec
execute0_lowered:
.L_overlay_start_1:
0x0: {  	(tag) =	ssettag $0x1  }
0x1: {  	s0 =	rddreg [dreg:$0x0]  }
0x2: {  	s2 =	rddreg [dreg:$0x1];
	s12 =	stileid.u32  }
0x3: {  	s1 =	srdreg.scid;
	s3 =	rddreg [dreg:$0x2];
	s4 =	simm.s32 $0x0  }
0x4: {  	s16 =	simm.s32 $0x3;
	s18 =	simm.s32 $0x80;
	s5 =	smul.u32 $0x13C00, s12  }
0x5: {  	s19 =	simm.s32 $0x2;
	s20 =	simm.s32 $0x0;
	s8 =	smul.u32 $0x96, s12  }
0x6: {  	s1 =	sand.u32 $0x1, s1;
	[smem:$0x7FF] =	sst s4;
	s11 =	smul.u32 $0x4F000, s12  }
0x7: {  	s10 =	sshll.u32 s12, $0x3;
	s28 =	sshll.u32 s12, $0x6;
	s6 =	smul.u32 $0x13C000, s1  }
0x8: {  	_ =	strace $0x8000004D;
	s24 =	ssub.s32 $0x2, s1;
	p0 =	seq.s32 s1, $0x0  }
0x9: {  	s1 =	sadd.s32 $0x960, s10;
	s7 =	sshrl.u32 s5, $0x3;
	s9 =	sshrl.u32 s24, $0x1  }
0xa: {  	s1 =	smov.u32 @p0 s8;
	s25 =	sshrl.u32 s11, $0x2;
	s6 =	sadd.s32 s5, s6  }
0xb: {  	s5 =	sadd.s32 $0x3600, s0;
	s7 =	sadd.s32 s7, s0;
	s13 =	ssub.s32 s24, s9  }
0xc: {  	s14 =	sadd.s32 s25, s3;
	s26 =	sshll.u32 s1, $0x5;
	s9 =	sor.u32 $0x1C03, s28  }
0xd: {  	s1 =	sshll.u32 s1, $0x8;
	s6 =	sshrl.u32 s6, $0x3;
	s7 =	sadd.s32 $0x2AE00, s7  }
0xe: {  	s8 =	sadd.s32 s2, s26;
	s13 =	smax.u32 s13, $0x1;
	s0 =	sadd.s32 s6, s0  }
0xf: {  	s6 =	simm.s32 $0x96;
	[dreg:$0x5] =	wrdreg s7;
	s29 =	sadd.s32 $0x20, s8  }
0x10: {  	s31 =	sadd.s32 $0x40, s8;
	s6 =	simm.s32 @!p0 $0x8;
	[dreg:$0x6] =	wrdreg s29  }
0x11: {  	s15 =	sshrl.u32 s14, $0x3;
	[dreg:$0x7] =	wrdreg s31;
	s30 =	sadd.s32 $0xFFFFFFFD, s6  }
0x12: {  	s12 =	sadd.s32 $0x52600, s0;
	s0 =	sadd.s32 $0x300, s1;
	[dreg:$0x4] =	wrdreg s30  }
.LBB2_1:
0x13: {  	s1 =	rddreg [dreg:$0x5]  }
0x14: {  	[spmem:s15], [sflag:s9] =	dma.local [hbm:s1], $0x2780  }
0x15: {  	_ =	swait.ge [sflag:s16], $0x2780  }
0x16: {  	[sflag:s16] =	ssyncset.done $0x0  }
0x17: {  	[sflag:s16] =	ssyncadd.s32 $0xFFFFD880  }
0x18: {  	[bflag:$0x0] =	sbarrier.arrive $0xFFFF  }
0x19: {  	[tilespmem:s4], [sflag:$0x3] =	stream.linear.gather [hbm4b:s8+s4], $0x100, $0x38;
	[tilespmem:$0x1FF00] =	vst v63  }
0x1a: {  	_ =	swait.ge [sflag:s16], $0x100  }
0x1b: {  	s23 =	simm.s32 $0x100;
	[sflag:s16] =	ssyncset.done $0x0  }
0x1c: {  	p1 =	sne.s32 s6, $0x1;
	s29 =	rddreg [dreg:$0x6];
	[sflag:s16] =	ssyncadd.s32 $0xFFFFFF00  }
0x1d: {  	[tilespmem:s23], [sflag:$0x1] =	stream.linear.gather [hbm4b:s29+s4], $0x100, $0x38;
	[tilespmem:$0x1FF00] =	vst v63  }
.Ltmp0:
0x1e: {  	s7 =	simm.s32 $0x200;
	s22 =	simm.s32 $0x300;
	(pc) =	sbr.rel @!p1 .LBB2_2-.Ltmp0, $4  }
0x1f: {  	s24 =	simm.s32 $0x4300;
	s31 =	simm.s32 $0x1;
	s30 =	rddreg [dreg:$0x7]  }
0x20: {  	[tilespmem:s7], [sflag:$0x1] =	stream.linear.gather [hbm4b:s30+s4], $0x100, $0x38;
	[tilespmem:$0x1FF00] =	vst v63  }
0x21: {  	s21 =	simm.s32 $0x1;
	p0 =	por $0x0, $0x0;
	s1 =	smulhi.u32 $0xAAAAAAAB, s31  }
0x22: {  	[tilespmem:s22], [sflag:$0x2] =	stream.indirect.gather [hbm4b:s5+s18], $0x80, s4, s18, $0xb8;
	[tilespmem:$0x1FF00] =	vst v63  }
0x23: {  	s14 =	smulhi.u32 $0xAAAAAAAB, s4  }
0x24: {  	s1 =	sshrl.u32 s1, $0x1;
	p0 =	sle.u32 s6, $0x1;
	s31 =	simm.s32 $0x2  }
0x25: {  	p2 =	sne.s32 s6, $0x2;
	s26 =	simm.s32 $0x100;
	s29 =	simm.s32 $0x2  }
0x26: {  	s30 =	simm.s32 $0x2;
	s22 =	smul.u32 $0xFFFFF400, s1;
	s23 =	simm.s32 @!p0 $0x1  }
0x27: {  	s1 =	smul.u32 $0xFFFD0000, s1;
	s14 =	sshrl.u32 s14, $0x1;
	_ =	swait.ge @!p0 [sflag:s23], $0x100  }
0x28: {  	s22 =	sshra.s32 s22, $0x2;
	s24 =	smul.u32 $0xFFFFF400, s14;
	[sflag:s23] =	ssyncset.done @!p0 $0x0  }
0x29: {  	s1 =	sshra.s32 s1, $0x2;
	s14 =	smul.u32 $0xFFFD0000, s14;
	s22 =	sadd.s32 $0x100, s22  }
0x2a: {  	s1 =	sadd.s32 $0x4300, s1;
	[sflag:s23] =	ssyncadd.s32 @!p0 $0xFFFFFF00;
	s23 =	simm.s32 @!p0 $0x80  }
0x2b: {  	[tilespmem:s1], [sflag:$0x2] =	stream.indirect.gather @!p0 [hbm4b:s5+s23], $0x80, s22, s23, $0xb8;
	[tilespmem:$0x1FF00] =	vst v63  }
0x2c: {  	s22 =	sshra.s32 s24, $0x2;
	s14 =	sshra.s32 s14, $0x2;
	s1 =	smulhi.u32 $0xAAAAAAAB, s29  }
0x2d: {  	p0 =	por $0x1, $0x1;
	_ =	swait.ge [sflag:s19], $0x4000;
	s28 =	sadd.s32 $0x0, s22  }
0x2e: {  	s23 =	sadd.s32 $0x300, s14;
	s22 =	simm.s32 $0x4300;
	[sflag:s19] =	ssyncset.done $0x0  }
.Ltmp1:
0x2f: {  	s24 =	sadd.s32 $0x80, s28;
	[sflag:s19] =	ssyncadd.s32 $0xFFFFC000;
	(pc) =	sbr.rel @!p2 .LBB2_4-.Ltmp1, $4  }
0x30: {  	[spmem:s3] =	stream.indirect.scatter.add.f32 [tilespmem:s23], [sflag:$0x3], $0x80, s24, s18, $0xb8;
	[tilespmem:$0x1FF00] =	vst v63  }
0x31: {  	s14 =	smov.u32 s0;
	s24 =	simm.s32 $0x8300;
	_ =	swait.ge [sflag:s16], $0x4000  }
0x32: {  	s23 =	simm.s32 $0x200;
	[sflag:s16] =	ssyncset.done $0x0;
	s25 =	rddreg [dreg:$0x4]  }
0x33: {  	[sflag:s16] =	ssyncadd.s32 $0xFFFFC000;
	p1 =	sle.u32 s25, $0x0;
	s25 =	sadd.s32 $0x100, s0  }
.LBB2_5:
0x34: {  	s17 =	smulhi.u32 $0xAAAAAAAB, s21;
	s7 =	simm.s32 @!p1 $0x0  }
0x35: {  	s10 =	smov.u32 s21;
	s14 =	sshrl.u32 @!p1 s14, $0x3;
	s1 =	sshrl.u32 s1, $0x1  }
0x36: {  	p2 =	sge.u32 s31, s6;
	s14 =	sadd.s32 @!p1 s2, s14;
	s31 =	smul.u32 $0xFFFFF400, s1  }
0x37: {  	[tilespmem:s28], [sflag:$0x1] =	stream.linear.gather @!p1 [hbm4b:s14+s7], $0x100, $0x38;
	[tilespmem:$0x1FF00] =	vst v63  }
0x38: {  	s21 =	smov.u32 s30;
	s1 =	smul.u32 $0xFFFD0000, s1;
	s7 =	sshrl.u32 s17, $0x1  }
0x39: {  	s30 =	sadd.s32 $0x1, s30;
	s11 =	simm.s32 @!p2 $0x1;
	s17 =	smul.u32 $0xFFFFF400, s7  }
0x3a: {  	s29 =	sadd.s32 $0x1, s29;
	_ =	swait.ge @!p2 [sflag:s11], $0x100;
	s7 =	smul.u32 $0xFFFD0000, s7  }
0x3b: {  	s14 =	sshra.s32 s31, $0x2;
	[sflag:s11] =	ssyncset.done @!p2 $0x0;
	s1 =	sshra.s32 s1, $0x2  }
0x3c: {  	s31 =	smov.u32 s30;
	s14 =	sadd.s32 s14, s23;
	s1 =	sadd.s32 s1, s24  }
0x3d: {  	[sflag:s11] =	ssyncadd.s32 @!p2 $0xFFFFFF00;
	s11 =	simm.s32 @!p2 $0x80;
	s17 =	sshra.s32 s17, $0x2  }
0x3e: {  	s7 =	sshra.s32 s7, $0x2;
	s24 =	sadd.s32 $0x4000, s24;
	s23 =	sadd.s32 $0x100, s23  }
0x3f: {  	[tilespmem:s1], [sflag:$0x2] =	stream.indirect.gather @!p2 [hbm4b:s5+s11], $0x80, s14, s11, $0xb8;
	[tilespmem:$0x1FF00] =	vst v63  }
0x40: {  	p2 =	sne.s32 s6, s30;
	s28 =	sadd.s32 s17, s26;
	_ =	swait.ge [sflag:s19], $0x4000  }
0x41: {  	s11 =	sadd.s32 s7, s22;
	s26 =	sadd.s32 $0x100, s26;
	[sflag:s19] =	ssyncset.done $0x0  }
.Ltmp2:
0x42: {  	s14 =	sadd.s32 $0x80, s28;
	[sflag:s19] =	ssyncadd.s32 $0xFFFFC000;
	(pc) =	sbr.rel @p2 .LBB2_5-.Ltmp2, $4  }
0x43: {  	[spmem:s3] =	stream.indirect.scatter.add.f32 [tilespmem:s11], [sflag:$0x3], $0x80, s14, s18, $0xb8;
	[tilespmem:$0x1FF00] =	vst v63  }
0x44: {  	s22 =	sadd.s32 $0x4000, s22;
	s1 =	smulhi.u32 $0xAAAAAAAB, s29;
	_ =	swait.ge [sflag:s16], $0x4000  }
0x45: {  	s14 =	smov.u32 s25;
	[sflag:s16] =	ssyncset.done $0x0;
	s17 =	rddreg [dreg:$0x4]  }
0x46: {  	s25 =	sadd.s32 $0x100, s25;
	[sflag:s16] =	ssyncadd.s32 $0xFFFFC000;
	p1 =	sge.u32 s10, s17  }
0x47: {  	s29 =	smov.u32 s21;
	s21 =	smov.u32 s31  }
.LBB2_7:
0x48: {  	p1 =	por p1, !p0;
	s7 =	smulhi.u32 $0xAAAAAAAB, s29;
	s1 =	sshrl.u32 s1, $0x1  }
0x49: {  	p0 =	sge.u32 s21, s6;
	s11 =	sshrl.u32 @!p1 s14, $0x3;
	s31 =	smul.u32 $0xFFFFF400, s1  }
0x4a: {  	s10 =	simm.s32 @!p1 $0x0;
	s1 =	smul.u32 $0xFFFD0000, s1;
	s11 =	sadd.s32 @!p1 s2, s11  }
0x4b: {  	[tilespmem:s28], [sflag:$0x1] =	stream.linear.gather @!p1 [hbm4b:s11+s10], $0x100, $0x38;
	[tilespmem:$0x1FF00] =	vst v63  }
0x4c: {  	s17 =	simm.s32 @!p0 $0x1;
	s7 =	sshrl.u32 s7, $0x1;
	s14 =	sshra.s32 s31, $0x2  }
0x4d: {  	s21 =	smul.u32 $0xFFFFF400, s7;
	s1 =	sshra.s32 s1, $0x2;
	_ =	swait.ge @!p0 [sflag:s17], $0x100  }
0x4e: {  	s7 =	smul.u32 $0xFFFD0000, s7;
	s10 =	sadd.s32 s14, s23;
	[sflag:s17] =	ssyncset.done @!p0 $0x0  }
0x4f: {  	s1 =	sadd.s32 s1, s24;
	s14 =	simm.s32 @!p0 $0x80;
	[sflag:s17] =	ssyncadd.s32 @!p0 $0xFFFFFF00  }
0x50: {  	[tilespmem:s1], [sflag:$0x2] =	stream.indirect.gather @!p0 [hbm4b:s5+s14], $0x80, s10, s14, $0xb8;
	[tilespmem:$0x1FF00] =	vst v63  }
0x51: {  	s28 =	sshra.s32 s21, $0x2;
	_ =	swait.ge [sflag:s19], $0x4000  }
0x52: {  	s7 =	sshra.s32 s7, $0x2;
	s1 =	sadd.s32 s28, s26;
	[sflag:s19] =	ssyncset.done $0x0  }
0x53: {  	s7 =	sadd.s32 s7, s22;
	s30 =	sadd.s32 $0x80, s1;
	[sflag:s19] =	ssyncadd.s32 $0xFFFFC000  }
0x54: {  	[spmem:s3] =	stream.indirect.scatter.add.f32 [tilespmem:s7], [sflag:$0x3], $0x80, s30, s18, $0xb8;
	[tilespmem:$0x1FF00] =	vst v63  }
0x55: {  	_ =	swait.ge [sflag:s16], $0x4000  }
0x56: {  	s31 =	rddreg [dreg:$0x4]  }
0x57: {  	p0 =	sge.u32 s29, s31  }
0x58: {  	s20 =	sadd.s32 $0x1, s20;
	[sflag:s16] =	ssyncset.done $0x0;
	s7 =	sshrl.u32 @!p0 s25, $0x3  }
0x59: {  	[sflag:s16] =	ssyncadd.s32 $0xFFFFC000;
	s10 =	simm.s32 @!p0 $0x0;
	s7 =	sadd.s32 @!p0 s2, s7  }
0x5a: {  	[tilespmem:s1], [sflag:$0x1] =	stream.linear.gather @!p0 [hbm4b:s7+s10], $0x100, $0x38;
	[tilespmem:$0x1FF00] =	vst v63  }
0x5b: {  	p0 =	sne.s32 s20, s13;
	[bflag:$0x0] =	sbarrier.arrive $0xFFFF  }
0x5c: {  	[hbm:s12], [sflag:s9] =	dma.local [spmem:s15], $0x2780  }
.Ltmp3:
0x5d: {  	_ = 	snop;
	(pc) =	sbr.rel @p0 .LBB2_1-.Ltmp3, $4  }
.Ltmp4:
0x5e: {  	_ = 	snop;
	(pc) =	sbr.rel @!p0 .LBB2_8-.Ltmp4, $4  }
0x5f: {  	_ =	swait.ge [sflag:s16], $0x2780  }
0x60: {  	[sflag:s16] =	ssyncset.done $0x0  }
0x61: {  	[sflag:s16] =	ssyncadd.s32 $0xFFFFD880  }
0x62: {  	_ = 	snop  }
.LBB2_2:
.Ltmp5:
0x63: {  	(pc) =	sbr.rel .LBB2_7-.Ltmp5, $2  }
0x64: {  	_ =	sdelay $0x2  }
0x65: {  	s29 =	simm.s32 $0x0;
	s26 =	simm.s32 $0x0;
	s25 =	smov.u32 s0  }
.LBB2_4:
.Ltmp6:
0x66: {  	(pc) =	sbr.rel .LBB2_7-.Ltmp6, $2  }
0x67: {  	_ =	sdelay $0x2  }
0x68: {  	s29 =	simm.s32 $0x1;
	s21 =	simm.s32 $0x2;
	s14 =	smov.u32 s0  }
.LBB2_8:
0x69: {  	_ =	sfence.sel $0x180000  }
0x6a: {  	[bflag:$0x0] =	sbarrier.arrive $0xFFFF  }
0x6b: {  	_ =	strace $0x9000004D  }
0x6c: {  	s0 =	stileid.u32;
	[bflag:$0x2] =	sbarrier.arrive $0xFFFF  }
0x6d: {  	p0 =	sne.s32 s0, $0x0;
	s0 =	rddreg [dreg:$0x3]  }
0x6e: {  	s0 =	sadd.s32 @!p0 $0x100000, s0  }
0x6f: {  	[sflag:s0] =	ssyncadd.tile.s32 @!p0 $0x1;
	_ =	shalt  }
.Lfunc_end2:
_tile_overlayer_lowered:
.L_overlay_start_2:
0x70: {  	(tag) =	ssettag $0x2  }
0x71: {  	s0 =	rddreg [dreg:$0x0];
	s2 =	stileid.u32  }
0x72: {  	s1 =	rddreg [dreg:$0x1];
	p0 =	sne.s32 s2, $0x0  }
0x73: {  	s3 =	rddreg [dreg:$0x2];
	[bflag:$0x3] =	sbarrier.arrive $0xFFFF;
	s2 =	simm.s32 @!p0 $0x1C03  }
0x74: {  	[timem:s3], [sflag:s2] =	dma.local @!p0 [hbm:s0], s1  }
0x75: {  	s0 =	simm.s32 @!p0 $0x3  }
0x76: {  	_ =	swait.ge @!p0 [sflag:s0], s1  }
0x77: {  	s1 =	ssub.s32 @!p0 $0x0, s1;
	[sflag:s0] =	ssyncset.done @!p0 $0x0  }
0x78: {  	[sflag:s0] =	ssyncadd.s32 @!p0 s1  }
0x79: {  	[bflag:$0x3] =	sbarrier.arrive $0xFFFF  }
0x7a: {  	_ =	shalt  }

// kernel: kernel.22.cloned.1.call-start
scs
__scs_entry_jumppad:
0x0: {  	(pc) =	sbr.rel $0x88, $3  }
0x1: {  	(tag) =	ssettag $0x0;
	lr =	simm.s32 $0x1  }
0x2: {  	[smem:$0x3F94] =	sst lr;
	_ =	strace $0xD0000000  }
0x3: {  	_ = 	snop  }
0x4: {  	_ = 	snop  }
0x5: {  	_ = 	snop  }
0x6: {  	_ = 	snop  }
0x7: {  	_ = 	snop  }
__scs_overlays_trampoline_lowered:
0x8: {  	[smem:$0x3FA3] =	sst s0  }
0x9: {  	[smem:$0x3FA4] =	sst s1  }
0xa: {  	[smem:$0x3FA5] =	sst s2  }
0xb: {  	[smem:$0x3FA6] =	sst s3  }
0xc: {  	[smem:$0x3FA7] =	sst s4  }
0xd: {  	[smem:$0x3FA8] =	sst s5  }
0xe: {  	[smem:$0x3FA9] =	sst s6  }
0xf: {  	[smem:$0x3FAA] =	sst s7  }
0x10: {  	[smem:$0x3FAB] =	sst s8  }
0x11: {  	[smem:$0x3FAC] =	sst s9;
	s0 =	simm.s32 @!p0 $0x0  }
0x12: {  	s1 =	sld [smem:$0x3F92];
	s0 =	simm.s32 @p0 $0x1  }
0x13: {  	[smem:$0x3FAD] =	sst s0;
	s0 =	simm.s32 @!p1 $0x0  }
0x14: {  	s2 =	sld [smem:$0x3F91];
	s0 =	simm.s32 @p1 $0x1  }
0x15: {  	[smem:$0x3FAE] =	sst s0;
	s0 =	simm.s32 @!p2 $0x0  }
0x16: {  	s3 =	sld [smem:$0x3FDB];
	s0 =	simm.s32 @p2 $0x1  }
0x17: {  	s4 =	simm.s32 $0x1BF5;
	[smem:$0x3FB0] =	sst s0  }
0x18: {  	s0 =	sld [smem:$0x3F93];
	_ =	swait.ge [sflag:s4], $0x0  }
0x19: {  	s7 =	sld [smem:$0x3F94]  }
0x1a: {  	s8 =	sadd.s32 $0xFFFFE003, lr  }
0x1b: {  	s9 =	sadd.s32 $0xFFFFFEF7, lr;
	s5 =	simm.s32 $0xFFFFFFFF;
	p2 =	slt.u32 s8, $0xFFFFF086  }
0x1c: {  	p1 =	slt.u32 s9, $0xF7A;
	s5 =	simm.s32 @!p2 $0x0  }
0x1d: {  	s5 =	simm.s32 @p1 $0x1;
	p0 =	seq.s32 s7, s2  }
0x1e: {  	s7 =	smul.u32 @!p0 $0xF7A, s2;
	p2 =	seq.s32 @!p0 s5, $0x0  }
0x1f: {  	s9 =	smul.u32 $0xF7A, s1;
	s8 =	simm.s32 @!p0 $0x1BF5;
	p2 =	por !p2, p0  }
0x20: {  	[sflag:s8] =	ssyncset.s32 @!p0 $0xFFFFF086;
	s6 =	sadd.s32 @!p0 s3, s7;
	s7 =	simm.s32 @!p0 $0x108  }
0x21: {  	s3 =	sadd.s32 s3, s9;
	s6 =	sadd.s32 @!p0 $0x88, s6;
	s7 =	simm.s32 @p2 $0x1082  }
0x22: {  	[simem:s7], [sflag:s8] =	dma.local @!p0 [hbm:s6], $0xF7A  }
0x23: {  	s9 =	sor.u32 $0xD0000000, s2;
	s6 =	simm.s32 $0x108;
	_ =	swait.ge @!p0 [sflag:s8], $0x0  }
0x24: {  	s3 =	sadd.s32 $0x88, s3;
	s6 =	simm.s32 @!p1 $0x1082;
	[sflag:s4] =	ssyncset.s32 $0xFFFFF086  }
0x25: {  	[simem:s6], [sflag:s4] =	dma.local [hbm:s3], $0xF7A  }
0x26: {  	[smem:$0x3F94] =	sst s1;
	(tag) =	ssettag s2;
	_ =	strace s9  }
0x27: {  	s1 =	sld [smem:$0x3FA4]  }
0x28: {  	s2 =	sld [smem:$0x3FA5]  }
0x29: {  	s4 =	sld [smem:$0x3FA7]  }
0x2a: {  	p0 =	seq.s32 s5, $0x0;
	s5 =	sld [smem:$0x3FA8]  }
0x2b: {  	s6 =	sld [smem:$0x3FA9]  }
0x2c: {  	s7 =	sld [smem:$0x3FAA]  }
0x2d: {  	s3 =	simm.s32 $0x108;
	s8 =	sld [smem:$0x3FAB]  }
0x2e: {  	s3 =	simm.s32 @!p0 $0x1082;
	s9 =	sld [smem:$0x3FAC]  }
0x2f: {  	lr =	sadd.s32 s0, s3;
	s0 =	sld [smem:$0x3FA3]  }
0x30: {  	s3 =	sld [smem:$0x3FA6]  }
0x31: {  	[smem:$0x3FAF] =	sst s10  }
0x32: {  	s10 =	sld [smem:$0x3FAD];
	_ =	sdelay $0x3  }
0x33: {  	p0 =	seq.s32 s10, $0x1;
	s10 =	sld [smem:$0x3FAF];
	_ =	sdelay $0x3  }
0x34: {  	[smem:$0x3FAF] =	sst s10  }
0x35: {  	s10 =	sld [smem:$0x3FAE];
	_ =	sdelay $0x3  }
0x36: {  	p1 =	seq.s32 s10, $0x1;
	s10 =	sld [smem:$0x3FAF];
	_ =	sdelay $0x3  }
0x37: {  	[smem:$0x3FAF] =	sst s10  }
0x38: {  	s10 =	sld [smem:$0x3FB0]  }
0x39: {  	_ = 	snop;
	(pc) =	sbr.ind lr, $3  }
0x3a: {  	_ = 	snop  }
0x3b: {  	_ = 	snop  }
0x3c: {  	p2 =	seq.s32 s10, $0x1;
	s10 =	sld [smem:$0x3FAF]  }
0x3d: {  	_ =	shalt  }
0x3e: {  	_ =	shalt  }
0x3f: {  	_ =	shalt  }
0x40: {  	_ =	shalt  }
0x41: {  	_ =	shalt  }
0x42: {  	_ =	shalt  }
0x43: {  	_ =	shalt  }
0x44: {  	_ =	shalt  }
0x45: {  	_ =	shalt  }
0x46: {  	_ =	shalt  }
0x47: {  	_ =	shalt  }
0x48: {  	_ =	shalt  }
0x49: {  	_ =	shalt  }
0x4a: {  	_ =	shalt  }
0x4b: {  	_ =	shalt  }
0x4c: {  	_ =	shalt  }
0x4d: {  	_ =	shalt  }
0x4e: {  	_ =	shalt  }
0x4f: {  	_ =	shalt  }
0x50: {  	_ =	shalt  }
0x51: {  	_ =	shalt  }
0x52: {  	_ =	shalt  }
0x53: {  	_ =	shalt  }
0x54: {  	_ =	shalt  }
0x55: {  	_ =	shalt  }
0x56: {  	_ =	shalt  }
0x57: {  	_ =	shalt  }
0x58: {  	_ =	shalt  }
0x59: {  	_ =	shalt  }
0x5a: {  	_ =	shalt  }
0x5b: {  	_ =	shalt  }
0x5c: {  	_ =	shalt  }
0x5d: {  	_ =	shalt  }
0x5e: {  	_ =	shalt  }
0x5f: {  	_ =	shalt  }
0x60: {  	_ =	shalt  }
0x61: {  	_ =	shalt  }
0x62: {  	_ =	shalt  }
0x63: {  	_ =	shalt  }
0x64: {  	_ =	shalt  }
0x65: {  	_ =	shalt  }
0x66: {  	_ =	shalt  }
0x67: {  	_ =	shalt  }
0x68: {  	_ =	shalt  }
0x69: {  	_ =	shalt  }
0x6a: {  	_ =	shalt  }
0x6b: {  	_ =	shalt  }
0x6c: {  	_ =	shalt  }
0x6d: {  	_ =	shalt  }
0x6e: {  	_ =	shalt  }
0x6f: {  	_ =	shalt  }
0x70: {  	_ =	shalt  }
0x71: {  	_ =	shalt  }
0x72: {  	_ =	shalt  }
0x73: {  	_ =	shalt  }
0x74: {  	_ =	shalt  }
0x75: {  	_ =	shalt  }
0x76: {  	_ =	shalt  }
0x77: {  	_ =	shalt  }
0x78: {  	_ =	shalt  }
0x79: {  	_ =	shalt  }
0x7a: {  	_ =	shalt  }
0x7b: {  	_ =	shalt  }
0x7c: {  	_ =	shalt  }
0x7d: {  	_ =	shalt  }
0x7e: {  	_ =	shalt  }
0x7f: {  	_ =	shalt  }
0x80: {  	_ =	shalt  }
0x81: {  	_ =	shalt  }
0x82: {  	_ =	shalt  }
0x83: {  	_ =	shalt  }
0x84: {  	_ =	shalt  }
0x85: {  	_ =	shalt  }
0x86: {  	_ =	shalt  }
0x87: {  	_ =	shalt  }
.Lfunc_end0:
.L_simem_size_0:
called_computation.3_lowered:
.L_overlay_start_0:
0x88: {  	s2 =	sld [smem:$0x3FD9]  }
0x89: {  	s3 =	sld [smem:$0x3FFE];
	_ =	sdelay $0x1  }
0x8a: {  	s1 =	srdreg.scid  }
0x8b: {  	s0 =	sand.u32 $0x1, s1  }
0x8c: {  	s17 =	sshll.u32 s0, $0xA;
	s2 =	sadd.s32 s3, s2  }
0x8d: {  	s2 =	sadd.s32 s2, s17  }
0x8e: {  	[smem:$0x3FBB] =	sst s2  }
0x8f: {  	_ = 	snop  }
0x90: {  	s2 =	sld [smem:$0x3FD0];
	(tm) =	ssettm $0x1  }
0x91: {  	s18 =	sld [smem:$0x3FFB];
	_ =	sdelay $0x3  }
0x92: {  	_ =	strace s18  }
0x93: {  	s3 =	sld [smem:$0x3FFC];
	_ =	sdelay $0x3  }
0x94: {  	_ =	strace s3  }
0x95: {  	s3 =	sld [smem:$0x3FFD];
	_ =	sdelay $0x3  }
0x96: {  	_ =	strace s3  }
0x97: {  	_ =	strace $0x8FFFFFFF  }
0x98: {  	s19 =	sld [smem:$0x3FDB];
	_ =	sdelay $0x1  }
0x99: {  	s4 =	simm.s32 $_scs_section_size  }
0x9a: {  	s5 =	simm.s32 $_size__tile_overlayer_lowered;
	s6 =	simm.s32 $_tile_overlayer_lowered  }
0x9b: {  	s22 =	simm.s32 $0x1BFF;
	s21 =	sshll.u32 s6, $0x1;
	s3 =	sadd.s32 s4, s19  }
0x9c: {  	s7 =	simm.s32 $0x0;
	s20 =	sshll.u32 s5, $0x1;
	s5 =	sadd.s32 s21, s3  }
0x9d: {  	[timem:s7], [sflag:s22] =	dma.local [hbm:s5], s20  }
0x9e: {  	_ =	swait.ge [sflag:s22], s20  }
0x9f: {  	s4 =	ssub.s32 $0x0, s20;
	[sflag:s22] =	ssyncset.done $0x0  }
0xa0: {  	[sflag:s22] =	ssyncadd.s32 s4;
	_ =	sdelay $0x1  }
0xa1: {  	s23 =	simm.s32 $0x1B8B  }
0xa2: {  	_ =	swait.ge [sflag:s23], $0x1  }
0xa3: {  	[sflag:s23] =	ssyncset.done $0x0  }
0xa4: {  	s25 =	simm.s32 $0x1B8E;
	s24 =	sld [smem:$0x3FFE];
	[sflag:s23] =	ssyncadd.s32 $0xFFFFFFFF  }
0xa5: {  	s26 =	simm.s32 $execute0_lowered;
	[smem:$0x3FD2] =	sst s25  }
0xa6: {  	s5 =	sshll.u32 s26, $0x1;
	_ =	strace $0x8000004F;
	[dreg:$0x1] =	wrdreg $0xFFFFFFFF  }
0xa7: {  	s28 =	simm.s32 $_size_execute0_lowered;
	s3 =	sadd.s32 s3, s5;
	[dreg:$0x0] =	wrdreg $0x0  }
0xa8: {  	s5 =	sshll.u32 s28, $0x1;
	[dreg:$0x2] =	wrdreg s3  }
0xa9: {  	[dreg:$0x3] =	wrdreg s5  }
0xaa: {  	[dreg:$0x4] =	wrdreg $0xC0  }
0xab: {  	_ =	task [dreg:s7], $0x5FFFF  }
0xac: {  	[dreg:$0x1] =	wrdreg $0xFFFFFFFF  }
0xad: {  	[dreg:$0x0] =	wrdreg $0x60  }
0xae: {  	[dreg:$0x2] =	wrdreg s24  }
0xaf: {  	[dreg:$0x3] =	wrdreg s2  }
0xb0: {  	[dreg:$0x4] =	wrdreg $0xC3000  }
0xb1: {  	[dreg:$0x5] =	wrdreg $0x9  }
0xb2: {  	_ =	task.clear_ibuf [dreg:s7], $0x6FFFF;
	_ =	strace $0x9000004F  }
0xb3: {  	s29 =	simm.s32 $0x9;
	_ =	strace $0x80000051  }
0xb4: {  	_ =	swait.ge [sflag:s29], $0x1  }
0xb5: {  	[sflag:s29] =	ssyncadd.s32 $0xFFFFFFFF  }
0xb6: {  	_ =	strace $0x90000051  }
0xb7: {  	_ =	sfence  }
0xb8: {  	s30 =	sld [smem:$0x0];
	_ =	sdelay $0x2  }
0xb9: {  	s31 =	sshll.u32 s1, $0xD;
	s1 =	sshrl.u32 s1, $0x2  }
0xba: {  	s3 =	sand.u32 $0x4000, s31;
	s1 =	sadd.s32 s1, s30  }
0xbb: {  	s0 =	sor.u32 s3, s0;
	s1 =	sshll.u32 s1, $0x11  }
0xbc: {  	s0 =	sor.u32 s1, s0  }
0xbd: {  	s0 =	sadd.s32 $0x8F2B, s0  }
0xbe: {  	[sflag:s0] =	ssyncadd.remote.s32 $0x1  }
0xbf: {  	_ =	sfence.sel $0xFFFF  }
0xc0: {  	[dreg:$0x0] =	wrdreg $0xFFFFFFFF;
	(pc) =	sbr.abs _section_cstart, $3  }
0xc1: {  	[dreg:$0x1] =	wrdreg $0xFFFFFFFF  }
0xc2: {  	_ =	task.clear_ibuf [dreg:s7], $0x2FFFF;
	_ =	strace $0x9FFFFFFF  }
0xc3: {  	(tm) =	ssettm $0x7FFFFFFF  }
tec
execute0_lowered:
.L_overlay_start_1:
0x0: {  	(tag) =	ssettag $0x1  }
0x1: {  	s0 =	rddreg [dreg:$0x0]  }
0x2: {  	s2 =	rddreg [dreg:$0x1];
	s12 =	stileid.u32  }
0x3: {  	s1 =	srdreg.scid;
	s3 =	rddreg [dreg:$0x2];
	s4 =	simm.s32 $0x0  }
0x4: {  	s16 =	simm.s32 $0x3;
	s18 =	simm.s32 $0x80;
	s5 =	smul.u32 $0x13C00, s12  }
0x5: {  	s19 =	simm.s32 $0x2;
	s20 =	simm.s32 $0x0;
	s8 =	smul.u32 $0x96, s12  }
0x6: {  	s1 =	sand.u32 $0x1, s1;
	[smem:$0x7FF] =	sst s4;
	s11 =	smul.u32 $0x4F000, s12  }
0x7: {  	s10 =	sshll.u32 s12, $0x3;
	s28 =	sshll.u32 s12, $0x6;
	s6 =	smul.u32 $0x13C000, s1  }
0x8: {  	_ =	strace $0x80000050;
	s24 =	ssub.s32 $0x2, s1;
	p0 =	seq.s32 s1, $0x0  }
0x9: {  	s1 =	sadd.s32 $0x960, s10;
	s7 =	sshrl.u32 s5, $0x3;
	s9 =	sshrl.u32 s24, $0x1  }
0xa: {  	s1 =	smov.u32 @p0 s8;
	s25 =	sshrl.u32 s11, $0x2;
	s6 =	sadd.s32 s5, s6  }
0xb: {  	s5 =	sadd.s32 $0x3600, s0;
	s7 =	sadd.s32 s7, s0;
	s13 =	ssub.s32 s24, s9  }
0xc: {  	s14 =	sadd.s32 s25, s3;
	s26 =	sshll.u32 s1, $0x5;
	s9 =	sor.u32 $0x1C03, s28  }
0xd: {  	s1 =	sshll.u32 s1, $0x8;
	s6 =	sshrl.u32 s6, $0x3;
	s7 =	sadd.s32 $0x2AE00, s7  }
0xe: {  	s8 =	sadd.s32 s2, s26;
	s13 =	smax.u32 s13, $0x1;
	s0 =	sadd.s32 s6, s0  }
0xf: {  	s6 =	simm.s32 $0x96;
	[dreg:$0x5] =	wrdreg s7;
	s29 =	sadd.s32 $0x20, s8  }
0x10: {  	s31 =	sadd.s32 $0x40, s8;
	s6 =	simm.s32 @!p0 $0x8;
	[dreg:$0x6] =	wrdreg s29  }
0x11: {  	s15 =	sshrl.u32 s14, $0x3;
	[dreg:$0x7] =	wrdreg s31;
	s30 =	sadd.s32 $0xFFFFFFFD, s6  }
0x12: {  	s12 =	sadd.s32 $0x52600, s0;
	s0 =	sadd.s32 $0x300, s1;
	[dreg:$0x4] =	wrdreg s30  }
.LBB2_1:
0x13: {  	s1 =	rddreg [dreg:$0x5]  }
0x14: {  	[spmem:s15], [sflag:s9] =	dma.local [hbm:s1], $0x2780  }
0x15: {  	_ =	swait.ge [sflag:s16], $0x2780  }
0x16: {  	[sflag:s16] =	ssyncset.done $0x0  }
0x17: {  	[sflag:s16] =	ssyncadd.s32 $0xFFFFD880  }
0x18: {  	[bflag:$0x0] =	sbarrier.arrive $0xFFFF  }
0x19: {  	[tilespmem:s4], [sflag:$0x3] =	stream.linear.gather [hbm4b:s8+s4], $0x100, $0x38;
	[tilespmem:$0x1FF00] =	vst v63  }
0x1a: {  	_ =	swait.ge [sflag:s16], $0x100  }
0x1b: {  	s23 =	simm.s32 $0x100;
	[sflag:s16] =	ssyncset.done $0x0  }
0x1c: {  	p1 =	sne.s32 s6, $0x1;
	s29 =	rddreg [dreg:$0x6];
	[sflag:s16] =	ssyncadd.s32 $0xFFFFFF00  }
0x1d: {  	[tilespmem:s23], [sflag:$0x1] =	stream.linear.gather [hbm4b:s29+s4], $0x100, $0x38;
	[tilespmem:$0x1FF00] =	vst v63  }
.Ltmp0:
0x1e: {  	s7 =	simm.s32 $0x200;
	s22 =	simm.s32 $0x300;
	(pc) =	sbr.rel @!p1 .LBB2_2-.Ltmp0, $4  }
0x1f: {  	s24 =	simm.s32 $0x4300;
	s31 =	simm.s32 $0x1;
	s30 =	rddreg [dreg:$0x7]  }
0x20: {  	[tilespmem:s7], [sflag:$0x1] =	stream.linear.gather [hbm4b:s30+s4], $0x100, $0x38;
	[tilespmem:$0x1FF00] =	vst v63  }
0x21: {  	s21 =	simm.s32 $0x1;
	p0 =	por $0x0, $0x0;
	s1 =	smulhi.u32 $0xAAAAAAAB, s31  }
0x22: {  	[tilespmem:s22], [sflag:$0x2] =	stream.indirect.gather [hbm4b:s5+s18], $0x80, s4, s18, $0xb8;
	[tilespmem:$0x1FF00] =	vst v63  }
0x23: {  	s14 =	smulhi.u32 $0xAAAAAAAB, s4  }
0x24: {  	s1 =	sshrl.u32 s1, $0x1;
	p0 =	sle.u32 s6, $0x1;
	s31 =	simm.s32 $0x2  }
0x25: {  	p2 =	sne.s32 s6, $0x2;
	s26 =	simm.s32 $0x100;
	s29 =	simm.s32 $0x2  }
0x26: {  	s30 =	simm.s32 $0x2;
	s22 =	smul.u32 $0xFFFFF400, s1;
	s23 =	simm.s32 @!p0 $0x1  }
0x27: {  	s1 =	smul.u32 $0xFFFD0000, s1;
	s14 =	sshrl.u32 s14, $0x1;
	_ =	swait.ge @!p0 [sflag:s23], $0x100  }
0x28: {  	s22 =	sshra.s32 s22, $0x2;
	s24 =	smul.u32 $0xFFFFF400, s14;
	[sflag:s23] =	ssyncset.done @!p0 $0x0  }
0x29: {  	s1 =	sshra.s32 s1, $0x2;
	s14 =	smul.u32 $0xFFFD0000, s14;
	s22 =	sadd.s32 $0x100, s22  }
0x2a: {  	s1 =	sadd.s32 $0x4300, s1;
	[sflag:s23] =	ssyncadd.s32 @!p0 $0xFFFFFF00;
	s23 =	simm.s32 @!p0 $0x80  }
0x2b: {  	[tilespmem:s1], [sflag:$0x2] =	stream.indirect.gather @!p0 [hbm4b:s5+s23], $0x80, s22, s23, $0xb8;
	[tilespmem:$0x1FF00] =	vst v63  }
0x2c: {  	s22 =	sshra.s32 s24, $0x2;
	s14 =	sshra.s32 s14, $0x2;
	s1 =	smulhi.u32 $0xAAAAAAAB, s29  }
0x2d: {  	p0 =	por $0x1, $0x1;
	_ =	swait.ge [sflag:s19], $0x4000;
	s28 =	sadd.s32 $0x0, s22  }
0x2e: {  	s23 =	sadd.s32 $0x300, s14;
	s22 =	simm.s32 $0x4300;
	[sflag:s19] =	ssyncset.done $0x0  }
.Ltmp1:
0x2f: {  	s24 =	sadd.s32 $0x80, s28;
	[sflag:s19] =	ssyncadd.s32 $0xFFFFC000;
	(pc) =	sbr.rel @!p2 .LBB2_4-.Ltmp1, $4  }
0x30: {  	[spmem:s3] =	stream.indirect.scatter.add.f32 [tilespmem:s23], [sflag:$0x3], $0x80, s24, s18, $0xb8;
	[tilespmem:$0x1FF00] =	vst v63  }
0x31: {  	s14 =	smov.u32 s0;
	s24 =	simm.s32 $0x8300;
	_ =	swait.ge [sflag:s16], $0x4000  }
0x32: {  	s23 =	simm.s32 $0x200;
	[sflag:s16] =	ssyncset.done $0x0;
	s25 =	rddreg [dreg:$0x4]  }
0x33: {  	[sflag:s16] =	ssyncadd.s32 $0xFFFFC000;
	p1 =	sle.u32 s25, $0x0;
	s25 =	sadd.s32 $0x100, s0  }
.LBB2_5:
0x34: {  	s17 =	smulhi.u32 $0xAAAAAAAB, s21;
	s7 =	simm.s32 @!p1 $0x0  }
0x35: {  	s10 =	smov.u32 s21;
	s14 =	sshrl.u32 @!p1 s14, $0x3;
	s1 =	sshrl.u32 s1, $0x1  }
0x36: {  	p2 =	sge.u32 s31, s6;
	s14 =	sadd.s32 @!p1 s2, s14;
	s31 =	smul.u32 $0xFFFFF400, s1  }
0x37: {  	[tilespmem:s28], [sflag:$0x1] =	stream.linear.gather @!p1 [hbm4b:s14+s7], $0x100, $0x38;
	[tilespmem:$0x1FF00] =	vst v63  }
0x38: {  	s21 =	smov.u32 s30;
	s1 =	smul.u32 $0xFFFD0000, s1;
	s7 =	sshrl.u32 s17, $0x1  }
0x39: {  	s30 =	sadd.s32 $0x1, s30;
	s11 =	simm.s32 @!p2 $0x1;
	s17 =	smul.u32 $0xFFFFF400, s7  }
0x3a: {  	s29 =	sadd.s32 $0x1, s29;
	_ =	swait.ge @!p2 [sflag:s11], $0x100;
	s7 =	smul.u32 $0xFFFD0000, s7  }
0x3b: {  	s14 =	sshra.s32 s31, $0x2;
	[sflag:s11] =	ssyncset.done @!p2 $0x0;
	s1 =	sshra.s32 s1, $0x2  }
0x3c: {  	s31 =	smov.u32 s30;
	s14 =	sadd.s32 s14, s23;
	s1 =	sadd.s32 s1, s24  }
0x3d: {  	[sflag:s11] =	ssyncadd.s32 @!p2 $0xFFFFFF00;
	s11 =	simm.s32 @!p2 $0x80;
	s17 =	sshra.s32 s17, $0x2  }
0x3e: {  	s7 =	sshra.s32 s7, $0x2;
	s24 =	sadd.s32 $0x4000, s24;
	s23 =	sadd.s32 $0x100, s23  }
0x3f: {  	[tilespmem:s1], [sflag:$0x2] =	stream.indirect.gather @!p2 [hbm4b:s5+s11], $0x80, s14, s11, $0xb8;
	[tilespmem:$0x1FF00] =	vst v63  }
0x40: {  	p2 =	sne.s32 s6, s30;
	s28 =	sadd.s32 s17, s26;
	_ =	swait.ge [sflag:s19], $0x4000  }
0x41: {  	s11 =	sadd.s32 s7, s22;
	s26 =	sadd.s32 $0x100, s26;
	[sflag:s19] =	ssyncset.done $0x0  }
.Ltmp2:
0x42: {  	s14 =	sadd.s32 $0x80, s28;
	[sflag:s19] =	ssyncadd.s32 $0xFFFFC000;
	(pc) =	sbr.rel @p2 .LBB2_5-.Ltmp2, $4  }
0x43: {  	[spmem:s3] =	stream.indirect.scatter.add.f32 [tilespmem:s11], [sflag:$0x3], $0x80, s14, s18, $0xb8;
	[tilespmem:$0x1FF00] =	vst v63  }
0x44: {  	s22 =	sadd.s32 $0x4000, s22;
	s1 =	smulhi.u32 $0xAAAAAAAB, s29;
	_ =	swait.ge [sflag:s16], $0x4000  }
0x45: {  	s14 =	smov.u32 s25;
	[sflag:s16] =	ssyncset.done $0x0;
	s17 =	rddreg [dreg:$0x4]  }
0x46: {  	s25 =	sadd.s32 $0x100, s25;
	[sflag:s16] =	ssyncadd.s32 $0xFFFFC000;
	p1 =	sge.u32 s10, s17  }
0x47: {  	s29 =	smov.u32 s21;
	s21 =	smov.u32 s31  }
.LBB2_7:
0x48: {  	p1 =	por p1, !p0;
	s7 =	smulhi.u32 $0xAAAAAAAB, s29;
	s1 =	sshrl.u32 s1, $0x1  }
0x49: {  	p0 =	sge.u32 s21, s6;
	s11 =	sshrl.u32 @!p1 s14, $0x3;
	s31 =	smul.u32 $0xFFFFF400, s1  }
0x4a: {  	s10 =	simm.s32 @!p1 $0x0;
	s1 =	smul.u32 $0xFFFD0000, s1;
	s11 =	sadd.s32 @!p1 s2, s11  }
0x4b: {  	[tilespmem:s28], [sflag:$0x1] =	stream.linear.gather @!p1 [hbm4b:s11+s10], $0x100, $0x38;
	[tilespmem:$0x1FF00] =	vst v63  }
0x4c: {  	s17 =	simm.s32 @!p0 $0x1;
	s7 =	sshrl.u32 s7, $0x1;
	s14 =	sshra.s32 s31, $0x2  }
0x4d: {  	s21 =	smul.u32 $0xFFFFF400, s7;
	s1 =	sshra.s32 s1, $0x2;
	_ =	swait.ge @!p0 [sflag:s17], $0x100  }
0x4e: {  	s7 =	smul.u32 $0xFFFD0000, s7;
	s10 =	sadd.s32 s14, s23;
	[sflag:s17] =	ssyncset.done @!p0 $0x0  }
0x4f: {  	s1 =	sadd.s32 s1, s24;
	s14 =	simm.s32 @!p0 $0x80;
	[sflag:s17] =	ssyncadd.s32 @!p0 $0xFFFFFF00  }
0x50: {  	[tilespmem:s1], [sflag:$0x2] =	stream.indirect.gather @!p0 [hbm4b:s5+s14], $0x80, s10, s14, $0xb8;
	[tilespmem:$0x1FF00] =	vst v63  }
0x51: {  	s28 =	sshra.s32 s21, $0x2;
	_ =	swait.ge [sflag:s19], $0x4000  }
0x52: {  	s7 =	sshra.s32 s7, $0x2;
	s1 =	sadd.s32 s28, s26;
	[sflag:s19] =	ssyncset.done $0x0  }
0x53: {  	s7 =	sadd.s32 s7, s22;
	s30 =	sadd.s32 $0x80, s1;
	[sflag:s19] =	ssyncadd.s32 $0xFFFFC000  }
0x54: {  	[spmem:s3] =	stream.indirect.scatter.add.f32 [tilespmem:s7], [sflag:$0x3], $0x80, s30, s18, $0xb8;
	[tilespmem:$0x1FF00] =	vst v63  }
0x55: {  	_ =	swait.ge [sflag:s16], $0x4000  }
0x56: {  	s31 =	rddreg [dreg:$0x4]  }
0x57: {  	p0 =	sge.u32 s29, s31  }
0x58: {  	s20 =	sadd.s32 $0x1, s20;
	[sflag:s16] =	ssyncset.done $0x0;
	s7 =	sshrl.u32 @!p0 s25, $0x3  }
0x59: {  	[sflag:s16] =	ssyncadd.s32 $0xFFFFC000;
	s10 =	simm.s32 @!p0 $0x0;
	s7 =	sadd.s32 @!p0 s2, s7  }
0x5a: {  	[tilespmem:s1], [sflag:$0x1] =	stream.linear.gather @!p0 [hbm4b:s7+s10], $0x100, $0x38;
	[tilespmem:$0x1FF00] =	vst v63  }
0x5b: {  	p0 =	sne.s32 s20, s13;
	[bflag:$0x0] =	sbarrier.arrive $0xFFFF  }
0x5c: {  	[hbm:s12], [sflag:s9] =	dma.local [spmem:s15], $0x2780  }
.Ltmp3:
0x5d: {  	_ = 	snop;
	(pc) =	sbr.rel @p0 .LBB2_1-.Ltmp3, $4  }
.Ltmp4:
0x5e: {  	_ = 	snop;
	(pc) =	sbr.rel @!p0 .LBB2_8-.Ltmp4, $4  }
0x5f: {  	_ =	swait.ge [sflag:s16], $0x2780  }
0x60: {  	[sflag:s16] =	ssyncset.done $0x0  }
0x61: {  	[sflag:s16] =	ssyncadd.s32 $0xFFFFD880  }
0x62: {  	_ = 	snop  }
.LBB2_2:
.Ltmp5:
0x63: {  	(pc) =	sbr.rel .LBB2_7-.Ltmp5, $2  }
0x64: {  	_ =	sdelay $0x2  }
0x65: {  	s29 =	simm.s32 $0x0;
	s26 =	simm.s32 $0x0;
	s25 =	smov.u32 s0  }
.LBB2_4:
.Ltmp6:
0x66: {  	(pc) =	sbr.rel .LBB2_7-.Ltmp6, $2  }
0x67: {  	_ =	sdelay $0x2  }
0x68: {  	s29 =	simm.s32 $0x1;
	s21 =	simm.s32 $0x2;
	s14 =	smov.u32 s0  }
.LBB2_8:
0x69: {  	_ =	sfence.sel $0x180000  }
0x6a: {  	[bflag:$0x0] =	sbarrier.arrive $0xFFFF  }
0x6b: {  	_ =	strace $0x90000050  }
0x6c: {  	s0 =	stileid.u32;
	[bflag:$0x2] =	sbarrier.arrive $0xFFFF  }
0x6d: {  	p0 =	sne.s32 s0, $0x0;
	s0 =	rddreg [dreg:$0x3]  }
0x6e: {  	s0 =	sadd.s32 @!p0 $0x100000, s0  }
0x6f: {  	[sflag:s0] =	ssyncadd.tile.s32 @!p0 $0x1;
	_ =	shalt  }
.Lfunc_end2:
_tile_overlayer_lowered:
.L_overlay_start_2:
0x70: {  	(tag) =	ssettag $0x2  }
0x71: {  	s0 =	rddreg [dreg:$0x0];
	s2 =	stileid.u32  }
0x72: {  	s1 =	rddreg [dreg:$0x1];
	p0 =	sne.s32 s2, $0x0  }
0x73: {  	s3 =	rddreg [dreg:$0x2];
	[bflag:$0x3] =	sbarrier.arrive $0xFFFF;
	s2 =	simm.s32 @!p0 $0x1C03  }
0x74: {  	[timem:s3], [sflag:s2] =	dma.local @!p0 [hbm:s0], s1  }
0x75: {  	s0 =	simm.s32 @!p0 $0x3  }
0x76: {  	_ =	swait.ge @!p0 [sflag:s0], s1  }
0x77: {  	s1 =	ssub.s32 @!p0 $0x0, s1;
	[sflag:s0] =	ssyncset.done @!p0 $0x0  }
0x78: {  	[sflag:s0] =	ssyncadd.s32 @!p0 s1  }
0x79: {  	[bflag:$0x3] =	sbarrier.arrive $0xFFFF  }
0x7a: {  	_ =	shalt  }

</sc_bundles>
